<compile_context>
chip_gen: v7x
topology: tpu7x:2x2x1
jax: 0.10.2.dev20260603
libtpu: 0.0.44.dev20260713+nightly
codegen_flags: <defaults>
</compile_context>

<pallas_src>
import functools

import jax
import jax.numpy as jnp
from jax import lax
from jax.experimental import pallas as pl
from jax.experimental.pallas import tpu as pltpu
from jax.experimental.pallas import tpu_sc as plsc

VOCAB = 100000
DIM = 128
B = 4096
C_POS = 20
C_NEG = 100
C = C_POS + C_NEG
C_PAD = 128

NC = 2
NS = 16
NW = NC * NS
BPW = B // NW
LANES = 16
NG = C_PAD // LANES


NBUF = 4


def _sc_dots_body(emb1_hbm, emb2_hbm, in_idx_hbm, pos_idx_hbm, neg_idx_hbm,
                  dots_hbm,
                  in_idx_v, pos_idx_v, neg_idx_v, in_rows, rows_bufs, dots_v,
                  sem_in, sems_p, sems_n):
    sid = lax.axis_index("s")
    wid = sid * NC + lax.axis_index("c")
    base = wid * BPW

    pltpu.sync_copy(pos_idx_hbm.at[pl.ds(base, BPW)], pos_idx_v)
    pltpu.sync_copy(neg_idx_hbm.at[pl.ds(base, BPW)], neg_idx_v)

    row_idx = [jnp.minimum(lax.iota(jnp.int32, LANES) + g * LANES, C - 1)
               for g in range(NG)]

    lane = lax.iota(jnp.int32, LANES)

    def compute(j, rows_ref):
        jvec = jnp.full((LANES,), j, jnp.int32)

        def sbody(s, accs):
            col = (lane + s) & (DIM - 1)
            in_vec = plsc.load_gather(in_rows, [jvec, col])
            return tuple(
                accs[g]
                + plsc.load_gather(rows_ref, [row_idx[g], col]) * in_vec
                for g in range(NG)
            )

        accs = lax.fori_loop(
            0, DIM, sbody,
            tuple(jnp.zeros((LANES,), jnp.float32) for _ in range(NG)),
            unroll=4)
        for g in range(NG):
            dots_v[j, pl.ds(g * LANES, LANES)] = accs[g]

    def start(j, b):
        pltpu.async_copy(emb2_hbm.at[pos_idx_v.at[j]],
                         rows_bufs.at[b, pl.ds(0, C_POS)], sems_p.at[b])
        pltpu.async_copy(emb2_hbm.at[neg_idx_v.at[j]],
                         rows_bufs.at[b, pl.ds(C_POS, C_NEG)], sems_n.at[b])

    def wait(j, b):
        pltpu.make_async_copy(emb2_hbm.at[pos_idx_v.at[j]],
                              rows_bufs.at[b, pl.ds(0, C_POS)],
                              sems_p.at[b]).wait()
        pltpu.make_async_copy(emb2_hbm.at[neg_idx_v.at[j]],
                              rows_bufs.at[b, pl.ds(C_POS, C_NEG)],
                              sems_n.at[b]).wait()

    for b in range(NBUF - 1):
        start(b, b)

    pltpu.sync_copy(in_idx_hbm.at[pl.ds(base, BPW)], in_idx_v)
    pltpu.async_copy(emb1_hbm.at[in_idx_v], in_rows, sem_in).wait()

    def jbody(j, _):
        for b in range(NBUF):
            jj = j + b
            wait(jj, b)

            @pl.when(jj + NBUF - 1 < BPW)
            def _():
                start(jj + NBUF - 1, (b + NBUF - 1) % NBUF)

            compute(jj, rows_bufs.at[b])
        return 0

    lax.fori_loop(0, BPW // NBUF, lambda i, c: jbody(i * NBUF, c), 0)

    pltpu.sync_copy(dots_v, dots_hbm.at[pl.ds(base, BPW)])


@jax.jit
def _sc_dots(emb1, emb2, in_idx, pos_idx, neg_idx):
    mesh = plsc.VectorSubcoreMesh(core_axis_name="c", subcore_axis_name="s")
    return pl.kernel(
        _sc_dots_body,
        out_type=jax.ShapeDtypeStruct((B, C_PAD), jnp.float32),
        mesh=mesh,
        compiler_params=pltpu.CompilerParams(needs_layout_passes=False),
        scratch_types=[
            pltpu.VMEM((BPW,), jnp.int32),
            pltpu.VMEM((BPW, C_POS), jnp.int32),
            pltpu.VMEM((BPW, C_NEG), jnp.int32),
            pltpu.VMEM((BPW, DIM), jnp.float32),
            pltpu.VMEM((NBUF, C, DIM), jnp.float32),
            pltpu.VMEM((BPW, C_PAD), jnp.float32),
            pltpu.SemaphoreType.DMA,
            pltpu.SemaphoreType.DMA((NBUF,)),
            pltpu.SemaphoreType.DMA((NBUF,)),
        ],
    )(emb1, emb2, in_idx, pos_idx, neg_idx)


def _tc_loss_body(dots_ref, out_ref):
    x = dots_ref[...]
    col = lax.broadcasted_iota(jnp.int32, (B, C_PAD), 1)
    z = jnp.where(col < C_POS, x, -x)
    ls = jnp.minimum(z, 0.0) - jnp.log1p(jnp.exp(-jnp.abs(z)))
    total = jnp.sum(jnp.where(col < C_POS + C_NEG, ls, 0.0))
    out_ref[...] = jnp.reshape(-total / B, (1, 1))


@jax.jit
def _tc_loss(dots):
    out = pl.pallas_call(
        _tc_loss_body,
        out_shape=jax.ShapeDtypeStruct((1, 1), jnp.float32),
    )(dots)
    return out[0, 0]


def kernel(emb1, emb2, input_lables, pos_labels, neg_labels):
    dots = _sc_dots(emb1, emb2, input_lables.astype(jnp.int32),
                    pos_labels.astype(jnp.int32),
                    neg_labels.astype(jnp.int32))
    return _tc_loss(dots)

# --- scband reference (transcript-rebuilt; emitter-appended) ---
"""Pipeline reference for scband-model-66889820668631 (READ-ONLY COPY).

The authoritative reference and input builder live on the scoring server;
editing this copy changes nothing except your own understanding.
"""

import jax, jax.numpy as jnp
import numpy as np

VOCAB = 100000
DIM = 128
B = 4096
C_POS = 20
C_NEG = 100

def setup_inputs(seed: int = 0) -> dict:
    key = jax.random.key(seed)
    k1, k2, k3, k4, k5 = jax.random.split(key, 5)
    input_lables = jax.random.randint(k1, (B,), 0, VOCAB, dtype=jnp.int64)
    pos_labels = jax.random.randint(k2, (B, C_POS), 0, VOCAB, dtype=jnp.int64)
    neg_labels = jax.random.randint(k3, (B, C_NEG), 0, VOCAB, dtype=jnp.int64)
    emb1 = jax.random.normal(k4, (VOCAB, DIM), dtype=jnp.float32)
    emb2 = jax.random.normal(k5, (VOCAB, DIM), dtype=jnp.float32)
    return {"emb1": emb1, "emb2": emb2, "input_lables": input_lables, "pos_labels": pos_labels, "neg_labels": neg_labels}

def reference(emb1, emb2, input_lables, pos_labels, neg_labels):
    # embedding lookups (gather)
    input_embedding = jnp.take(emb1, input_lables, axis=0)      # [B, D]
    pos_embedding = jnp.take(emb2, pos_labels, axis=0)          # [B, C_POS, D]
    neg_embedding = jnp.take(emb2, neg_labels, axis=0)          # [B, C_NEG, D]
    # bmm(pos_embedding, input_embedding.unsqueeze(2)).squeeze(2)
    pos_dot = jnp.einsum('bcd,bd->bc', pos_embedding, input_embedding)
    neg_dot = jnp.einsum('bcd,bd->bc', neg_embedding, input_embedding)
    log_pos = jax.nn.log_sigmoid(pos_dot).sum(axis=1)
    log_neg = jax.nn.log_sigmoid(-1.0 * neg_dot).sum(axis=1)
    return -(log_pos + log_neg).mean()

if __name__ == "__main__":
    import jax
    _d = setup_inputs()
    print(jax.jit(kernel)(*tuple(_d.values())))

</pallas_src>

<mosaic_0001>
#map = affine_map<(d0, d1) -> (0, 0)>
#map1 = affine_map<(d0, d1) -> (0)>
module attributes {stable_mosaic.version = 14 : i64} {
  func.func @_sc_dots_body(%arg0: i32, %arg1: i32, %arg2: memref<100000x128xf32, #tpu.memory_space<hbm>>, %arg3: memref<100000x128xf32, #tpu.memory_space<hbm>>, %arg4: memref<4096xi32, #tpu.memory_space<hbm>>, %arg5: memref<4096x20xi32, #tpu.memory_space<hbm>>, %arg6: memref<4096x100xi32, #tpu.memory_space<hbm>>, %arg7: memref<4096x128xf32, #tpu.memory_space<hbm>>, %arg8: memref<128xi32, #tpu.memory_space<vmem>>, %arg9: memref<128x20xi32, #tpu.memory_space<vmem>>, %arg10: memref<128x100xi32, #tpu.memory_space<vmem>>, %arg11: memref<128x128xf32, #tpu.memory_space<vmem>>, %arg12: memref<4x120x128xf32, #tpu.memory_space<vmem>>, %arg13: memref<128x128xf32, #tpu.memory_space<vmem>>, %arg14: memref<!tpu.dma_semaphore, #tpu.memory_space<semaphore_mem>>, %arg15: memref<4x!tpu.dma_semaphore, #tpu.memory_space<semaphore_mem>>, %arg16: memref<4x!tpu.dma_semaphore, #tpu.memory_space<semaphore_mem>>) attributes {dimension_semantics = [#tpu.dimension_semantics<core_parallel>, #tpu.dimension_semantics<subcore_parallel>], iteration_bounds = array<i64: 2, 16>, scalar_prefetch = 0 : i64, scratch_operands = 9 : i64, tpu.core_type = #tpu.core_type<sc_vector_subcore>, window_params = [{transform_indices = #map}, {transform_indices = #map}, {transform_indices = #map1}, {transform_indices = #map}, {transform_indices = #map}, {transform_indices = #map}]} {
    %mul3A = arith.constant 2 : i32
    %mul3A_0 = arith.muli %arg1, %mul3A : i32
    %add3A = arith.addi %mul3A_0, %arg0 : i32
    %mul3A_1 = arith.constant 128 : i32
    %mul3A_2 = arith.muli %add3A, %mul3A_1 : i32
    "tpu.region"() ({
      %run_scoped3A = tpu.sem_alloc : memref<!tpu.dma_semaphore, #tpu.memory_space<semaphore_mem>>
      %dma_start3A_158 = arith.constant 0 : i32
      %dma_start3A_159 = tpu.memref_slice %arg5[%mul3A_2, %dma_start3A_158] : memref<4096x20xi32, #tpu.memory_space<hbm>> -> memref<128x20xi32, #tpu.memory_space<hbm>>
      %dma_start3A_160 = arith.constant 0 : i32
      %dma_start3A_161 = tpu.memref_slice %arg5[%mul3A_2, %dma_start3A_160] : memref<4096x20xi32, #tpu.memory_space<hbm>> -> memref<128x20xi32, #tpu.memory_space<hbm>>
      tpu.enqueue_dma source(%dma_start3A_161 : memref<128x20xi32, #tpu.memory_space<hbm>>) target(%arg9 : memref<128x20xi32, #tpu.memory_space<vmem>>) target_semaphore(%run_scoped3A : memref<!tpu.dma_semaphore, #tpu.memory_space<semaphore_mem>>)
      %dma_wait3A_162 = arith.constant 0 : i32
      %dma_wait3A_163 = tpu.memref_slice %arg5[%mul3A_2, %dma_wait3A_162] : memref<4096x20xi32, #tpu.memory_space<hbm>> -> memref<128x20xi32, #tpu.memory_space<hbm>>
      %dma_wait3A_164 = arith.constant 0 : i32
      %dma_wait3A_165 = tpu.memref_slice %arg5[%mul3A_2, %dma_wait3A_164] : memref<4096x20xi32, #tpu.memory_space<hbm>> -> memref<128x20xi32, #tpu.memory_space<hbm>>
      tpu.wait_dma2 semaphore(%run_scoped3A : memref<!tpu.dma_semaphore, #tpu.memory_space<semaphore_mem>>) src(%dma_wait3A_165 : memref<128x20xi32, #tpu.memory_space<hbm>>) dst(%arg9 : memref<128x20xi32, #tpu.memory_space<vmem>>)
      tpu.yield
    }) : () -> ()
    "tpu.region"() ({
      %run_scoped3A = tpu.sem_alloc : memref<!tpu.dma_semaphore, #tpu.memory_space<semaphore_mem>>
      %dma_start3A_158 = arith.constant 0 : i32
      %dma_start3A_159 = tpu.memref_slice %arg6[%mul3A_2, %dma_start3A_158] : memref<4096x100xi32, #tpu.memory_space<hbm>> -> memref<128x100xi32, #tpu.memory_space<hbm>>
      %dma_start3A_160 = arith.constant 0 : i32
      %dma_start3A_161 = tpu.memref_slice %arg6[%mul3A_2, %dma_start3A_160] : memref<4096x100xi32, #tpu.memory_space<hbm>> -> memref<128x100xi32, #tpu.memory_space<hbm>>
      tpu.enqueue_dma source(%dma_start3A_161 : memref<128x100xi32, #tpu.memory_space<hbm>>) target(%arg10 : memref<128x100xi32, #tpu.memory_space<vmem>>) target_semaphore(%run_scoped3A : memref<!tpu.dma_semaphore, #tpu.memory_space<semaphore_mem>>)
      %dma_wait3A_162 = arith.constant 0 : i32
      %dma_wait3A_163 = tpu.memref_slice %arg6[%mul3A_2, %dma_wait3A_162] : memref<4096x100xi32, #tpu.memory_space<hbm>> -> memref<128x100xi32, #tpu.memory_space<hbm>>
      %dma_wait3A_164 = arith.constant 0 : i32
      %dma_wait3A_165 = tpu.memref_slice %arg6[%mul3A_2, %dma_wait3A_164] : memref<4096x100xi32, #tpu.memory_space<hbm>> -> memref<128x100xi32, #tpu.memory_space<hbm>>
      tpu.wait_dma2 semaphore(%run_scoped3A : memref<!tpu.dma_semaphore, #tpu.memory_space<semaphore_mem>>) src(%dma_wait3A_165 : memref<128x100xi32, #tpu.memory_space<hbm>>) dst(%arg10 : memref<128x100xi32, #tpu.memory_space<vmem>>)
      tpu.yield
    }) : () -> ()
    %iota3A = tpu.iota {dimensions = array<i32: 0>} : vector<16xi32>
    %add3A_3 = arith.constant 0 : i32
    %add3A_4 = vector.broadcast %add3A_3 : i32 to vector<16xi32>
    %add3A_5 = arith.addi %iota3A, %add3A_4 : vector<16xi32>
    %min3A = arith.constant 119 : i32
    %min3A_6 = vector.broadcast %min3A : i32 to vector<16xi32>
    %min3A_7 = arith.minsi %add3A_5, %min3A_6 : vector<16xi32>
    %iota3A_8 = tpu.iota {dimensions = array<i32: 0>} : vector<16xi32>
    %add3A_9 = arith.constant 16 : i32
    %add3A_10 = vector.broadcast %add3A_9 : i32 to vector<16xi32>
    %add3A_11 = arith.addi %iota3A_8, %add3A_10 : vector<16xi32>
    %min3A_12 = arith.constant 119 : i32
    %min3A_13 = vector.broadcast %min3A_12 : i32 to vector<16xi32>
    %min3A_14 = arith.minsi %add3A_11, %min3A_13 : vector<16xi32>
    %iota3A_15 = tpu.iota {dimensions = array<i32: 0>} : vector<16xi32>
    %add3A_16 = arith.constant 32 : i32
    %add3A_17 = vector.broadcast %add3A_16 : i32 to vector<16xi32>
    %add3A_18 = arith.addi %iota3A_15, %add3A_17 : vector<16xi32>
    %min3A_19 = arith.constant 119 : i32
    %min3A_20 = vector.broadcast %min3A_19 : i32 to vector<16xi32>
    %min3A_21 = arith.minsi %add3A_18, %min3A_20 : vector<16xi32>
    %iota3A_22 = tpu.iota {dimensions = array<i32: 0>} : vector<16xi32>
    %add3A_23 = arith.constant 48 : i32
    %add3A_24 = vector.broadcast %add3A_23 : i32 to vector<16xi32>
    %add3A_25 = arith.addi %iota3A_22, %add3A_24 : vector<16xi32>
    %min3A_26 = arith.constant 119 : i32
    %min3A_27 = vector.broadcast %min3A_26 : i32 to vector<16xi32>
    %min3A_28 = arith.minsi %add3A_25, %min3A_27 : vector<16xi32>
    %iota3A_29 = tpu.iota {dimensions = array<i32: 0>} : vector<16xi32>
    %add3A_30 = arith.constant 64 : i32
    %add3A_31 = vector.broadcast %add3A_30 : i32 to vector<16xi32>
    %add3A_32 = arith.addi %iota3A_29, %add3A_31 : vector<16xi32>
    %min3A_33 = arith.constant 119 : i32
    %min3A_34 = vector.broadcast %min3A_33 : i32 to vector<16xi32>
    %min3A_35 = arith.minsi %add3A_32, %min3A_34 : vector<16xi32>
    %iota3A_36 = tpu.iota {dimensions = array<i32: 0>} : vector<16xi32>
    %add3A_37 = arith.constant 80 : i32
    %add3A_38 = vector.broadcast %add3A_37 : i32 to vector<16xi32>
    %add3A_39 = arith.addi %iota3A_36, %add3A_38 : vector<16xi32>
    %min3A_40 = arith.constant 119 : i32
    %min3A_41 = vector.broadcast %min3A_40 : i32 to vector<16xi32>
    %min3A_42 = arith.minsi %add3A_39, %min3A_41 : vector<16xi32>
    %iota3A_43 = tpu.iota {dimensions = array<i32: 0>} : vector<16xi32>
    %add3A_44 = arith.constant 96 : i32
    %add3A_45 = vector.broadcast %add3A_44 : i32 to vector<16xi32>
    %add3A_46 = arith.addi %iota3A_43, %add3A_45 : vector<16xi32>
    %min3A_47 = arith.constant 119 : i32
    %min3A_48 = vector.broadcast %min3A_47 : i32 to vector<16xi32>
    %min3A_49 = arith.minsi %add3A_46, %min3A_48 : vector<16xi32>
    %iota3A_50 = tpu.iota {dimensions = array<i32: 0>} : vector<16xi32>
    %add3A_51 = arith.constant 112 : i32
    %add3A_52 = vector.broadcast %add3A_51 : i32 to vector<16xi32>
    %add3A_53 = arith.addi %iota3A_50, %add3A_52 : vector<16xi32>
    %min3A_54 = arith.constant 119 : i32
    %min3A_55 = vector.broadcast %min3A_54 : i32 to vector<16xi32>
    %min3A_56 = arith.minsi %add3A_53, %min3A_55 : vector<16xi32>
    %iota3A_57 = tpu.iota {dimensions = array<i32: 0>} : vector<16xi32>
    %dma_start3A = arith.constant 0 : i32
    %dma_start3A_58 = arith.constant 0 : i32
    %dma_start3A_59 = arith.constant 0 : i32
    %dma_start3A_60 = arith.constant 0 : i32
    %dma_start3A_61 = arith.constant 0 : i32
    %dma_start3A_62 = tpu.memref_slice %arg12[%dma_start3A_58, %dma_start3A_60, %dma_start3A_61] : memref<4x120x128xf32, #tpu.memory_space<vmem>> -> memref<1x20x128xf32, #tpu.memory_space<vmem>>
    %dma_start3A_63 = tpu.memref_squeeze %dma_start3A_62 : memref<1x20x128xf32, #tpu.memory_space<vmem>> -> memref<20x128xf32, #tpu.memory_space<vmem>>
    %dma_start3A_64 = arith.constant 0 : i32
    %dma_start3A_65 = tpu.memref_slice %arg9[%dma_start3A, %dma_start3A_64] : memref<128x20xi32, #tpu.memory_space<vmem>> -> memref<1x20xi32, #tpu.memory_space<vmem>>
    %dma_start3A_66 = tpu.memref_squeeze %dma_start3A_65 : memref<1x20xi32, #tpu.memory_space<vmem>> -> memref<20xi32, #tpu.memory_space<vmem>>
    %dma_start3A_67 = arith.constant 0 : i32
    %dma_start3A_68 = arith.constant 0 : i32
    %dma_start3A_69 = tpu.memref_slice %arg3[%dma_start3A_67, %dma_start3A_68] : memref<100000x128xf32, #tpu.memory_space<hbm>> -> memref<100000x128xf32, #tpu.memory_space<hbm>>
    %dma_start3A_70 = tpu.memref_slice %arg15[%dma_start3A_59] : memref<4x!tpu.dma_semaphore, #tpu.memory_space<semaphore_mem>> -> memref<1x!tpu.dma_semaphore, #tpu.memory_space<semaphore_mem>>
    %dma_start3A_71 = tpu.memref_squeeze %dma_start3A_70 : memref<1x!tpu.dma_semaphore, #tpu.memory_space<semaphore_mem>> -> memref<!tpu.dma_semaphore, #tpu.memory_space<semaphore_mem>>
    tpu.enqueue_indirect_dma source(%dma_start3A_69 : memref<100000x128xf32, #tpu.memory_space<hbm>>) target(%dma_start3A_63 : memref<20x128xf32, #tpu.memory_space<vmem>>) offsets(%dma_start3A_66 : memref<20xi32, #tpu.memory_space<vmem>>) semaphore(%dma_start3A_71 : memref<!tpu.dma_semaphore, #tpu.memory_space<semaphore_mem>>)
    %dma_start3A_72 = arith.constant 0 : i32
    %dma_start3A_73 = arith.constant 0 : i32
    %dma_start3A_74 = arith.constant 0 : i32
    %dma_start3A_75 = arith.constant 20 : i32
    %dma_start3A_76 = arith.constant 0 : i32
    %dma_start3A_77 = tpu.memref_slice %arg12[%dma_start3A_73, %dma_start3A_75, %dma_start3A_76] : memref<4x120x128xf32, #tpu.memory_space<vmem>> -> memref<1x100x128xf32, #tpu.memory_space<vmem>>
    %dma_start3A_78 = tpu.memref_squeeze %dma_start3A_77 : memref<1x100x128xf32, #tpu.memory_space<vmem>> -> memref<100x128xf32, #tpu.memory_space<vmem>>
    %dma_start3A_79 = arith.constant 0 : i32
    %dma_start3A_80 = tpu.memref_slice %arg10[%dma_start3A_72, %dma_start3A_79] : memref<128x100xi32, #tpu.memory_space<vmem>> -> memref<1x100xi32, #tpu.memory_space<vmem>>
    %dma_start3A_81 = tpu.memref_squeeze %dma_start3A_80 : memref<1x100xi32, #tpu.memory_space<vmem>> -> memref<100xi32, #tpu.memory_space<vmem>>
    %dma_start3A_82 = arith.constant 0 : i32
    %dma_start3A_83 = arith.constant 0 : i32
    %dma_start3A_84 = tpu.memref_slice %arg3[%dma_start3A_82, %dma_start3A_83] : memref<100000x128xf32, #tpu.memory_space<hbm>> -> memref<100000x128xf32, #tpu.memory_space<hbm>>
    %dma_start3A_85 = tpu.memref_slice %arg16[%dma_start3A_74] : memref<4x!tpu.dma_semaphore, #tpu.memory_space<semaphore_mem>> -> memref<1x!tpu.dma_semaphore, #tpu.memory_space<semaphore_mem>>
    %dma_start3A_86 = tpu.memref_squeeze %dma_start3A_85 : memref<1x!tpu.dma_semaphore, #tpu.memory_space<semaphore_mem>> -> memref<!tpu.dma_semaphore, #tpu.memory_space<semaphore_mem>>
    tpu.enqueue_indirect_dma source(%dma_start3A_84 : memref<100000x128xf32, #tpu.memory_space<hbm>>) target(%dma_start3A_78 : memref<100x128xf32, #tpu.memory_space<vmem>>) offsets(%dma_start3A_81 : memref<100xi32, #tpu.memory_space<vmem>>) semaphore(%dma_start3A_86 : memref<!tpu.dma_semaphore, #tpu.memory_space<semaphore_mem>>)
    %dma_start3A_87 = arith.constant 1 : i32
    %dma_start3A_88 = arith.constant 1 : i32
    %dma_start3A_89 = arith.constant 1 : i32
    %dma_start3A_90 = arith.constant 0 : i32
    %dma_start3A_91 = arith.constant 0 : i32
    %dma_start3A_92 = tpu.memref_slice %arg12[%dma_start3A_88, %dma_start3A_90, %dma_start3A_91] : memref<4x120x128xf32, #tpu.memory_space<vmem>> -> memref<1x20x128xf32, #tpu.memory_space<vmem>>
    %dma_start3A_93 = tpu.memref_squeeze %dma_start3A_92 : memref<1x20x128xf32, #tpu.memory_space<vmem>> -> memref<20x128xf32, #tpu.memory_space<vmem>>
    %dma_start3A_94 = arith.constant 0 : i32
    %dma_start3A_95 = tpu.memref_slice %arg9[%dma_start3A_87, %dma_start3A_94] : memref<128x20xi32, #tpu.memory_space<vmem>> -> memref<1x20xi32, #tpu.memory_space<vmem>>
    %dma_start3A_96 = tpu.memref_squeeze %dma_start3A_95 : memref<1x20xi32, #tpu.memory_space<vmem>> -> memref<20xi32, #tpu.memory_space<vmem>>
    %dma_start3A_97 = arith.constant 0 : i32
    %dma_start3A_98 = arith.constant 0 : i32
    %dma_start3A_99 = tpu.memref_slice %arg3[%dma_start3A_97, %dma_start3A_98] : memref<100000x128xf32, #tpu.memory_space<hbm>> -> memref<100000x128xf32, #tpu.memory_space<hbm>>
    %dma_start3A_100 = tpu.memref_slice %arg15[%dma_start3A_89] : memref<4x!tpu.dma_semaphore, #tpu.memory_space<semaphore_mem>> -> memref<1x!tpu.dma_semaphore, #tpu.memory_space<semaphore_mem>>
    %dma_start3A_101 = tpu.memref_squeeze %dma_start3A_100 : memref<1x!tpu.dma_semaphore, #tpu.memory_space<semaphore_mem>> -> memref<!tpu.dma_semaphore, #tpu.memory_space<semaphore_mem>>
    tpu.enqueue_indirect_dma source(%dma_start3A_99 : memref<100000x128xf32, #tpu.memory_space<hbm>>) target(%dma_start3A_93 : memref<20x128xf32, #tpu.memory_space<vmem>>) offsets(%dma_start3A_96 : memref<20xi32, #tpu.memory_space<vmem>>) semaphore(%dma_start3A_101 : memref<!tpu.dma_semaphore, #tpu.memory_space<semaphore_mem>>)
    %dma_start3A_102 = arith.constant 1 : i32
    %dma_start3A_103 = arith.constant 1 : i32
    %dma_start3A_104 = arith.constant 1 : i32
    %dma_start3A_105 = arith.constant 20 : i32
    %dma_start3A_106 = arith.constant 0 : i32
    %dma_start3A_107 = tpu.memref_slice %arg12[%dma_start3A_103, %dma_start3A_105, %dma_start3A_106] : memref<4x120x128xf32, #tpu.memory_space<vmem>> -> memref<1x100x128xf32, #tpu.memory_space<vmem>>
    %dma_start3A_108 = tpu.memref_squeeze %dma_start3A_107 : memref<1x100x128xf32, #tpu.memory_space<vmem>> -> memref<100x128xf32, #tpu.memory_space<vmem>>
    %dma_start3A_109 = arith.constant 0 : i32
    %dma_start3A_110 = tpu.memref_slice %arg10[%dma_start3A_102, %dma_start3A_109] : memref<128x100xi32, #tpu.memory_space<vmem>> -> memref<1x100xi32, #tpu.memory_space<vmem>>
    %dma_start3A_111 = tpu.memref_squeeze %dma_start3A_110 : memref<1x100xi32, #tpu.memory_space<vmem>> -> memref<100xi32, #tpu.memory_space<vmem>>
    %dma_start3A_112 = arith.constant 0 : i32
    %dma_start3A_113 = arith.constant 0 : i32
    %dma_start3A_114 = tpu.memref_slice %arg3[%dma_start3A_112, %dma_start3A_113] : memref<100000x128xf32, #tpu.memory_space<hbm>> -> memref<100000x128xf32, #tpu.memory_space<hbm>>
    %dma_start3A_115 = tpu.memref_slice %arg16[%dma_start3A_104] : memref<4x!tpu.dma_semaphore, #tpu.memory_space<semaphore_mem>> -> memref<1x!tpu.dma_semaphore, #tpu.memory_space<semaphore_mem>>
    %dma_start3A_116 = tpu.memref_squeeze %dma_start3A_115 : memref<1x!tpu.dma_semaphore, #tpu.memory_space<semaphore_mem>> -> memref<!tpu.dma_semaphore, #tpu.memory_space<semaphore_mem>>
    tpu.enqueue_indirect_dma source(%dma_start3A_114 : memref<100000x128xf32, #tpu.memory_space<hbm>>) target(%dma_start3A_108 : memref<100x128xf32, #tpu.memory_space<vmem>>) offsets(%dma_start3A_111 : memref<100xi32, #tpu.memory_space<vmem>>) semaphore(%dma_start3A_116 : memref<!tpu.dma_semaphore, #tpu.memory_space<semaphore_mem>>)
    %dma_start3A_117 = arith.constant 2 : i32
    %dma_start3A_118 = arith.constant 2 : i32
    %dma_start3A_119 = arith.constant 2 : i32
    %dma_start3A_120 = arith.constant 0 : i32
    %dma_start3A_121 = arith.constant 0 : i32
    %dma_start3A_122 = tpu.memref_slice %arg12[%dma_start3A_118, %dma_start3A_120, %dma_start3A_121] : memref<4x120x128xf32, #tpu.memory_space<vmem>> -> memref<1x20x128xf32, #tpu.memory_space<vmem>>
    %dma_start3A_123 = tpu.memref_squeeze %dma_start3A_122 : memref<1x20x128xf32, #tpu.memory_space<vmem>> -> memref<20x128xf32, #tpu.memory_space<vmem>>
    %dma_start3A_124 = arith.constant 0 : i32
    %dma_start3A_125 = tpu.memref_slice %arg9[%dma_start3A_117, %dma_start3A_124] : memref<128x20xi32, #tpu.memory_space<vmem>> -> memref<1x20xi32, #tpu.memory_space<vmem>>
    %dma_start3A_126 = tpu.memref_squeeze %dma_start3A_125 : memref<1x20xi32, #tpu.memory_space<vmem>> -> memref<20xi32, #tpu.memory_space<vmem>>
    %dma_start3A_127 = arith.constant 0 : i32
    %dma_start3A_128 = arith.constant 0 : i32
    %dma_start3A_129 = tpu.memref_slice %arg3[%dma_start3A_127, %dma_start3A_128] : memref<100000x128xf32, #tpu.memory_space<hbm>> -> memref<100000x128xf32, #tpu.memory_space<hbm>>
    %dma_start3A_130 = tpu.memref_slice %arg15[%dma_start3A_119] : memref<4x!tpu.dma_semaphore, #tpu.memory_space<semaphore_mem>> -> memref<1x!tpu.dma_semaphore, #tpu.memory_space<semaphore_mem>>
    %dma_start3A_131 = tpu.memref_squeeze %dma_start3A_130 : memref<1x!tpu.dma_semaphore, #tpu.memory_space<semaphore_mem>> -> memref<!tpu.dma_semaphore, #tpu.memory_space<semaphore_mem>>
    tpu.enqueue_indirect_dma source(%dma_start3A_129 : memref<100000x128xf32, #tpu.memory_space<hbm>>) target(%dma_start3A_123 : memref<20x128xf32, #tpu.memory_space<vmem>>) offsets(%dma_start3A_126 : memref<20xi32, #tpu.memory_space<vmem>>) semaphore(%dma_start3A_131 : memref<!tpu.dma_semaphore, #tpu.memory_space<semaphore_mem>>)
    %dma_start3A_132 = arith.constant 2 : i32
    %dma_start3A_133 = arith.constant 2 : i32
    %dma_start3A_134 = arith.constant 2 : i32
    %dma_start3A_135 = arith.constant 20 : i32
    %dma_start3A_136 = arith.constant 0 : i32
    %dma_start3A_137 = tpu.memref_slice %arg12[%dma_start3A_133, %dma_start3A_135, %dma_start3A_136] : memref<4x120x128xf32, #tpu.memory_space<vmem>> -> memref<1x100x128xf32, #tpu.memory_space<vmem>>
    %dma_start3A_138 = tpu.memref_squeeze %dma_start3A_137 : memref<1x100x128xf32, #tpu.memory_space<vmem>> -> memref<100x128xf32, #tpu.memory_space<vmem>>
    %dma_start3A_139 = arith.constant 0 : i32
    %dma_start3A_140 = tpu.memref_slice %arg10[%dma_start3A_132, %dma_start3A_139] : memref<128x100xi32, #tpu.memory_space<vmem>> -> memref<1x100xi32, #tpu.memory_space<vmem>>
    %dma_start3A_141 = tpu.memref_squeeze %dma_start3A_140 : memref<1x100xi32, #tpu.memory_space<vmem>> -> memref<100xi32, #tpu.memory_space<vmem>>
    %dma_start3A_142 = arith.constant 0 : i32
    %dma_start3A_143 = arith.constant 0 : i32
    %dma_start3A_144 = tpu.memref_slice %arg3[%dma_start3A_142, %dma_start3A_143] : memref<100000x128xf32, #tpu.memory_space<hbm>> -> memref<100000x128xf32, #tpu.memory_space<hbm>>
    %dma_start3A_145 = tpu.memref_slice %arg16[%dma_start3A_134] : memref<4x!tpu.dma_semaphore, #tpu.memory_space<semaphore_mem>> -> memref<1x!tpu.dma_semaphore, #tpu.memory_space<semaphore_mem>>
    %dma_start3A_146 = tpu.memref_squeeze %dma_start3A_145 : memref<1x!tpu.dma_semaphore, #tpu.memory_space<semaphore_mem>> -> memref<!tpu.dma_semaphore, #tpu.memory_space<semaphore_mem>>
    tpu.enqueue_indirect_dma source(%dma_start3A_144 : memref<100000x128xf32, #tpu.memory_space<hbm>>) target(%dma_start3A_138 : memref<100x128xf32, #tpu.memory_space<vmem>>) offsets(%dma_start3A_141 : memref<100xi32, #tpu.memory_space<vmem>>) semaphore(%dma_start3A_146 : memref<!tpu.dma_semaphore, #tpu.memory_space<semaphore_mem>>)
    "tpu.region"() ({
      %run_scoped3A = tpu.sem_alloc : memref<!tpu.dma_semaphore, #tpu.memory_space<semaphore_mem>>
      %dma_start3A_158 = tpu.memref_slice %arg4[%mul3A_2] : memref<4096xi32, #tpu.memory_space<hbm>> -> memref<128xi32, #tpu.memory_space<hbm>>
      %dma_start3A_159 = tpu.memref_slice %arg4[%mul3A_2] : memref<4096xi32, #tpu.memory_space<hbm>> -> memref<128xi32, #tpu.memory_space<hbm>>
      tpu.enqueue_dma source(%dma_start3A_159 : memref<128xi32, #tpu.memory_space<hbm>>) target(%arg8 : memref<128xi32, #tpu.memory_space<vmem>>) target_semaphore(%run_scoped3A : memref<!tpu.dma_semaphore, #tpu.memory_space<semaphore_mem>>)
      %dma_wait3A_160 = tpu.memref_slice %arg4[%mul3A_2] : memref<4096xi32, #tpu.memory_space<hbm>> -> memref<128xi32, #tpu.memory_space<hbm>>
      %dma_wait3A_161 = tpu.memref_slice %arg4[%mul3A_2] : memref<4096xi32, #tpu.memory_space<hbm>> -> memref<128xi32, #tpu.memory_space<hbm>>
      tpu.wait_dma2 semaphore(%run_scoped3A : memref<!tpu.dma_semaphore, #tpu.memory_space<semaphore_mem>>) src(%dma_wait3A_161 : memref<128xi32, #tpu.memory_space<hbm>>) dst(%arg8 : memref<128xi32, #tpu.memory_space<vmem>>)
      tpu.yield
    }) : () -> ()
    %dma_start3A_147 = arith.constant 0 : i32
    %dma_start3A_148 = arith.constant 0 : i32
    %dma_start3A_149 = tpu.memref_slice %arg2[%dma_start3A_147, %dma_start3A_148] : memref<100000x128xf32, #tpu.memory_space<hbm>> -> memref<100000x128xf32, #tpu.memory_space<hbm>>
    tpu.enqueue_indirect_dma source(%dma_start3A_149 : memref<100000x128xf32, #tpu.memory_space<hbm>>) target(%arg11 : memref<128x128xf32, #tpu.memory_space<vmem>>) offsets(%arg8 : memref<128xi32, #tpu.memory_space<vmem>>) semaphore(%arg14 : memref<!tpu.dma_semaphore, #tpu.memory_space<semaphore_mem>>)
    %dma_wait3A = arith.constant 0 : i32
    %dma_wait3A_150 = arith.constant 0 : i32
    %dma_wait3A_151 = tpu.memref_slice %arg2[%dma_wait3A, %dma_wait3A_150] : memref<100000x128xf32, #tpu.memory_space<hbm>> -> memref<100000x128xf32, #tpu.memory_space<hbm>>
    tpu.wait_indirect_dma semaphore(%arg14 : memref<!tpu.dma_semaphore, #tpu.memory_space<semaphore_mem>>) src(%dma_wait3A_151 : memref<100000x128xf32, #tpu.memory_space<hbm>>) dst(%arg11 : memref<128x128xf32, #tpu.memory_space<vmem>>)
    %scan3A = arith.constant 0 : i32
    %scan3A_152 = arith.constant 0 : i32
    %scan3A_153 = arith.constant 32 : i32
    %scan3A_154 = arith.addi %scan3A_152, %scan3A_153 : i32
    %scan3A_155 = arith.constant 1 : i32
    %scan3A_156 = scf.for %scan3A_158 = %scan3A_152 to %scan3A_154 step %scan3A_155 iter_args(%scan3A_159 = %scan3A) -> (i32)  : i32 {
      %mul3A_160 = arith.constant 4 : i32
      %mul3A_161 = arith.muli %scan3A_158, %mul3A_160 : i32
      %add3A_162 = arith.constant 0 : i32
      %add3A_163 = arith.addi %mul3A_161, %add3A_162 : i32
      %dma_wait3A_164 = arith.constant 0 : i32
      %dma_wait3A_165 = arith.constant 0 : i32
      %dma_wait3A_166 = arith.constant 0 : i32
      %dma_wait3A_167 = arith.constant 0 : i32
      %dma_wait3A_168 = tpu.memref_slice %arg12[%dma_wait3A_164, %dma_wait3A_166, %dma_wait3A_167] : memref<4x120x128xf32, #tpu.memory_space<vmem>> -> memref<1x20x128xf32, #tpu.memory_space<vmem>>
      %dma_wait3A_169 = tpu.memref_squeeze %dma_wait3A_168 : memref<1x20x128xf32, #tpu.memory_space<vmem>> -> memref<20x128xf32, #tpu.memory_space<vmem>>
      %dma_wait3A_170 = arith.constant 0 : i32
      %dma_wait3A_171 = tpu.memref_slice %arg9[%add3A_163, %dma_wait3A_170] : memref<128x20xi32, #tpu.memory_space<vmem>> -> memref<1x20xi32, #tpu.memory_space<vmem>>
      %dma_wait3A_172 = tpu.memref_squeeze %dma_wait3A_171 : memref<1x20xi32, #tpu.memory_space<vmem>> -> memref<20xi32, #tpu.memory_space<vmem>>
      %dma_wait3A_173 = arith.constant 0 : i32
      %dma_wait3A_174 = arith.constant 0 : i32
      %dma_wait3A_175 = tpu.memref_slice %arg3[%dma_wait3A_173, %dma_wait3A_174] : memref<100000x128xf32, #tpu.memory_space<hbm>> -> memref<100000x128xf32, #tpu.memory_space<hbm>>
      %dma_wait3A_176 = tpu.memref_slice %arg15[%dma_wait3A_165] : memref<4x!tpu.dma_semaphore, #tpu.memory_space<semaphore_mem>> -> memref<1x!tpu.dma_semaphore, #tpu.memory_space<semaphore_mem>>
      %dma_wait3A_177 = tpu.memref_squeeze %dma_wait3A_176 : memref<1x!tpu.dma_semaphore, #tpu.memory_space<semaphore_mem>> -> memref<!tpu.dma_semaphore, #tpu.memory_space<semaphore_mem>>
      tpu.wait_indirect_dma semaphore(%dma_wait3A_177 : memref<!tpu.dma_semaphore, #tpu.memory_space<semaphore_mem>>) src(%dma_wait3A_175 : memref<100000x128xf32, #tpu.memory_space<hbm>>) dst(%dma_wait3A_169 : memref<20x128xf32, #tpu.memory_space<vmem>>)
      %dma_wait3A_178 = arith.constant 0 : i32
      %dma_wait3A_179 = arith.constant 0 : i32
      %dma_wait3A_180 = arith.constant 20 : i32
      %dma_wait3A_181 = arith.constant 0 : i32
      %dma_wait3A_182 = tpu.memref_slice %arg12[%dma_wait3A_178, %dma_wait3A_180, %dma_wait3A_181] : memref<4x120x128xf32, #tpu.memory_space<vmem>> -> memref<1x100x128xf32, #tpu.memory_space<vmem>>
      %dma_wait3A_183 = tpu.memref_squeeze %dma_wait3A_182 : memref<1x100x128xf32, #tpu.memory_space<vmem>> -> memref<100x128xf32, #tpu.memory_space<vmem>>
      %dma_wait3A_184 = arith.constant 0 : i32
      %dma_wait3A_185 = tpu.memref_slice %arg10[%add3A_163, %dma_wait3A_184] : memref<128x100xi32, #tpu.memory_space<vmem>> -> memref<1x100xi32, #tpu.memory_space<vmem>>
      %dma_wait3A_186 = tpu.memref_squeeze %dma_wait3A_185 : memref<1x100xi32, #tpu.memory_space<vmem>> -> memref<100xi32, #tpu.memory_space<vmem>>
      %dma_wait3A_187 = arith.constant 0 : i32
      %dma_wait3A_188 = arith.constant 0 : i32
      %dma_wait3A_189 = tpu.memref_slice %arg3[%dma_wait3A_187, %dma_wait3A_188] : memref<100000x128xf32, #tpu.memory_space<hbm>> -> memref<100000x128xf32, #tpu.memory_space<hbm>>
      %dma_wait3A_190 = tpu.memref_slice %arg16[%dma_wait3A_179] : memref<4x!tpu.dma_semaphore, #tpu.memory_space<semaphore_mem>> -> memref<1x!tpu.dma_semaphore, #tpu.memory_space<semaphore_mem>>
      %dma_wait3A_191 = tpu.memref_squeeze %dma_wait3A_190 : memref<1x!tpu.dma_semaphore, #tpu.memory_space<semaphore_mem>> -> memref<!tpu.dma_semaphore, #tpu.memory_space<semaphore_mem>>
      tpu.wait_indirect_dma semaphore(%dma_wait3A_191 : memref<!tpu.dma_semaphore, #tpu.memory_space<semaphore_mem>>) src(%dma_wait3A_189 : memref<100000x128xf32, #tpu.memory_space<hbm>>) dst(%dma_wait3A_183 : memref<100x128xf32, #tpu.memory_space<vmem>>)
      %add3A_192 = arith.constant 4 : i32
      %add3A_193 = arith.addi %add3A_163, %add3A_192 : i32
      %sub3A = arith.constant 1 : i32
      %sub3A_194 = arith.subi %add3A_193, %sub3A : i32
      %lt3A = arith.constant 128 : i32
      %lt3A_195 = arith.cmpi slt, %sub3A_194, %lt3A : i32
      %convert_element_type3A = arith.extui %lt3A_195 : i1 to i32
      %cond3A = arith.constant 0 : i32
      %cond3A_196 = arith.cmpi ne, %convert_element_type3A, %cond3A : i32
      scf.if %cond3A_196 {
        %add3A_505 = arith.constant 4 : i32
        %add3A_506 = arith.addi %add3A_163, %add3A_505 : i32
        %sub3A_507 = arith.constant 1 : i32
        %sub3A_508 = arith.subi %add3A_506, %sub3A_507 : i32
        %dma_start3A_509 = arith.constant 3 : i32
        %dma_start3A_510 = arith.constant 3 : i32
        %dma_start3A_511 = arith.constant 0 : i32
        %dma_start3A_512 = arith.constant 0 : i32
        %dma_start3A_513 = tpu.memref_slice %arg12[%dma_start3A_509, %dma_start3A_511, %dma_start3A_512] : memref<4x120x128xf32, #tpu.memory_space<vmem>> -> memref<1x20x128xf32, #tpu.memory_space<vmem>>
        %dma_start3A_514 = tpu.memref_squeeze %dma_start3A_513 : memref<1x20x128xf32, #tpu.memory_space<vmem>> -> memref<20x128xf32, #tpu.memory_space<vmem>>
        %dma_start3A_515 = arith.constant 0 : i32
        %dma_start3A_516 = tpu.memref_slice %arg9[%sub3A_508, %dma_start3A_515] : memref<128x20xi32, #tpu.memory_space<vmem>> -> memref<1x20xi32, #tpu.memory_space<vmem>>
        %dma_start3A_517 = tpu.memref_squeeze %dma_start3A_516 : memref<1x20xi32, #tpu.memory_space<vmem>> -> memref<20xi32, #tpu.memory_space<vmem>>
        %dma_start3A_518 = arith.constant 0 : i32
        %dma_start3A_519 = arith.constant 0 : i32
        %dma_start3A_520 = tpu.memref_slice %arg3[%dma_start3A_518, %dma_start3A_519] : memref<100000x128xf32, #tpu.memory_space<hbm>> -> memref<100000x128xf32, #tpu.memory_space<hbm>>
        %dma_start3A_521 = tpu.memref_slice %arg15[%dma_start3A_510] : memref<4x!tpu.dma_semaphore, #tpu.memory_space<semaphore_mem>> -> memref<1x!tpu.dma_semaphore, #tpu.memory_space<semaphore_mem>>
        %dma_start3A_522 = tpu.memref_squeeze %dma_start3A_521 : memref<1x!tpu.dma_semaphore, #tpu.memory_space<semaphore_mem>> -> memref<!tpu.dma_semaphore, #tpu.memory_space<semaphore_mem>>
        tpu.enqueue_indirect_dma source(%dma_start3A_520 : memref<100000x128xf32, #tpu.memory_space<hbm>>) target(%dma_start3A_514 : memref<20x128xf32, #tpu.memory_space<vmem>>) offsets(%dma_start3A_517 : memref<20xi32, #tpu.memory_space<vmem>>) semaphore(%dma_start3A_522 : memref<!tpu.dma_semaphore, #tpu.memory_space<semaphore_mem>>)
        %dma_start3A_523 = arith.constant 3 : i32
        %dma_start3A_524 = arith.constant 3 : i32
        %dma_start3A_525 = arith.constant 20 : i32
        %dma_start3A_526 = arith.constant 0 : i32
        %dma_start3A_527 = tpu.memref_slice %arg12[%dma_start3A_523, %dma_start3A_525, %dma_start3A_526] : memref<4x120x128xf32, #tpu.memory_space<vmem>> -> memref<1x100x128xf32, #tpu.memory_space<vmem>>
        %dma_start3A_528 = tpu.memref_squeeze %dma_start3A_527 : memref<1x100x128xf32, #tpu.memory_space<vmem>> -> memref<100x128xf32, #tpu.memory_space<vmem>>
        %dma_start3A_529 = arith.constant 0 : i32
        %dma_start3A_530 = tpu.memref_slice %arg10[%sub3A_508, %dma_start3A_529] : memref<128x100xi32, #tpu.memory_space<vmem>> -> memref<1x100xi32, #tpu.memory_space<vmem>>
        %dma_start3A_531 = tpu.memref_squeeze %dma_start3A_530 : memref<1x100xi32, #tpu.memory_space<vmem>> -> memref<100xi32, #tpu.memory_space<vmem>>
        %dma_start3A_532 = arith.constant 0 : i32
        %dma_start3A_533 = arith.constant 0 : i32
        %dma_start3A_534 = tpu.memref_slice %arg3[%dma_start3A_532, %dma_start3A_533] : memref<100000x128xf32, #tpu.memory_space<hbm>> -> memref<100000x128xf32, #tpu.memory_space<hbm>>
        %dma_start3A_535 = tpu.memref_slice %arg16[%dma_start3A_524] : memref<4x!tpu.dma_semaphore, #tpu.memory_space<semaphore_mem>> -> memref<1x!tpu.dma_semaphore, #tpu.memory_space<semaphore_mem>>
        %dma_start3A_536 = tpu.memref_squeeze %dma_start3A_535 : memref<1x!tpu.dma_semaphore, #tpu.memory_space<semaphore_mem>> -> memref<!tpu.dma_semaphore, #tpu.memory_space<semaphore_mem>>
        tpu.enqueue_indirect_dma source(%dma_start3A_534 : memref<100000x128xf32, #tpu.memory_space<hbm>>) target(%dma_start3A_528 : memref<100x128xf32, #tpu.memory_space<vmem>>) offsets(%dma_start3A_531 : memref<100xi32, #tpu.memory_space<vmem>>) semaphore(%dma_start3A_536 : memref<!tpu.dma_semaphore, #tpu.memory_space<semaphore_mem>>)
      } else {
      }
      %broadcast_in_dim3A = vector.broadcast %add3A_163 : i32 to vector<16xi32>
      %broadcast_in_dim3A_197 = arith.constant 0.000000e+00 : f32
      %broadcast_in_dim3A_198 = vector.broadcast %broadcast_in_dim3A_197 : f32 to vector<16xf32>
      %broadcast_in_dim3A_199 = arith.constant 0.000000e+00 : f32
      %broadcast_in_dim3A_200 = vector.broadcast %broadcast_in_dim3A_199 : f32 to vector<16xf32>
      %broadcast_in_dim3A_201 = arith.constant 0.000000e+00 : f32
      %broadcast_in_dim3A_202 = vector.broadcast %broadcast_in_dim3A_201 : f32 to vector<16xf32>
      %broadcast_in_dim3A_203 = arith.constant 0.000000e+00 : f32
      %broadcast_in_dim3A_204 = vector.broadcast %broadcast_in_dim3A_203 : f32 to vector<16xf32>
      %broadcast_in_dim3A_205 = arith.constant 0.000000e+00 : f32
      %broadcast_in_dim3A_206 = vector.broadcast %broadcast_in_dim3A_205 : f32 to vector<16xf32>
      %broadcast_in_dim3A_207 = arith.constant 0.000000e+00 : f32
      %broadcast_in_dim3A_208 = vector.broadcast %broadcast_in_dim3A_207 : f32 to vector<16xf32>
      %broadcast_in_dim3A_209 = arith.constant 0.000000e+00 : f32
      %broadcast_in_dim3A_210 = vector.broadcast %broadcast_in_dim3A_209 : f32 to vector<16xf32>
      %broadcast_in_dim3A_211 = arith.constant 0.000000e+00 : f32
      %broadcast_in_dim3A_212 = vector.broadcast %broadcast_in_dim3A_211 : f32 to vector<16xf32>
      %scan3A_213 = arith.constant 0 : i32
      %scan3A_214 = arith.constant 0 : i32
      %scan3A_215 = arith.constant 128 : i32
      %scan3A_216 = arith.addi %scan3A_214, %scan3A_215 : i32
      %scan3A_217 = arith.constant 4 : i32
      %scan3A_218:8 = scf.for %scan3A_505 = %scan3A_214 to %scan3A_216 step %scan3A_217 iter_args(%scan3A_506 = %broadcast_in_dim3A_198, %scan3A_507 = %broadcast_in_dim3A_200, %scan3A_508 = %broadcast_in_dim3A_202, %scan3A_509 = %broadcast_in_dim3A_204, %scan3A_510 = %broadcast_in_dim3A_206, %scan3A_511 = %broadcast_in_dim3A_208, %scan3A_512 = %broadcast_in_dim3A_210, %scan3A_513 = %broadcast_in_dim3A_212) -> (vector<16xf32>, vector<16xf32>, vector<16xf32>, vector<16xf32>, vector<16xf32>, vector<16xf32>, vector<16xf32>, vector<16xf32>)  : i32 {
        %add3A_514 = vector.broadcast %scan3A_505 : i32 to vector<16xi32>
        %add3A_515 = arith.addi %iota3A_57, %add3A_514 : vector<16xi32>
        %and3A = arith.constant 127 : i32
        %and3A_516 = vector.broadcast %and3A : i32 to vector<16xi32>
        %and3A_517 = arith.andi %add3A_515, %and3A_516 : vector<16xi32>
        %gather3A = tpu.vector_load_idx %arg11[%broadcast_in_dim3A, %and3A_517] : memref<128x128xf32, #tpu.memory_space<vmem>>[vector<16xi32>, vector<16xi32>], vector<16xf32>,
        %gather3A_518 = arith.constant 0 : i32
        %gather3A_519 = arith.constant 0 : i32
        %gather3A_520 = tpu.memref_slice %arg12[%scan3A_213, %gather3A_518, %gather3A_519] : memref<4x120x128xf32, #tpu.memory_space<vmem>> -> memref<1x120x128xf32, #tpu.memory_space<vmem>>
        %gather3A_521 = tpu.memref_squeeze %gather3A_520 : memref<1x120x128xf32, #tpu.memory_space<vmem>> -> memref<120x128xf32, #tpu.memory_space<vmem>>
        %gather3A_522 = tpu.vector_load_idx %gather3A_521[%min3A_7, %and3A_517] : memref<120x128xf32, #tpu.memory_space<vmem>>[vector<16xi32>, vector<16xi32>], vector<16xf32>,
        %mul3A_523 = arith.mulf %gather3A_522, %gather3A : vector<16xf32>
        %add3A_524 = arith.addf %scan3A_506, %mul3A_523 : vector<16xf32>
        %gather3A_525 = arith.constant 0 : i32
        %gather3A_526 = arith.constant 0 : i32
        %gather3A_527 = tpu.memref_slice %arg12[%scan3A_213, %gather3A_525, %gather3A_526] : memref<4x120x128xf32, #tpu.memory_space<vmem>> -> memref<1x120x128xf32, #tpu.memory_space<vmem>>
        %gather3A_528 = tpu.memref_squeeze %gather3A_527 : memref<1x120x128xf32, #tpu.memory_space<vmem>> -> memref<120x128xf32, #tpu.memory_space<vmem>>
        %gather3A_529 = tpu.vector_load_idx %gather3A_528[%min3A_14, %and3A_517] : memref<120x128xf32, #tpu.memory_space<vmem>>[vector<16xi32>, vector<16xi32>], vector<16xf32>,
        %mul3A_530 = arith.mulf %gather3A_529, %gather3A : vector<16xf32>
        %add3A_531 = arith.addf %scan3A_507, %mul3A_530 : vector<16xf32>
        %gather3A_532 = arith.constant 0 : i32
        %gather3A_533 = arith.constant 0 : i32
        %gather3A_534 = tpu.memref_slice %arg12[%scan3A_213, %gather3A_532, %gather3A_533] : memref<4x120x128xf32, #tpu.memory_space<vmem>> -> memref<1x120x128xf32, #tpu.memory_space<vmem>>
        %gather3A_535 = tpu.memref_squeeze %gather3A_534 : memref<1x120x128xf32, #tpu.memory_space<vmem>> -> memref<120x128xf32, #tpu.memory_space<vmem>>
        %gather3A_536 = tpu.vector_load_idx %gather3A_535[%min3A_21, %and3A_517] : memref<120x128xf32, #tpu.memory_space<vmem>>[vector<16xi32>, vector<16xi32>], vector<16xf32>,
        %mul3A_537 = arith.mulf %gather3A_536, %gather3A : vector<16xf32>
        %add3A_538 = arith.addf %scan3A_508, %mul3A_537 : vector<16xf32>
        %gather3A_539 = arith.constant 0 : i32
        %gather3A_540 = arith.constant 0 : i32
        %gather3A_541 = tpu.memref_slice %arg12[%scan3A_213, %gather3A_539, %gather3A_540] : memref<4x120x128xf32, #tpu.memory_space<vmem>> -> memref<1x120x128xf32, #tpu.memory_space<vmem>>
        %gather3A_542 = tpu.memref_squeeze %gather3A_541 : memref<1x120x128xf32, #tpu.memory_space<vmem>> -> memref<120x128xf32, #tpu.memory_space<vmem>>
        %gather3A_543 = tpu.vector_load_idx %gather3A_542[%min3A_28, %and3A_517] : memref<120x128xf32, #tpu.memory_space<vmem>>[vector<16xi32>, vector<16xi32>], vector<16xf32>,
        %mul3A_544 = arith.mulf %gather3A_543, %gather3A : vector<16xf32>
        %add3A_545 = arith.addf %scan3A_509, %mul3A_544 : vector<16xf32>
        %gather3A_546 = arith.constant 0 : i32
        %gather3A_547 = arith.constant 0 : i32
        %gather3A_548 = tpu.memref_slice %arg12[%scan3A_213, %gather3A_546, %gather3A_547] : memref<4x120x128xf32, #tpu.memory_space<vmem>> -> memref<1x120x128xf32, #tpu.memory_space<vmem>>
        %gather3A_549 = tpu.memref_squeeze %gather3A_548 : memref<1x120x128xf32, #tpu.memory_space<vmem>> -> memref<120x128xf32, #tpu.memory_space<vmem>>
        %gather3A_550 = tpu.vector_load_idx %gather3A_549[%min3A_35, %and3A_517] : memref<120x128xf32, #tpu.memory_space<vmem>>[vector<16xi32>, vector<16xi32>], vector<16xf32>,
        %mul3A_551 = arith.mulf %gather3A_550, %gather3A : vector<16xf32>
        %add3A_552 = arith.addf %scan3A_510, %mul3A_551 : vector<16xf32>
        %gather3A_553 = arith.constant 0 : i32
        %gather3A_554 = arith.constant 0 : i32
        %gather3A_555 = tpu.memref_slice %arg12[%scan3A_213, %gather3A_553, %gather3A_554] : memref<4x120x128xf32, #tpu.memory_space<vmem>> -> memref<1x120x128xf32, #tpu.memory_space<vmem>>
        %gather3A_556 = tpu.memref_squeeze %gather3A_555 : memref<1x120x128xf32, #tpu.memory_space<vmem>> -> memref<120x128xf32, #tpu.memory_space<vmem>>
        %gather3A_557 = tpu.vector_load_idx %gather3A_556[%min3A_42, %and3A_517] : memref<120x128xf32, #tpu.memory_space<vmem>>[vector<16xi32>, vector<16xi32>], vector<16xf32>,
        %mul3A_558 = arith.mulf %gather3A_557, %gather3A : vector<16xf32>
        %add3A_559 = arith.addf %scan3A_511, %mul3A_558 : vector<16xf32>
        %gather3A_560 = arith.constant 0 : i32
        %gather3A_561 = arith.constant 0 : i32
        %gather3A_562 = tpu.memref_slice %arg12[%scan3A_213, %gather3A_560, %gather3A_561] : memref<4x120x128xf32, #tpu.memory_space<vmem>> -> memref<1x120x128xf32, #tpu.memory_space<vmem>>
        %gather3A_563 = tpu.memref_squeeze %gather3A_562 : memref<1x120x128xf32, #tpu.memory_space<vmem>> -> memref<120x128xf32, #tpu.memory_space<vmem>>
        %gather3A_564 = tpu.vector_load_idx %gather3A_563[%min3A_49, %and3A_517] : memref<120x128xf32, #tpu.memory_space<vmem>>[vector<16xi32>, vector<16xi32>], vector<16xf32>,
        %mul3A_565 = arith.mulf %gather3A_564, %gather3A : vector<16xf32>
        %add3A_566 = arith.addf %scan3A_512, %mul3A_565 : vector<16xf32>
        %gather3A_567 = arith.constant 0 : i32
        %gather3A_568 = arith.constant 0 : i32
        %gather3A_569 = tpu.memref_slice %arg12[%scan3A_213, %gather3A_567, %gather3A_568] : memref<4x120x128xf32, #tpu.memory_space<vmem>> -> memref<1x120x128xf32, #tpu.memory_space<vmem>>
        %gather3A_570 = tpu.memref_squeeze %gather3A_569 : memref<1x120x128xf32, #tpu.memory_space<vmem>> -> memref<120x128xf32, #tpu.memory_space<vmem>>
        %gather3A_571 = tpu.vector_load_idx %gather3A_570[%min3A_56, %and3A_517] : memref<120x128xf32, #tpu.memory_space<vmem>>[vector<16xi32>, vector<16xi32>], vector<16xf32>,
        %mul3A_572 = arith.mulf %gather3A_571, %gather3A : vector<16xf32>
        %add3A_573 = arith.addf %scan3A_513, %mul3A_572 : vector<16xf32>
        %scan3A_574 = arith.constant 1 : i32
        %scan3A_575 = arith.addi %scan3A_505, %scan3A_574 : i32
        %add3A_576 = vector.broadcast %scan3A_575 : i32 to vector<16xi32>
        %add3A_577 = arith.addi %iota3A_57, %add3A_576 : vector<16xi32>
        %and3A_578 = arith.constant 127 : i32
        %and3A_579 = vector.broadcast %and3A_578 : i32 to vector<16xi32>
        %and3A_580 = arith.andi %add3A_577, %and3A_579 : vector<16xi32>
        %gather3A_581 = tpu.vector_load_idx %arg11[%broadcast_in_dim3A, %and3A_580] : memref<128x128xf32, #tpu.memory_space<vmem>>[vector<16xi32>, vector<16xi32>], vector<16xf32>,
        %gather3A_582 = arith.constant 0 : i32
        %gather3A_583 = arith.constant 0 : i32
        %gather3A_584 = tpu.memref_slice %arg12[%scan3A_213, %gather3A_582, %gather3A_583] : memref<4x120x128xf32, #tpu.memory_space<vmem>> -> memref<1x120x128xf32, #tpu.memory_space<vmem>>
        %gather3A_585 = tpu.memref_squeeze %gather3A_584 : memref<1x120x128xf32, #tpu.memory_space<vmem>> -> memref<120x128xf32, #tpu.memory_space<vmem>>
        %gather3A_586 = tpu.vector_load_idx %gather3A_585[%min3A_7, %and3A_580] : memref<120x128xf32, #tpu.memory_space<vmem>>[vector<16xi32>, vector<16xi32>], vector<16xf32>,
        %mul3A_587 = arith.mulf %gather3A_586, %gather3A_581 : vector<16xf32>
        %add3A_588 = arith.addf %add3A_524, %mul3A_587 : vector<16xf32>
        %gather3A_589 = arith.constant 0 : i32
        %gather3A_590 = arith.constant 0 : i32
        %gather3A_591 = tpu.memref_slice %arg12[%scan3A_213, %gather3A_589, %gather3A_590] : memref<4x120x128xf32, #tpu.memory_space<vmem>> -> memref<1x120x128xf32, #tpu.memory_space<vmem>>
        %gather3A_592 = tpu.memref_squeeze %gather3A_591 : memref<1x120x128xf32, #tpu.memory_space<vmem>> -> memref<120x128xf32, #tpu.memory_space<vmem>>
        %gather3A_593 = tpu.vector_load_idx %gather3A_592[%min3A_14, %and3A_580] : memref<120x128xf32, #tpu.memory_space<vmem>>[vector<16xi32>, vector<16xi32>], vector<16xf32>,
        %mul3A_594 = arith.mulf %gather3A_593, %gather3A_581 : vector<16xf32>
        %add3A_595 = arith.addf %add3A_531, %mul3A_594 : vector<16xf32>
        %gather3A_596 = arith.constant 0 : i32
        %gather3A_597 = arith.constant 0 : i32
        %gather3A_598 = tpu.memref_slice %arg12[%scan3A_213, %gather3A_596, %gather3A_597] : memref<4x120x128xf32, #tpu.memory_space<vmem>> -> memref<1x120x128xf32, #tpu.memory_space<vmem>>
        %gather3A_599 = tpu.memref_squeeze %gather3A_598 : memref<1x120x128xf32, #tpu.memory_space<vmem>> -> memref<120x128xf32, #tpu.memory_space<vmem>>
        %gather3A_600 = tpu.vector_load_idx %gather3A_599[%min3A_21, %and3A_580] : memref<120x128xf32, #tpu.memory_space<vmem>>[vector<16xi32>, vector<16xi32>], vector<16xf32>,
        %mul3A_601 = arith.mulf %gather3A_600, %gather3A_581 : vector<16xf32>
        %add3A_602 = arith.addf %add3A_538, %mul3A_601 : vector<16xf32>
        %gather3A_603 = arith.constant 0 : i32
        %gather3A_604 = arith.constant 0 : i32
        %gather3A_605 = tpu.memref_slice %arg12[%scan3A_213, %gather3A_603, %gather3A_604] : memref<4x120x128xf32, #tpu.memory_space<vmem>> -> memref<1x120x128xf32, #tpu.memory_space<vmem>>
        %gather3A_606 = tpu.memref_squeeze %gather3A_605 : memref<1x120x128xf32, #tpu.memory_space<vmem>> -> memref<120x128xf32, #tpu.memory_space<vmem>>
        %gather3A_607 = tpu.vector_load_idx %gather3A_606[%min3A_28, %and3A_580] : memref<120x128xf32, #tpu.memory_space<vmem>>[vector<16xi32>, vector<16xi32>], vector<16xf32>,
        %mul3A_608 = arith.mulf %gather3A_607, %gather3A_581 : vector<16xf32>
        %add3A_609 = arith.addf %add3A_545, %mul3A_608 : vector<16xf32>
        %gather3A_610 = arith.constant 0 : i32
        %gather3A_611 = arith.constant 0 : i32
        %gather3A_612 = tpu.memref_slice %arg12[%scan3A_213, %gather3A_610, %gather3A_611] : memref<4x120x128xf32, #tpu.memory_space<vmem>> -> memref<1x120x128xf32, #tpu.memory_space<vmem>>
        %gather3A_613 = tpu.memref_squeeze %gather3A_612 : memref<1x120x128xf32, #tpu.memory_space<vmem>> -> memref<120x128xf32, #tpu.memory_space<vmem>>
        %gather3A_614 = tpu.vector_load_idx %gather3A_613[%min3A_35, %and3A_580] : memref<120x128xf32, #tpu.memory_space<vmem>>[vector<16xi32>, vector<16xi32>], vector<16xf32>,
        %mul3A_615 = arith.mulf %gather3A_614, %gather3A_581 : vector<16xf32>
        %add3A_616 = arith.addf %add3A_552, %mul3A_615 : vector<16xf32>
        %gather3A_617 = arith.constant 0 : i32
        %gather3A_618 = arith.constant 0 : i32
        %gather3A_619 = tpu.memref_slice %arg12[%scan3A_213, %gather3A_617, %gather3A_618] : memref<4x120x128xf32, #tpu.memory_space<vmem>> -> memref<1x120x128xf32, #tpu.memory_space<vmem>>
        %gather3A_620 = tpu.memref_squeeze %gather3A_619 : memref<1x120x128xf32, #tpu.memory_space<vmem>> -> memref<120x128xf32, #tpu.memory_space<vmem>>
        %gather3A_621 = tpu.vector_load_idx %gather3A_620[%min3A_42, %and3A_580] : memref<120x128xf32, #tpu.memory_space<vmem>>[vector<16xi32>, vector<16xi32>], vector<16xf32>,
        %mul3A_622 = arith.mulf %gather3A_621, %gather3A_581 : vector<16xf32>
        %add3A_623 = arith.addf %add3A_559, %mul3A_622 : vector<16xf32>
        %gather3A_624 = arith.constant 0 : i32
        %gather3A_625 = arith.constant 0 : i32
        %gather3A_626 = tpu.memref_slice %arg12[%scan3A_213, %gather3A_624, %gather3A_625] : memref<4x120x128xf32, #tpu.memory_space<vmem>> -> memref<1x120x128xf32, #tpu.memory_space<vmem>>
        %gather3A_627 = tpu.memref_squeeze %gather3A_626 : memref<1x120x128xf32, #tpu.memory_space<vmem>> -> memref<120x128xf32, #tpu.memory_space<vmem>>
        %gather3A_628 = tpu.vector_load_idx %gather3A_627[%min3A_49, %and3A_580] : memref<120x128xf32, #tpu.memory_space<vmem>>[vector<16xi32>, vector<16xi32>], vector<16xf32>,
        %mul3A_629 = arith.mulf %gather3A_628, %gather3A_581 : vector<16xf32>
        %add3A_630 = arith.addf %add3A_566, %mul3A_629 : vector<16xf32>
        %gather3A_631 = arith.constant 0 : i32
        %gather3A_632 = arith.constant 0 : i32
        %gather3A_633 = tpu.memref_slice %arg12[%scan3A_213, %gather3A_631, %gather3A_632] : memref<4x120x128xf32, #tpu.memory_space<vmem>> -> memref<1x120x128xf32, #tpu.memory_space<vmem>>
        %gather3A_634 = tpu.memref_squeeze %gather3A_633 : memref<1x120x128xf32, #tpu.memory_space<vmem>> -> memref<120x128xf32, #tpu.memory_space<vmem>>
        %gather3A_635 = tpu.vector_load_idx %gather3A_634[%min3A_56, %and3A_580] : memref<120x128xf32, #tpu.memory_space<vmem>>[vector<16xi32>, vector<16xi32>], vector<16xf32>,
        %mul3A_636 = arith.mulf %gather3A_635, %gather3A_581 : vector<16xf32>
        %add3A_637 = arith.addf %add3A_573, %mul3A_636 : vector<16xf32>
        %scan3A_638 = arith.constant 2 : i32
        %scan3A_639 = arith.addi %scan3A_505, %scan3A_638 : i32
        %add3A_640 = vector.broadcast %scan3A_639 : i32 to vector<16xi32>
        %add3A_641 = arith.addi %iota3A_57, %add3A_640 : vector<16xi32>
        %and3A_642 = arith.constant 127 : i32
        %and3A_643 = vector.broadcast %and3A_642 : i32 to vector<16xi32>
        %and3A_644 = arith.andi %add3A_641, %and3A_643 : vector<16xi32>
        %gather3A_645 = tpu.vector_load_idx %arg11[%broadcast_in_dim3A, %and3A_644] : memref<128x128xf32, #tpu.memory_space<vmem>>[vector<16xi32>, vector<16xi32>], vector<16xf32>,
        %gather3A_646 = arith.constant 0 : i32
        %gather3A_647 = arith.constant 0 : i32
        %gather3A_648 = tpu.memref_slice %arg12[%scan3A_213, %gather3A_646, %gather3A_647] : memref<4x120x128xf32, #tpu.memory_space<vmem>> -> memref<1x120x128xf32, #tpu.memory_space<vmem>>
        %gather3A_649 = tpu.memref_squeeze %gather3A_648 : memref<1x120x128xf32, #tpu.memory_space<vmem>> -> memref<120x128xf32, #tpu.memory_space<vmem>>
        %gather3A_650 = tpu.vector_load_idx %gather3A_649[%min3A_7, %and3A_644] : memref<120x128xf32, #tpu.memory_space<vmem>>[vector<16xi32>, vector<16xi32>], vector<16xf32>,
        %mul3A_651 = arith.mulf %gather3A_650, %gather3A_645 : vector<16xf32>
        %add3A_652 = arith.addf %add3A_588, %mul3A_651 : vector<16xf32>
        %gather3A_653 = arith.constant 0 : i32
        %gather3A_654 = arith.constant 0 : i32
        %gather3A_655 = tpu.memref_slice %arg12[%scan3A_213, %gather3A_653, %gather3A_654] : memref<4x120x128xf32, #tpu.memory_space<vmem>> -> memref<1x120x128xf32, #tpu.memory_space<vmem>>
        %gather3A_656 = tpu.memref_squeeze %gather3A_655 : memref<1x120x128xf32, #tpu.memory_space<vmem>> -> memref<120x128xf32, #tpu.memory_space<vmem>>
        %gather3A_657 = tpu.vector_load_idx %gather3A_656[%min3A_14, %and3A_644] : memref<120x128xf32, #tpu.memory_space<vmem>>[vector<16xi32>, vector<16xi32>], vector<16xf32>,
        %mul3A_658 = arith.mulf %gather3A_657, %gather3A_645 : vector<16xf32>
        %add3A_659 = arith.addf %add3A_595, %mul3A_658 : vector<16xf32>
        %gather3A_660 = arith.constant 0 : i32
        %gather3A_661 = arith.constant 0 : i32
        %gather3A_662 = tpu.memref_slice %arg12[%scan3A_213, %gather3A_660, %gather3A_661] : memref<4x120x128xf32, #tpu.memory_space<vmem>> -> memref<1x120x128xf32, #tpu.memory_space<vmem>>
        %gather3A_663 = tpu.memref_squeeze %gather3A_662 : memref<1x120x128xf32, #tpu.memory_space<vmem>> -> memref<120x128xf32, #tpu.memory_space<vmem>>
        %gather3A_664 = tpu.vector_load_idx %gather3A_663[%min3A_21, %and3A_644] : memref<120x128xf32, #tpu.memory_space<vmem>>[vector<16xi32>, vector<16xi32>], vector<16xf32>,
        %mul3A_665 = arith.mulf %gather3A_664, %gather3A_645 : vector<16xf32>
        %add3A_666 = arith.addf %add3A_602, %mul3A_665 : vector<16xf32>
        %gather3A_667 = arith.constant 0 : i32
        %gather3A_668 = arith.constant 0 : i32
        %gather3A_669 = tpu.memref_slice %arg12[%scan3A_213, %gather3A_667, %gather3A_668] : memref<4x120x128xf32, #tpu.memory_space<vmem>> -> memref<1x120x128xf32, #tpu.memory_space<vmem>>
        %gather3A_670 = tpu.memref_squeeze %gather3A_669 : memref<1x120x128xf32, #tpu.memory_space<vmem>> -> memref<120x128xf32, #tpu.memory_space<vmem>>
        %gather3A_671 = tpu.vector_load_idx %gather3A_670[%min3A_28, %and3A_644] : memref<120x128xf32, #tpu.memory_space<vmem>>[vector<16xi32>, vector<16xi32>], vector<16xf32>,
        %mul3A_672 = arith.mulf %gather3A_671, %gather3A_645 : vector<16xf32>
        %add3A_673 = arith.addf %add3A_609, %mul3A_672 : vector<16xf32>
        %gather3A_674 = arith.constant 0 : i32
        %gather3A_675 = arith.constant 0 : i32
        %gather3A_676 = tpu.memref_slice %arg12[%scan3A_213, %gather3A_674, %gather3A_675] : memref<4x120x128xf32, #tpu.memory_space<vmem>> -> memref<1x120x128xf32, #tpu.memory_space<vmem>>
        %gather3A_677 = tpu.memref_squeeze %gather3A_676 : memref<1x120x128xf32, #tpu.memory_space<vmem>> -> memref<120x128xf32, #tpu.memory_space<vmem>>
        %gather3A_678 = tpu.vector_load_idx %gather3A_677[%min3A_35, %and3A_644] : memref<120x128xf32, #tpu.memory_space<vmem>>[vector<16xi32>, vector<16xi32>], vector<16xf32>,
        %mul3A_679 = arith.mulf %gather3A_678, %gather3A_645 : vector<16xf32>
        %add3A_680 = arith.addf %add3A_616, %mul3A_679 : vector<16xf32>
        %gather3A_681 = arith.constant 0 : i32
        %gather3A_682 = arith.constant 0 : i32
        %gather3A_683 = tpu.memref_slice %arg12[%scan3A_213, %gather3A_681, %gather3A_682] : memref<4x120x128xf32, #tpu.memory_space<vmem>> -> memref<1x120x128xf32, #tpu.memory_space<vmem>>
        %gather3A_684 = tpu.memref_squeeze %gather3A_683 : memref<1x120x128xf32, #tpu.memory_space<vmem>> -> memref<120x128xf32, #tpu.memory_space<vmem>>
        %gather3A_685 = tpu.vector_load_idx %gather3A_684[%min3A_42, %and3A_644] : memref<120x128xf32, #tpu.memory_space<vmem>>[vector<16xi32>, vector<16xi32>], vector<16xf32>,
        %mul3A_686 = arith.mulf %gather3A_685, %gather3A_645 : vector<16xf32>
        %add3A_687 = arith.addf %add3A_623, %mul3A_686 : vector<16xf32>
        %gather3A_688 = arith.constant 0 : i32
        %gather3A_689 = arith.constant 0 : i32
        %gather3A_690 = tpu.memref_slice %arg12[%scan3A_213, %gather3A_688, %gather3A_689] : memref<4x120x128xf32, #tpu.memory_space<vmem>> -> memref<1x120x128xf32, #tpu.memory_space<vmem>>
        %gather3A_691 = tpu.memref_squeeze %gather3A_690 : memref<1x120x128xf32, #tpu.memory_space<vmem>> -> memref<120x128xf32, #tpu.memory_space<vmem>>
        %gather3A_692 = tpu.vector_load_idx %gather3A_691[%min3A_49, %and3A_644] : memref<120x128xf32, #tpu.memory_space<vmem>>[vector<16xi32>, vector<16xi32>], vector<16xf32>,
        %mul3A_693 = arith.mulf %gather3A_692, %gather3A_645 : vector<16xf32>
        %add3A_694 = arith.addf %add3A_630, %mul3A_693 : vector<16xf32>
        %gather3A_695 = arith.constant 0 : i32
        %gather3A_696 = arith.constant 0 : i32
        %gather3A_697 = tpu.memref_slice %arg12[%scan3A_213, %gather3A_695, %gather3A_696] : memref<4x120x128xf32, #tpu.memory_space<vmem>> -> memref<1x120x128xf32, #tpu.memory_space<vmem>>
        %gather3A_698 = tpu.memref_squeeze %gather3A_697 : memref<1x120x128xf32, #tpu.memory_space<vmem>> -> memref<120x128xf32, #tpu.memory_space<vmem>>
        %gather3A_699 = tpu.vector_load_idx %gather3A_698[%min3A_56, %and3A_644] : memref<120x128xf32, #tpu.memory_space<vmem>>[vector<16xi32>, vector<16xi32>], vector<16xf32>,
        %mul3A_700 = arith.mulf %gather3A_699, %gather3A_645 : vector<16xf32>
        %add3A_701 = arith.addf %add3A_637, %mul3A_700 : vector<16xf32>
        %scan3A_702 = arith.constant 3 : i32
        %scan3A_703 = arith.addi %scan3A_505, %scan3A_702 : i32
        %add3A_704 = vector.broadcast %scan3A_703 : i32 to vector<16xi32>
        %add3A_705 = arith.addi %iota3A_57, %add3A_704 : vector<16xi32>
        %and3A_706 = arith.constant 127 : i32
        %and3A_707 = vector.broadcast %and3A_706 : i32 to vector<16xi32>
        %and3A_708 = arith.andi %add3A_705, %and3A_707 : vector<16xi32>
        %gather3A_709 = tpu.vector_load_idx %arg11[%broadcast_in_dim3A, %and3A_708] : memref<128x128xf32, #tpu.memory_space<vmem>>[vector<16xi32>, vector<16xi32>], vector<16xf32>,
        %gather3A_710 = arith.constant 0 : i32
        %gather3A_711 = arith.constant 0 : i32
        %gather3A_712 = tpu.memref_slice %arg12[%scan3A_213, %gather3A_710, %gather3A_711] : memref<4x120x128xf32, #tpu.memory_space<vmem>> -> memref<1x120x128xf32, #tpu.memory_space<vmem>>
        %gather3A_713 = tpu.memref_squeeze %gather3A_712 : memref<1x120x128xf32, #tpu.memory_space<vmem>> -> memref<120x128xf32, #tpu.memory_space<vmem>>
        %gather3A_714 = tpu.vector_load_idx %gather3A_713[%min3A_7, %and3A_708] : memref<120x128xf32, #tpu.memory_space<vmem>>[vector<16xi32>, vector<16xi32>], vector<16xf32>,
        %mul3A_715 = arith.mulf %gather3A_714, %gather3A_709 : vector<16xf32>
        %add3A_716 = arith.addf %add3A_652, %mul3A_715 : vector<16xf32>
        %gather3A_717 = arith.constant 0 : i32
        %gather3A_718 = arith.constant 0 : i32
        %gather3A_719 = tpu.memref_slice %arg12[%scan3A_213, %gather3A_717, %gather3A_718] : memref<4x120x128xf32, #tpu.memory_space<vmem>> -> memref<1x120x128xf32, #tpu.memory_space<vmem>>
        %gather3A_720 = tpu.memref_squeeze %gather3A_719 : memref<1x120x128xf32, #tpu.memory_space<vmem>> -> memref<120x128xf32, #tpu.memory_space<vmem>>
        %gather3A_721 = tpu.vector_load_idx %gather3A_720[%min3A_14, %and3A_708] : memref<120x128xf32, #tpu.memory_space<vmem>>[vector<16xi32>, vector<16xi32>], vector<16xf32>,
        %mul3A_722 = arith.mulf %gather3A_721, %gather3A_709 : vector<16xf32>
        %add3A_723 = arith.addf %add3A_659, %mul3A_722 : vector<16xf32>
        %gather3A_724 = arith.constant 0 : i32
        %gather3A_725 = arith.constant 0 : i32
        %gather3A_726 = tpu.memref_slice %arg12[%scan3A_213, %gather3A_724, %gather3A_725] : memref<4x120x128xf32, #tpu.memory_space<vmem>> -> memref<1x120x128xf32, #tpu.memory_space<vmem>>
        %gather3A_727 = tpu.memref_squeeze %gather3A_726 : memref<1x120x128xf32, #tpu.memory_space<vmem>> -> memref<120x128xf32, #tpu.memory_space<vmem>>
        %gather3A_728 = tpu.vector_load_idx %gather3A_727[%min3A_21, %and3A_708] : memref<120x128xf32, #tpu.memory_space<vmem>>[vector<16xi32>, vector<16xi32>], vector<16xf32>,
        %mul3A_729 = arith.mulf %gather3A_728, %gather3A_709 : vector<16xf32>
        %add3A_730 = arith.addf %add3A_666, %mul3A_729 : vector<16xf32>
        %gather3A_731 = arith.constant 0 : i32
        %gather3A_732 = arith.constant 0 : i32
        %gather3A_733 = tpu.memref_slice %arg12[%scan3A_213, %gather3A_731, %gather3A_732] : memref<4x120x128xf32, #tpu.memory_space<vmem>> -> memref<1x120x128xf32, #tpu.memory_space<vmem>>
        %gather3A_734 = tpu.memref_squeeze %gather3A_733 : memref<1x120x128xf32, #tpu.memory_space<vmem>> -> memref<120x128xf32, #tpu.memory_space<vmem>>
        %gather3A_735 = tpu.vector_load_idx %gather3A_734[%min3A_28, %and3A_708] : memref<120x128xf32, #tpu.memory_space<vmem>>[vector<16xi32>, vector<16xi32>], vector<16xf32>,
        %mul3A_736 = arith.mulf %gather3A_735, %gather3A_709 : vector<16xf32>
        %add3A_737 = arith.addf %add3A_673, %mul3A_736 : vector<16xf32>
        %gather3A_738 = arith.constant 0 : i32
        %gather3A_739 = arith.constant 0 : i32
        %gather3A_740 = tpu.memref_slice %arg12[%scan3A_213, %gather3A_738, %gather3A_739] : memref<4x120x128xf32, #tpu.memory_space<vmem>> -> memref<1x120x128xf32, #tpu.memory_space<vmem>>
        %gather3A_741 = tpu.memref_squeeze %gather3A_740 : memref<1x120x128xf32, #tpu.memory_space<vmem>> -> memref<120x128xf32, #tpu.memory_space<vmem>>
        %gather3A_742 = tpu.vector_load_idx %gather3A_741[%min3A_35, %and3A_708] : memref<120x128xf32, #tpu.memory_space<vmem>>[vector<16xi32>, vector<16xi32>], vector<16xf32>,
        %mul3A_743 = arith.mulf %gather3A_742, %gather3A_709 : vector<16xf32>
        %add3A_744 = arith.addf %add3A_680, %mul3A_743 : vector<16xf32>
        %gather3A_745 = arith.constant 0 : i32
        %gather3A_746 = arith.constant 0 : i32
        %gather3A_747 = tpu.memref_slice %arg12[%scan3A_213, %gather3A_745, %gather3A_746] : memref<4x120x128xf32, #tpu.memory_space<vmem>> -> memref<1x120x128xf32, #tpu.memory_space<vmem>>
        %gather3A_748 = tpu.memref_squeeze %gather3A_747 : memref<1x120x128xf32, #tpu.memory_space<vmem>> -> memref<120x128xf32, #tpu.memory_space<vmem>>
        %gather3A_749 = tpu.vector_load_idx %gather3A_748[%min3A_42, %and3A_708] : memref<120x128xf32, #tpu.memory_space<vmem>>[vector<16xi32>, vector<16xi32>], vector<16xf32>,
        %mul3A_750 = arith.mulf %gather3A_749, %gather3A_709 : vector<16xf32>
        %add3A_751 = arith.addf %add3A_687, %mul3A_750 : vector<16xf32>
        %gather3A_752 = arith.constant 0 : i32
        %gather3A_753 = arith.constant 0 : i32
        %gather3A_754 = tpu.memref_slice %arg12[%scan3A_213, %gather3A_752, %gather3A_753] : memref<4x120x128xf32, #tpu.memory_space<vmem>> -> memref<1x120x128xf32, #tpu.memory_space<vmem>>
        %gather3A_755 = tpu.memref_squeeze %gather3A_754 : memref<1x120x128xf32, #tpu.memory_space<vmem>> -> memref<120x128xf32, #tpu.memory_space<vmem>>
        %gather3A_756 = tpu.vector_load_idx %gather3A_755[%min3A_49, %and3A_708] : memref<120x128xf32, #tpu.memory_space<vmem>>[vector<16xi32>, vector<16xi32>], vector<16xf32>,
        %mul3A_757 = arith.mulf %gather3A_756, %gather3A_709 : vector<16xf32>
        %add3A_758 = arith.addf %add3A_694, %mul3A_757 : vector<16xf32>
        %gather3A_759 = arith.constant 0 : i32
        %gather3A_760 = arith.constant 0 : i32
        %gather3A_761 = tpu.memref_slice %arg12[%scan3A_213, %gather3A_759, %gather3A_760] : memref<4x120x128xf32, #tpu.memory_space<vmem>> -> memref<1x120x128xf32, #tpu.memory_space<vmem>>
        %gather3A_762 = tpu.memref_squeeze %gather3A_761 : memref<1x120x128xf32, #tpu.memory_space<vmem>> -> memref<120x128xf32, #tpu.memory_space<vmem>>
        %gather3A_763 = tpu.vector_load_idx %gather3A_762[%min3A_56, %and3A_708] : memref<120x128xf32, #tpu.memory_space<vmem>>[vector<16xi32>, vector<16xi32>], vector<16xf32>,
        %mul3A_764 = arith.mulf %gather3A_763, %gather3A_709 : vector<16xf32>
        %add3A_765 = arith.addf %add3A_701, %mul3A_764 : vector<16xf32>
        scf.yield %add3A_716, %add3A_723, %add3A_730, %add3A_737, %add3A_744, %add3A_751, %add3A_758, %add3A_765 : vector<16xf32>, vector<16xf32>, vector<16xf32>, vector<16xf32>, vector<16xf32>, vector<16xf32>, vector<16xf32>, vector<16xf32>
      }
      %scan3A_219 = arith.constant 128 : i32
      %swap3A = arith.index_cast %add3A_163 : i32 to index
      %swap3A_220 = arith.constant 0 : index
      %swap3A_221 = tpu.vector_load %arg13[%swap3A, %swap3A_220] {strides = array<i32>} : memref<128x128xf32, #tpu.memory_space<vmem>>, vector<16xf32>,
      tpu.vector_store %arg13[%swap3A, %swap3A_220], %scan3A_218#0 {strides = array<i32>} : memref<128x128xf32, #tpu.memory_space<vmem>>, vector<16xf32>,
      %swap3A_222 = arith.index_cast %add3A_163 : i32 to index
      %swap3A_223 = arith.constant 16 : index
      %swap3A_224 = tpu.vector_load %arg13[%swap3A_222, %swap3A_223] {strides = array<i32>} : memref<128x128xf32, #tpu.memory_space<vmem>>, vector<16xf32>,
      tpu.vector_store %arg13[%swap3A_222, %swap3A_223], %scan3A_218#1 {strides = array<i32>} : memref<128x128xf32, #tpu.memory_space<vmem>>, vector<16xf32>,
      %swap3A_225 = arith.index_cast %add3A_163 : i32 to index
      %swap3A_226 = arith.constant 32 : index
      %swap3A_227 = tpu.vector_load %arg13[%swap3A_225, %swap3A_226] {strides = array<i32>} : memref<128x128xf32, #tpu.memory_space<vmem>>, vector<16xf32>,
      tpu.vector_store %arg13[%swap3A_225, %swap3A_226], %scan3A_218#2 {strides = array<i32>} : memref<128x128xf32, #tpu.memory_space<vmem>>, vector<16xf32>,
      %swap3A_228 = arith.index_cast %add3A_163 : i32 to index
      %swap3A_229 = arith.constant 48 : index
      %swap3A_230 = tpu.vector_load %arg13[%swap3A_228, %swap3A_229] {strides = array<i32>} : memref<128x128xf32, #tpu.memory_space<vmem>>, vector<16xf32>,
      tpu.vector_store %arg13[%swap3A_228, %swap3A_229], %scan3A_218#3 {strides = array<i32>} : memref<128x128xf32, #tpu.memory_space<vmem>>, vector<16xf32>,
      %swap3A_231 = arith.index_cast %add3A_163 : i32 to index
      %swap3A_232 = arith.constant 64 : index
      %swap3A_233 = tpu.vector_load %arg13[%swap3A_231, %swap3A_232] {strides = array<i32>} : memref<128x128xf32, #tpu.memory_space<vmem>>, vector<16xf32>,
      tpu.vector_store %arg13[%swap3A_231, %swap3A_232], %scan3A_218#4 {strides = array<i32>} : memref<128x128xf32, #tpu.memory_space<vmem>>, vector<16xf32>,
      %swap3A_234 = arith.index_cast %add3A_163 : i32 to index
      %swap3A_235 = arith.constant 80 : index
      %swap3A_236 = tpu.vector_load %arg13[%swap3A_234, %swap3A_235] {strides = array<i32>} : memref<128x128xf32, #tpu.memory_space<vmem>>, vector<16xf32>,
      tpu.vector_store %arg13[%swap3A_234, %swap3A_235], %scan3A_218#5 {strides = array<i32>} : memref<128x128xf32, #tpu.memory_space<vmem>>, vector<16xf32>,
      %swap3A_237 = arith.index_cast %add3A_163 : i32 to index
      %swap3A_238 = arith.constant 96 : index
      %swap3A_239 = tpu.vector_load %arg13[%swap3A_237, %swap3A_238] {strides = array<i32>} : memref<128x128xf32, #tpu.memory_space<vmem>>, vector<16xf32>,
      tpu.vector_store %arg13[%swap3A_237, %swap3A_238], %scan3A_218#6 {strides = array<i32>} : memref<128x128xf32, #tpu.memory_space<vmem>>, vector<16xf32>,
      %swap3A_240 = arith.index_cast %add3A_163 : i32 to index
      %swap3A_241 = arith.constant 112 : index
      %swap3A_242 = tpu.vector_load %arg13[%swap3A_240, %swap3A_241] {strides = array<i32>} : memref<128x128xf32, #tpu.memory_space<vmem>>, vector<16xf32>,
      tpu.vector_store %arg13[%swap3A_240, %swap3A_241], %scan3A_218#7 {strides = array<i32>} : memref<128x128xf32, #tpu.memory_space<vmem>>, vector<16xf32>,
      %add3A_243 = arith.constant 1 : i32
      %add3A_244 = arith.addi %mul3A_161, %add3A_243 : i32
      %dma_wait3A_245 = arith.constant 1 : i32
      %dma_wait3A_246 = arith.constant 1 : i32
      %dma_wait3A_247 = arith.constant 0 : i32
      %dma_wait3A_248 = arith.constant 0 : i32
      %dma_wait3A_249 = tpu.memref_slice %arg12[%dma_wait3A_245, %dma_wait3A_247, %dma_wait3A_248] : memref<4x120x128xf32, #tpu.memory_space<vmem>> -> memref<1x20x128xf32, #tpu.memory_space<vmem>>
      %dma_wait3A_250 = tpu.memref_squeeze %dma_wait3A_249 : memref<1x20x128xf32, #tpu.memory_space<vmem>> -> memref<20x128xf32, #tpu.memory_space<vmem>>
      %dma_wait3A_251 = arith.constant 0 : i32
      %dma_wait3A_252 = tpu.memref_slice %arg9[%add3A_244, %dma_wait3A_251] : memref<128x20xi32, #tpu.memory_space<vmem>> -> memref<1x20xi32, #tpu.memory_space<vmem>>
      %dma_wait3A_253 = tpu.memref_squeeze %dma_wait3A_252 : memref<1x20xi32, #tpu.memory_space<vmem>> -> memref<20xi32, #tpu.memory_space<vmem>>
      %dma_wait3A_254 = arith.constant 0 : i32
      %dma_wait3A_255 = arith.constant 0 : i32
      %dma_wait3A_256 = tpu.memref_slice %arg3[%dma_wait3A_254, %dma_wait3A_255] : memref<100000x128xf32, #tpu.memory_space<hbm>> -> memref<100000x128xf32, #tpu.memory_space<hbm>>
      %dma_wait3A_257 = tpu.memref_slice %arg15[%dma_wait3A_246] : memref<4x!tpu.dma_semaphore, #tpu.memory_space<semaphore_mem>> -> memref<1x!tpu.dma_semaphore, #tpu.memory_space<semaphore_mem>>
      %dma_wait3A_258 = tpu.memref_squeeze %dma_wait3A_257 : memref<1x!tpu.dma_semaphore, #tpu.memory_space<semaphore_mem>> -> memref<!tpu.dma_semaphore, #tpu.memory_space<semaphore_mem>>
      tpu.wait_indirect_dma semaphore(%dma_wait3A_258 : memref<!tpu.dma_semaphore, #tpu.memory_space<semaphore_mem>>) src(%dma_wait3A_256 : memref<100000x128xf32, #tpu.memory_space<hbm>>) dst(%dma_wait3A_250 : memref<20x128xf32, #tpu.memory_space<vmem>>)
      %dma_wait3A_259 = arith.constant 1 : i32
      %dma_wait3A_260 = arith.constant 1 : i32
      %dma_wait3A_261 = arith.constant 20 : i32
      %dma_wait3A_262 = arith.constant 0 : i32
      %dma_wait3A_263 = tpu.memref_slice %arg12[%dma_wait3A_259, %dma_wait3A_261, %dma_wait3A_262] : memref<4x120x128xf32, #tpu.memory_space<vmem>> -> memref<1x100x128xf32, #tpu.memory_space<vmem>>
      %dma_wait3A_264 = tpu.memref_squeeze %dma_wait3A_263 : memref<1x100x128xf32, #tpu.memory_space<vmem>> -> memref<100x128xf32, #tpu.memory_space<vmem>>
      %dma_wait3A_265 = arith.constant 0 : i32
      %dma_wait3A_266 = tpu.memref_slice %arg10[%add3A_244, %dma_wait3A_265] : memref<128x100xi32, #tpu.memory_space<vmem>> -> memref<1x100xi32, #tpu.memory_space<vmem>>
      %dma_wait3A_267 = tpu.memref_squeeze %dma_wait3A_266 : memref<1x100xi32, #tpu.memory_space<vmem>> -> memref<100xi32, #tpu.memory_space<vmem>>
      %dma_wait3A_268 = arith.constant 0 : i32
      %dma_wait3A_269 = arith.constant 0 : i32
      %dma_wait3A_270 = tpu.memref_slice %arg3[%dma_wait3A_268, %dma_wait3A_269] : memref<100000x128xf32, #tpu.memory_space<hbm>> -> memref<100000x128xf32, #tpu.memory_space<hbm>>
      %dma_wait3A_271 = tpu.memref_slice %arg16[%dma_wait3A_260] : memref<4x!tpu.dma_semaphore, #tpu.memory_space<semaphore_mem>> -> memref<1x!tpu.dma_semaphore, #tpu.memory_space<semaphore_mem>>
      %dma_wait3A_272 = tpu.memref_squeeze %dma_wait3A_271 : memref<1x!tpu.dma_semaphore, #tpu.memory_space<semaphore_mem>> -> memref<!tpu.dma_semaphore, #tpu.memory_space<semaphore_mem>>
      tpu.wait_indirect_dma semaphore(%dma_wait3A_272 : memref<!tpu.dma_semaphore, #tpu.memory_space<semaphore_mem>>) src(%dma_wait3A_270 : memref<100000x128xf32, #tpu.memory_space<hbm>>) dst(%dma_wait3A_264 : memref<100x128xf32, #tpu.memory_space<vmem>>)
      %add3A_273 = arith.constant 4 : i32
      %add3A_274 = arith.addi %add3A_244, %add3A_273 : i32
      %sub3A_275 = arith.constant 1 : i32
      %sub3A_276 = arith.subi %add3A_274, %sub3A_275 : i32
      %lt3A_277 = arith.constant 128 : i32
      %lt3A_278 = arith.cmpi slt, %sub3A_276, %lt3A_277 : i32
      %convert_element_type3A_279 = arith.extui %lt3A_278 : i1 to i32
      %cond3A_280 = arith.constant 0 : i32
      %cond3A_281 = arith.cmpi ne, %convert_element_type3A_279, %cond3A_280 : i32
      scf.if %cond3A_281 {
        %add3A_505 = arith.constant 4 : i32
        %add3A_506 = arith.addi %add3A_244, %add3A_505 : i32
        %sub3A_507 = arith.constant 1 : i32
        %sub3A_508 = arith.subi %add3A_506, %sub3A_507 : i32
        %dma_start3A_509 = arith.constant 0 : i32
        %dma_start3A_510 = arith.constant 0 : i32
        %dma_start3A_511 = arith.constant 0 : i32
        %dma_start3A_512 = arith.constant 0 : i32
        %dma_start3A_513 = tpu.memref_slice %arg12[%dma_start3A_509, %dma_start3A_511, %dma_start3A_512] : memref<4x120x128xf32, #tpu.memory_space<vmem>> -> memref<1x20x128xf32, #tpu.memory_space<vmem>>
        %dma_start3A_514 = tpu.memref_squeeze %dma_start3A_513 : memref<1x20x128xf32, #tpu.memory_space<vmem>> -> memref<20x128xf32, #tpu.memory_space<vmem>>
        %dma_start3A_515 = arith.constant 0 : i32
        %dma_start3A_516 = tpu.memref_slice %arg9[%sub3A_508, %dma_start3A_515] : memref<128x20xi32, #tpu.memory_space<vmem>> -> memref<1x20xi32, #tpu.memory_space<vmem>>
        %dma_start3A_517 = tpu.memref_squeeze %dma_start3A_516 : memref<1x20xi32, #tpu.memory_space<vmem>> -> memref<20xi32, #tpu.memory_space<vmem>>
        %dma_start3A_518 = arith.constant 0 : i32
        %dma_start3A_519 = arith.constant 0 : i32
        %dma_start3A_520 = tpu.memref_slice %arg3[%dma_start3A_518, %dma_start3A_519] : memref<100000x128xf32, #tpu.memory_space<hbm>> -> memref<100000x128xf32, #tpu.memory_space<hbm>>
        %dma_start3A_521 = tpu.memref_slice %arg15[%dma_start3A_510] : memref<4x!tpu.dma_semaphore, #tpu.memory_space<semaphore_mem>> -> memref<1x!tpu.dma_semaphore, #tpu.memory_space<semaphore_mem>>
        %dma_start3A_522 = tpu.memref_squeeze %dma_start3A_521 : memref<1x!tpu.dma_semaphore, #tpu.memory_space<semaphore_mem>> -> memref<!tpu.dma_semaphore, #tpu.memory_space<semaphore_mem>>
        tpu.enqueue_indirect_dma source(%dma_start3A_520 : memref<100000x128xf32, #tpu.memory_space<hbm>>) target(%dma_start3A_514 : memref<20x128xf32, #tpu.memory_space<vmem>>) offsets(%dma_start3A_517 : memref<20xi32, #tpu.memory_space<vmem>>) semaphore(%dma_start3A_522 : memref<!tpu.dma_semaphore, #tpu.memory_space<semaphore_mem>>)
        %dma_start3A_523 = arith.constant 0 : i32
        %dma_start3A_524 = arith.constant 0 : i32
        %dma_start3A_525 = arith.constant 20 : i32
        %dma_start3A_526 = arith.constant 0 : i32
        %dma_start3A_527 = tpu.memref_slice %arg12[%dma_start3A_523, %dma_start3A_525, %dma_start3A_526] : memref<4x120x128xf32, #tpu.memory_space<vmem>> -> memref<1x100x128xf32, #tpu.memory_space<vmem>>
        %dma_start3A_528 = tpu.memref_squeeze %dma_start3A_527 : memref<1x100x128xf32, #tpu.memory_space<vmem>> -> memref<100x128xf32, #tpu.memory_space<vmem>>
        %dma_start3A_529 = arith.constant 0 : i32
        %dma_start3A_530 = tpu.memref_slice %arg10[%sub3A_508, %dma_start3A_529] : memref<128x100xi32, #tpu.memory_space<vmem>> -> memref<1x100xi32, #tpu.memory_space<vmem>>
        %dma_start3A_531 = tpu.memref_squeeze %dma_start3A_530 : memref<1x100xi32, #tpu.memory_space<vmem>> -> memref<100xi32, #tpu.memory_space<vmem>>
        %dma_start3A_532 = arith.constant 0 : i32
        %dma_start3A_533 = arith.constant 0 : i32
        %dma_start3A_534 = tpu.memref_slice %arg3[%dma_start3A_532, %dma_start3A_533] : memref<100000x128xf32, #tpu.memory_space<hbm>> -> memref<100000x128xf32, #tpu.memory_space<hbm>>
        %dma_start3A_535 = tpu.memref_slice %arg16[%dma_start3A_524] : memref<4x!tpu.dma_semaphore, #tpu.memory_space<semaphore_mem>> -> memref<1x!tpu.dma_semaphore, #tpu.memory_space<semaphore_mem>>
        %dma_start3A_536 = tpu.memref_squeeze %dma_start3A_535 : memref<1x!tpu.dma_semaphore, #tpu.memory_space<semaphore_mem>> -> memref<!tpu.dma_semaphore, #tpu.memory_space<semaphore_mem>>
        tpu.enqueue_indirect_dma source(%dma_start3A_534 : memref<100000x128xf32, #tpu.memory_space<hbm>>) target(%dma_start3A_528 : memref<100x128xf32, #tpu.memory_space<vmem>>) offsets(%dma_start3A_531 : memref<100xi32, #tpu.memory_space<vmem>>) semaphore(%dma_start3A_536 : memref<!tpu.dma_semaphore, #tpu.memory_space<semaphore_mem>>)
      } else {
      }
      %broadcast_in_dim3A_282 = vector.broadcast %add3A_244 : i32 to vector<16xi32>
      %broadcast_in_dim3A_283 = arith.constant 0.000000e+00 : f32
      %broadcast_in_dim3A_284 = vector.broadcast %broadcast_in_dim3A_283 : f32 to vector<16xf32>
      %broadcast_in_dim3A_285 = arith.constant 0.000000e+00 : f32
      %broadcast_in_dim3A_286 = vector.broadcast %broadcast_in_dim3A_285 : f32 to vector<16xf32>
      %broadcast_in_dim3A_287 = arith.constant 0.000000e+00 : f32
      %broadcast_in_dim3A_288 = vector.broadcast %broadcast_in_dim3A_287 : f32 to vector<16xf32>
      %broadcast_in_dim3A_289 = arith.constant 0.000000e+00 : f32
      %broadcast_in_dim3A_290 = vector.broadcast %broadcast_in_dim3A_289 : f32 to vector<16xf32>
      %broadcast_in_dim3A_291 = arith.constant 0.000000e+00 : f32
      %broadcast_in_dim3A_292 = vector.broadcast %broadcast_in_dim3A_291 : f32 to vector<16xf32>
      %broadcast_in_dim3A_293 = arith.constant 0.000000e+00 : f32
      %broadcast_in_dim3A_294 = vector.broadcast %broadcast_in_dim3A_293 : f32 to vector<16xf32>
      %broadcast_in_dim3A_295 = arith.constant 0.000000e+00 : f32
      %broadcast_in_dim3A_296 = vector.broadcast %broadcast_in_dim3A_295 : f32 to vector<16xf32>
      %broadcast_in_dim3A_297 = arith.constant 0.000000e+00 : f32
      %broadcast_in_dim3A_298 = vector.broadcast %broadcast_in_dim3A_297 : f32 to vector<16xf32>
      %scan3A_299 = arith.constant 1 : i32
      %scan3A_300 = arith.constant 0 : i32
      %scan3A_301 = arith.constant 128 : i32
      %scan3A_302 = arith.addi %scan3A_300, %scan3A_301 : i32
      %scan3A_303 = arith.constant 4 : i32
      %scan3A_304:8 = scf.for %scan3A_505 = %scan3A_300 to %scan3A_302 step %scan3A_303 iter_args(%scan3A_506 = %broadcast_in_dim3A_284, %scan3A_507 = %broadcast_in_dim3A_286, %scan3A_508 = %broadcast_in_dim3A_288, %scan3A_509 = %broadcast_in_dim3A_290, %scan3A_510 = %broadcast_in_dim3A_292, %scan3A_511 = %broadcast_in_dim3A_294, %scan3A_512 = %broadcast_in_dim3A_296, %scan3A_513 = %broadcast_in_dim3A_298) -> (vector<16xf32>, vector<16xf32>, vector<16xf32>, vector<16xf32>, vector<16xf32>, vector<16xf32>, vector<16xf32>, vector<16xf32>)  : i32 {
        %add3A_514 = vector.broadcast %scan3A_505 : i32 to vector<16xi32>
        %add3A_515 = arith.addi %iota3A_57, %add3A_514 : vector<16xi32>
        %and3A = arith.constant 127 : i32
        %and3A_516 = vector.broadcast %and3A : i32 to vector<16xi32>
        %and3A_517 = arith.andi %add3A_515, %and3A_516 : vector<16xi32>
        %gather3A = tpu.vector_load_idx %arg11[%broadcast_in_dim3A_282, %and3A_517] : memref<128x128xf32, #tpu.memory_space<vmem>>[vector<16xi32>, vector<16xi32>], vector<16xf32>,
        %gather3A_518 = arith.constant 0 : i32
        %gather3A_519 = arith.constant 0 : i32
        %gather3A_520 = tpu.memref_slice %arg12[%scan3A_299, %gather3A_518, %gather3A_519] : memref<4x120x128xf32, #tpu.memory_space<vmem>> -> memref<1x120x128xf32, #tpu.memory_space<vmem>>
        %gather3A_521 = tpu.memref_squeeze %gather3A_520 : memref<1x120x128xf32, #tpu.memory_space<vmem>> -> memref<120x128xf32, #tpu.memory_space<vmem>>
        %gather3A_522 = tpu.vector_load_idx %gather3A_521[%min3A_7, %and3A_517] : memref<120x128xf32, #tpu.memory_space<vmem>>[vector<16xi32>, vector<16xi32>], vector<16xf32>,
        %mul3A_523 = arith.mulf %gather3A_522, %gather3A : vector<16xf32>
        %add3A_524 = arith.addf %scan3A_506, %mul3A_523 : vector<16xf32>
        %gather3A_525 = arith.constant 0 : i32
        %gather3A_526 = arith.constant 0 : i32
        %gather3A_527 = tpu.memref_slice %arg12[%scan3A_299, %gather3A_525, %gather3A_526] : memref<4x120x128xf32, #tpu.memory_space<vmem>> -> memref<1x120x128xf32, #tpu.memory_space<vmem>>
        %gather3A_528 = tpu.memref_squeeze %gather3A_527 : memref<1x120x128xf32, #tpu.memory_space<vmem>> -> memref<120x128xf32, #tpu.memory_space<vmem>>
        %gather3A_529 = tpu.vector_load_idx %gather3A_528[%min3A_14, %and3A_517] : memref<120x128xf32, #tpu.memory_space<vmem>>[vector<16xi32>, vector<16xi32>], vector<16xf32>,
        %mul3A_530 = arith.mulf %gather3A_529, %gather3A : vector<16xf32>
        %add3A_531 = arith.addf %scan3A_507, %mul3A_530 : vector<16xf32>
        %gather3A_532 = arith.constant 0 : i32
        %gather3A_533 = arith.constant 0 : i32
        %gather3A_534 = tpu.memref_slice %arg12[%scan3A_299, %gather3A_532, %gather3A_533] : memref<4x120x128xf32, #tpu.memory_space<vmem>> -> memref<1x120x128xf32, #tpu.memory_space<vmem>>
        %gather3A_535 = tpu.memref_squeeze %gather3A_534 : memref<1x120x128xf32, #tpu.memory_space<vmem>> -> memref<120x128xf32, #tpu.memory_space<vmem>>
        %gather3A_536 = tpu.vector_load_idx %gather3A_535[%min3A_21, %and3A_517] : memref<120x128xf32, #tpu.memory_space<vmem>>[vector<16xi32>, vector<16xi32>], vector<16xf32>,
        %mul3A_537 = arith.mulf %gather3A_536, %gather3A : vector<16xf32>
        %add3A_538 = arith.addf %scan3A_508, %mul3A_537 : vector<16xf32>
        %gather3A_539 = arith.constant 0 : i32
        %gather3A_540 = arith.constant 0 : i32
        %gather3A_541 = tpu.memref_slice %arg12[%scan3A_299, %gather3A_539, %gather3A_540] : memref<4x120x128xf32, #tpu.memory_space<vmem>> -> memref<1x120x128xf32, #tpu.memory_space<vmem>>
        %gather3A_542 = tpu.memref_squeeze %gather3A_541 : memref<1x120x128xf32, #tpu.memory_space<vmem>> -> memref<120x128xf32, #tpu.memory_space<vmem>>
        %gather3A_543 = tpu.vector_load_idx %gather3A_542[%min3A_28, %and3A_517] : memref<120x128xf32, #tpu.memory_space<vmem>>[vector<16xi32>, vector<16xi32>], vector<16xf32>,
        %mul3A_544 = arith.mulf %gather3A_543, %gather3A : vector<16xf32>
        %add3A_545 = arith.addf %scan3A_509, %mul3A_544 : vector<16xf32>
        %gather3A_546 = arith.constant 0 : i32
        %gather3A_547 = arith.constant 0 : i32
        %gather3A_548 = tpu.memref_slice %arg12[%scan3A_299, %gather3A_546, %gather3A_547] : memref<4x120x128xf32, #tpu.memory_space<vmem>> -> memref<1x120x128xf32, #tpu.memory_space<vmem>>
        %gather3A_549 = tpu.memref_squeeze %gather3A_548 : memref<1x120x128xf32, #tpu.memory_space<vmem>> -> memref<120x128xf32, #tpu.memory_space<vmem>>
        %gather3A_550 = tpu.vector_load_idx %gather3A_549[%min3A_35, %and3A_517] : memref<120x128xf32, #tpu.memory_space<vmem>>[vector<16xi32>, vector<16xi32>], vector<16xf32>,
        %mul3A_551 = arith.mulf %gather3A_550, %gather3A : vector<16xf32>
        %add3A_552 = arith.addf %scan3A_510, %mul3A_551 : vector<16xf32>
        %gather3A_553 = arith.constant 0 : i32
        %gather3A_554 = arith.constant 0 : i32
        %gather3A_555 = tpu.memref_slice %arg12[%scan3A_299, %gather3A_553, %gather3A_554] : memref<4x120x128xf32, #tpu.memory_space<vmem>> -> memref<1x120x128xf32, #tpu.memory_space<vmem>>
        %gather3A_556 = tpu.memref_squeeze %gather3A_555 : memref<1x120x128xf32, #tpu.memory_space<vmem>> -> memref<120x128xf32, #tpu.memory_space<vmem>>
        %gather3A_557 = tpu.vector_load_idx %gather3A_556[%min3A_42, %and3A_517] : memref<120x128xf32, #tpu.memory_space<vmem>>[vector<16xi32>, vector<16xi32>], vector<16xf32>,
        %mul3A_558 = arith.mulf %gather3A_557, %gather3A : vector<16xf32>
        %add3A_559 = arith.addf %scan3A_511, %mul3A_558 : vector<16xf32>
        %gather3A_560 = arith.constant 0 : i32
        %gather3A_561 = arith.constant 0 : i32
        %gather3A_562 = tpu.memref_slice %arg12[%scan3A_299, %gather3A_560, %gather3A_561] : memref<4x120x128xf32, #tpu.memory_space<vmem>> -> memref<1x120x128xf32, #tpu.memory_space<vmem>>
        %gather3A_563 = tpu.memref_squeeze %gather3A_562 : memref<1x120x128xf32, #tpu.memory_space<vmem>> -> memref<120x128xf32, #tpu.memory_space<vmem>>
        %gather3A_564 = tpu.vector_load_idx %gather3A_563[%min3A_49, %and3A_517] : memref<120x128xf32, #tpu.memory_space<vmem>>[vector<16xi32>, vector<16xi32>], vector<16xf32>,
        %mul3A_565 = arith.mulf %gather3A_564, %gather3A : vector<16xf32>
        %add3A_566 = arith.addf %scan3A_512, %mul3A_565 : vector<16xf32>
        %gather3A_567 = arith.constant 0 : i32
        %gather3A_568 = arith.constant 0 : i32
        %gather3A_569 = tpu.memref_slice %arg12[%scan3A_299, %gather3A_567, %gather3A_568] : memref<4x120x128xf32, #tpu.memory_space<vmem>> -> memref<1x120x128xf32, #tpu.memory_space<vmem>>
        %gather3A_570 = tpu.memref_squeeze %gather3A_569 : memref<1x120x128xf32, #tpu.memory_space<vmem>> -> memref<120x128xf32, #tpu.memory_space<vmem>>
        %gather3A_571 = tpu.vector_load_idx %gather3A_570[%min3A_56, %and3A_517] : memref<120x128xf32, #tpu.memory_space<vmem>>[vector<16xi32>, vector<16xi32>], vector<16xf32>,
        %mul3A_572 = arith.mulf %gather3A_571, %gather3A : vector<16xf32>
        %add3A_573 = arith.addf %scan3A_513, %mul3A_572 : vector<16xf32>
        %scan3A_574 = arith.constant 1 : i32
        %scan3A_575 = arith.addi %scan3A_505, %scan3A_574 : i32
        %add3A_576 = vector.broadcast %scan3A_575 : i32 to vector<16xi32>
        %add3A_577 = arith.addi %iota3A_57, %add3A_576 : vector<16xi32>
        %and3A_578 = arith.constant 127 : i32
        %and3A_579 = vector.broadcast %and3A_578 : i32 to vector<16xi32>
        %and3A_580 = arith.andi %add3A_577, %and3A_579 : vector<16xi32>
        %gather3A_581 = tpu.vector_load_idx %arg11[%broadcast_in_dim3A_282, %and3A_580] : memref<128x128xf32, #tpu.memory_space<vmem>>[vector<16xi32>, vector<16xi32>], vector<16xf32>,
        %gather3A_582 = arith.constant 0 : i32
        %gather3A_583 = arith.constant 0 : i32
        %gather3A_584 = tpu.memref_slice %arg12[%scan3A_299, %gather3A_582, %gather3A_583] : memref<4x120x128xf32, #tpu.memory_space<vmem>> -> memref<1x120x128xf32, #tpu.memory_space<vmem>>
        %gather3A_585 = tpu.memref_squeeze %gather3A_584 : memref<1x120x128xf32, #tpu.memory_space<vmem>> -> memref<120x128xf32, #tpu.memory_space<vmem>>
        %gather3A_586 = tpu.vector_load_idx %gather3A_585[%min3A_7, %and3A_580] : memref<120x128xf32, #tpu.memory_space<vmem>>[vector<16xi32>, vector<16xi32>], vector<16xf32>,
        %mul3A_587 = arith.mulf %gather3A_586, %gather3A_581 : vector<16xf32>
        %add3A_588 = arith.addf %add3A_524, %mul3A_587 : vector<16xf32>
        %gather3A_589 = arith.constant 0 : i32
        %gather3A_590 = arith.constant 0 : i32
        %gather3A_591 = tpu.memref_slice %arg12[%scan3A_299, %gather3A_589, %gather3A_590] : memref<4x120x128xf32, #tpu.memory_space<vmem>> -> memref<1x120x128xf32, #tpu.memory_space<vmem>>
        %gather3A_592 = tpu.memref_squeeze %gather3A_591 : memref<1x120x128xf32, #tpu.memory_space<vmem>> -> memref<120x128xf32, #tpu.memory_space<vmem>>
        %gather3A_593 = tpu.vector_load_idx %gather3A_592[%min3A_14, %and3A_580] : memref<120x128xf32, #tpu.memory_space<vmem>>[vector<16xi32>, vector<16xi32>], vector<16xf32>,
        %mul3A_594 = arith.mulf %gather3A_593, %gather3A_581 : vector<16xf32>
        %add3A_595 = arith.addf %add3A_531, %mul3A_594 : vector<16xf32>
        %gather3A_596 = arith.constant 0 : i32
        %gather3A_597 = arith.constant 0 : i32
        %gather3A_598 = tpu.memref_slice %arg12[%scan3A_299, %gather3A_596, %gather3A_597] : memref<4x120x128xf32, #tpu.memory_space<vmem>> -> memref<1x120x128xf32, #tpu.memory_space<vmem>>
        %gather3A_599 = tpu.memref_squeeze %gather3A_598 : memref<1x120x128xf32, #tpu.memory_space<vmem>> -> memref<120x128xf32, #tpu.memory_space<vmem>>
        %gather3A_600 = tpu.vector_load_idx %gather3A_599[%min3A_21, %and3A_580] : memref<120x128xf32, #tpu.memory_space<vmem>>[vector<16xi32>, vector<16xi32>], vector<16xf32>,
        %mul3A_601 = arith.mulf %gather3A_600, %gather3A_581 : vector<16xf32>
        %add3A_602 = arith.addf %add3A_538, %mul3A_601 : vector<16xf32>
        %gather3A_603 = arith.constant 0 : i32
        %gather3A_604 = arith.constant 0 : i32
        %gather3A_605 = tpu.memref_slice %arg12[%scan3A_299, %gather3A_603, %gather3A_604] : memref<4x120x128xf32, #tpu.memory_space<vmem>> -> memref<1x120x128xf32, #tpu.memory_space<vmem>>
        %gather3A_606 = tpu.memref_squeeze %gather3A_605 : memref<1x120x128xf32, #tpu.memory_space<vmem>> -> memref<120x128xf32, #tpu.memory_space<vmem>>
        %gather3A_607 = tpu.vector_load_idx %gather3A_606[%min3A_28, %and3A_580] : memref<120x128xf32, #tpu.memory_space<vmem>>[vector<16xi32>, vector<16xi32>], vector<16xf32>,
        %mul3A_608 = arith.mulf %gather3A_607, %gather3A_581 : vector<16xf32>
        %add3A_609 = arith.addf %add3A_545, %mul3A_608 : vector<16xf32>
        %gather3A_610 = arith.constant 0 : i32
        %gather3A_611 = arith.constant 0 : i32
        %gather3A_612 = tpu.memref_slice %arg12[%scan3A_299, %gather3A_610, %gather3A_611] : memref<4x120x128xf32, #tpu.memory_space<vmem>> -> memref<1x120x128xf32, #tpu.memory_space<vmem>>
        %gather3A_613 = tpu.memref_squeeze %gather3A_612 : memref<1x120x128xf32, #tpu.memory_space<vmem>> -> memref<120x128xf32, #tpu.memory_space<vmem>>
        %gather3A_614 = tpu.vector_load_idx %gather3A_613[%min3A_35, %and3A_580] : memref<120x128xf32, #tpu.memory_space<vmem>>[vector<16xi32>, vector<16xi32>], vector<16xf32>,
        %mul3A_615 = arith.mulf %gather3A_614, %gather3A_581 : vector<16xf32>
        %add3A_616 = arith.addf %add3A_552, %mul3A_615 : vector<16xf32>
        %gather3A_617 = arith.constant 0 : i32
        %gather3A_618 = arith.constant 0 : i32
        %gather3A_619 = tpu.memref_slice %arg12[%scan3A_299, %gather3A_617, %gather3A_618] : memref<4x120x128xf32, #tpu.memory_space<vmem>> -> memref<1x120x128xf32, #tpu.memory_space<vmem>>
        %gather3A_620 = tpu.memref_squeeze %gather3A_619 : memref<1x120x128xf32, #tpu.memory_space<vmem>> -> memref<120x128xf32, #tpu.memory_space<vmem>>
        %gather3A_621 = tpu.vector_load_idx %gather3A_620[%min3A_42, %and3A_580] : memref<120x128xf32, #tpu.memory_space<vmem>>[vector<16xi32>, vector<16xi32>], vector<16xf32>,
        %mul3A_622 = arith.mulf %gather3A_621, %gather3A_581 : vector<16xf32>
        %add3A_623 = arith.addf %add3A_559, %mul3A_622 : vector<16xf32>
        %gather3A_624 = arith.constant 0 : i32
        %gather3A_625 = arith.constant 0 : i32
        %gather3A_626 = tpu.memref_slice %arg12[%scan3A_299, %gather3A_624, %gather3A_625] : memref<4x120x128xf32, #tpu.memory_space<vmem>> -> memref<1x120x128xf32, #tpu.memory_space<vmem>>
        %gather3A_627 = tpu.memref_squeeze %gather3A_626 : memref<1x120x128xf32, #tpu.memory_space<vmem>> -> memref<120x128xf32, #tpu.memory_space<vmem>>
        %gather3A_628 = tpu.vector_load_idx %gather3A_627[%min3A_49, %and3A_580] : memref<120x128xf32, #tpu.memory_space<vmem>>[vector<16xi32>, vector<16xi32>], vector<16xf32>,
        %mul3A_629 = arith.mulf %gather3A_628, %gather3A_581 : vector<16xf32>
        %add3A_630 = arith.addf %add3A_566, %mul3A_629 : vector<16xf32>
        %gather3A_631 = arith.constant 0 : i32
        %gather3A_632 = arith.constant 0 : i32
        %gather3A_633 = tpu.memref_slice %arg12[%scan3A_299, %gather3A_631, %gather3A_632] : memref<4x120x128xf32, #tpu.memory_space<vmem>> -> memref<1x120x128xf32, #tpu.memory_space<vmem>>
        %gather3A_634 = tpu.memref_squeeze %gather3A_633 : memref<1x120x128xf32, #tpu.memory_space<vmem>> -> memref<120x128xf32, #tpu.memory_space<vmem>>
        %gather3A_635 = tpu.vector_load_idx %gather3A_634[%min3A_56, %and3A_580] : memref<120x128xf32, #tpu.memory_space<vmem>>[vector<16xi32>, vector<16xi32>], vector<16xf32>,
        %mul3A_636 = arith.mulf %gather3A_635, %gather3A_581 : vector<16xf32>
        %add3A_637 = arith.addf %add3A_573, %mul3A_636 : vector<16xf32>
        %scan3A_638 = arith.constant 2 : i32
        %scan3A_639 = arith.addi %scan3A_505, %scan3A_638 : i32
        %add3A_640 = vector.broadcast %scan3A_639 : i32 to vector<16xi32>
        %add3A_641 = arith.addi %iota3A_57, %add3A_640 : vector<16xi32>
        %and3A_642 = arith.constant 127 : i32
        %and3A_643 = vector.broadcast %and3A_642 : i32 to vector<16xi32>
        %and3A_644 = arith.andi %add3A_641, %and3A_643 : vector<16xi32>
        %gather3A_645 = tpu.vector_load_idx %arg11[%broadcast_in_dim3A_282, %and3A_644] : memref<128x128xf32, #tpu.memory_space<vmem>>[vector<16xi32>, vector<16xi32>], vector<16xf32>,
        %gather3A_646 = arith.constant 0 : i32
        %gather3A_647 = arith.constant 0 : i32
        %gather3A_648 = tpu.memref_slice %arg12[%scan3A_299, %gather3A_646, %gather3A_647] : memref<4x120x128xf32, #tpu.memory_space<vmem>> -> memref<1x120x128xf32, #tpu.memory_space<vmem>>
        %gather3A_649 = tpu.memref_squeeze %gather3A_648 : memref<1x120x128xf32, #tpu.memory_space<vmem>> -> memref<120x128xf32, #tpu.memory_space<vmem>>
        %gather3A_650 = tpu.vector_load_idx %gather3A_649[%min3A_7, %and3A_644] : memref<120x128xf32, #tpu.memory_space<vmem>>[vector<16xi32>, vector<16xi32>], vector<16xf32>,
        %mul3A_651 = arith.mulf %gather3A_650, %gather3A_645 : vector<16xf32>
        %add3A_652 = arith.addf %add3A_588, %mul3A_651 : vector<16xf32>
        %gather3A_653 = arith.constant 0 : i32
        %gather3A_654 = arith.constant 0 : i32
        %gather3A_655 = tpu.memref_slice %arg12[%scan3A_299, %gather3A_653, %gather3A_654] : memref<4x120x128xf32, #tpu.memory_space<vmem>> -> memref<1x120x128xf32, #tpu.memory_space<vmem>>
        %gather3A_656 = tpu.memref_squeeze %gather3A_655 : memref<1x120x128xf32, #tpu.memory_space<vmem>> -> memref<120x128xf32, #tpu.memory_space<vmem>>
        %gather3A_657 = tpu.vector_load_idx %gather3A_656[%min3A_14, %and3A_644] : memref<120x128xf32, #tpu.memory_space<vmem>>[vector<16xi32>, vector<16xi32>], vector<16xf32>,
        %mul3A_658 = arith.mulf %gather3A_657, %gather3A_645 : vector<16xf32>
        %add3A_659 = arith.addf %add3A_595, %mul3A_658 : vector<16xf32>
        %gather3A_660 = arith.constant 0 : i32
        %gather3A_661 = arith.constant 0 : i32
        %gather3A_662 = tpu.memref_slice %arg12[%scan3A_299, %gather3A_660, %gather3A_661] : memref<4x120x128xf32, #tpu.memory_space<vmem>> -> memref<1x120x128xf32, #tpu.memory_space<vmem>>
        %gather3A_663 = tpu.memref_squeeze %gather3A_662 : memref<1x120x128xf32, #tpu.memory_space<vmem>> -> memref<120x128xf32, #tpu.memory_space<vmem>>
        %gather3A_664 = tpu.vector_load_idx %gather3A_663[%min3A_21, %and3A_644] : memref<120x128xf32, #tpu.memory_space<vmem>>[vector<16xi32>, vector<16xi32>], vector<16xf32>,
        %mul3A_665 = arith.mulf %gather3A_664, %gather3A_645 : vector<16xf32>
        %add3A_666 = arith.addf %add3A_602, %mul3A_665 : vector<16xf32>
        %gather3A_667 = arith.constant 0 : i32
        %gather3A_668 = arith.constant 0 : i32
        %gather3A_669 = tpu.memref_slice %arg12[%scan3A_299, %gather3A_667, %gather3A_668] : memref<4x120x128xf32, #tpu.memory_space<vmem>> -> memref<1x120x128xf32, #tpu.memory_space<vmem>>
        %gather3A_670 = tpu.memref_squeeze %gather3A_669 : memref<1x120x128xf32, #tpu.memory_space<vmem>> -> memref<120x128xf32, #tpu.memory_space<vmem>>
        %gather3A_671 = tpu.vector_load_idx %gather3A_670[%min3A_28, %and3A_644] : memref<120x128xf32, #tpu.memory_space<vmem>>[vector<16xi32>, vector<16xi32>], vector<16xf32>,
        %mul3A_672 = arith.mulf %gather3A_671, %gather3A_645 : vector<16xf32>
        %add3A_673 = arith.addf %add3A_609, %mul3A_672 : vector<16xf32>
        %gather3A_674 = arith.constant 0 : i32
        %gather3A_675 = arith.constant 0 : i32
        %gather3A_676 = tpu.memref_slice %arg12[%scan3A_299, %gather3A_674, %gather3A_675] : memref<4x120x128xf32, #tpu.memory_space<vmem>> -> memref<1x120x128xf32, #tpu.memory_space<vmem>>
        %gather3A_677 = tpu.memref_squeeze %gather3A_676 : memref<1x120x128xf32, #tpu.memory_space<vmem>> -> memref<120x128xf32, #tpu.memory_space<vmem>>
        %gather3A_678 = tpu.vector_load_idx %gather3A_677[%min3A_35, %and3A_644] : memref<120x128xf32, #tpu.memory_space<vmem>>[vector<16xi32>, vector<16xi32>], vector<16xf32>,
        %mul3A_679 = arith.mulf %gather3A_678, %gather3A_645 : vector<16xf32>
        %add3A_680 = arith.addf %add3A_616, %mul3A_679 : vector<16xf32>
        %gather3A_681 = arith.constant 0 : i32
        %gather3A_682 = arith.constant 0 : i32
        %gather3A_683 = tpu.memref_slice %arg12[%scan3A_299, %gather3A_681, %gather3A_682] : memref<4x120x128xf32, #tpu.memory_space<vmem>> -> memref<1x120x128xf32, #tpu.memory_space<vmem>>
        %gather3A_684 = tpu.memref_squeeze %gather3A_683 : memref<1x120x128xf32, #tpu.memory_space<vmem>> -> memref<120x128xf32, #tpu.memory_space<vmem>>
        %gather3A_685 = tpu.vector_load_idx %gather3A_684[%min3A_42, %and3A_644] : memref<120x128xf32, #tpu.memory_space<vmem>>[vector<16xi32>, vector<16xi32>], vector<16xf32>,
        %mul3A_686 = arith.mulf %gather3A_685, %gather3A_645 : vector<16xf32>
        %add3A_687 = arith.addf %add3A_623, %mul3A_686 : vector<16xf32>
        %gather3A_688 = arith.constant 0 : i32
        %gather3A_689 = arith.constant 0 : i32
        %gather3A_690 = tpu.memref_slice %arg12[%scan3A_299, %gather3A_688, %gather3A_689] : memref<4x120x128xf32, #tpu.memory_space<vmem>> -> memref<1x120x128xf32, #tpu.memory_space<vmem>>
        %gather3A_691 = tpu.memref_squeeze %gather3A_690 : memref<1x120x128xf32, #tpu.memory_space<vmem>> -> memref<120x128xf32, #tpu.memory_space<vmem>>
        %gather3A_692 = tpu.vector_load_idx %gather3A_691[%min3A_49, %and3A_644] : memref<120x128xf32, #tpu.memory_space<vmem>>[vector<16xi32>, vector<16xi32>], vector<16xf32>,
        %mul3A_693 = arith.mulf %gather3A_692, %gather3A_645 : vector<16xf32>
        %add3A_694 = arith.addf %add3A_630, %mul3A_693 : vector<16xf32>
        %gather3A_695 = arith.constant 0 : i32
        %gather3A_696 = arith.constant 0 : i32
        %gather3A_697 = tpu.memref_slice %arg12[%scan3A_299, %gather3A_695, %gather3A_696] : memref<4x120x128xf32, #tpu.memory_space<vmem>> -> memref<1x120x128xf32, #tpu.memory_space<vmem>>
        %gather3A_698 = tpu.memref_squeeze %gather3A_697 : memref<1x120x128xf32, #tpu.memory_space<vmem>> -> memref<120x128xf32, #tpu.memory_space<vmem>>
        %gather3A_699 = tpu.vector_load_idx %gather3A_698[%min3A_56, %and3A_644] : memref<120x128xf32, #tpu.memory_space<vmem>>[vector<16xi32>, vector<16xi32>], vector<16xf32>,
        %mul3A_700 = arith.mulf %gather3A_699, %gather3A_645 : vector<16xf32>
        %add3A_701 = arith.addf %add3A_637, %mul3A_700 : vector<16xf32>
        %scan3A_702 = arith.constant 3 : i32
        %scan3A_703 = arith.addi %scan3A_505, %scan3A_702 : i32
        %add3A_704 = vector.broadcast %scan3A_703 : i32 to vector<16xi32>
        %add3A_705 = arith.addi %iota3A_57, %add3A_704 : vector<16xi32>
        %and3A_706 = arith.constant 127 : i32
        %and3A_707 = vector.broadcast %and3A_706 : i32 to vector<16xi32>
        %and3A_708 = arith.andi %add3A_705, %and3A_707 : vector<16xi32>
        %gather3A_709 = tpu.vector_load_idx %arg11[%broadcast_in_dim3A_282, %and3A_708] : memref<128x128xf32, #tpu.memory_space<vmem>>[vector<16xi32>, vector<16xi32>], vector<16xf32>,
        %gather3A_710 = arith.constant 0 : i32
        %gather3A_711 = arith.constant 0 : i32
        %gather3A_712 = tpu.memref_slice %arg12[%scan3A_299, %gather3A_710, %gather3A_711] : memref<4x120x128xf32, #tpu.memory_space<vmem>> -> memref<1x120x128xf32, #tpu.memory_space<vmem>>
        %gather3A_713 = tpu.memref_squeeze %gather3A_712 : memref<1x120x128xf32, #tpu.memory_space<vmem>> -> memref<120x128xf32, #tpu.memory_space<vmem>>
        %gather3A_714 = tpu.vector_load_idx %gather3A_713[%min3A_7, %and3A_708] : memref<120x128xf32, #tpu.memory_space<vmem>>[vector<16xi32>, vector<16xi32>], vector<16xf32>,
        %mul3A_715 = arith.mulf %gather3A_714, %gather3A_709 : vector<16xf32>
        %add3A_716 = arith.addf %add3A_652, %mul3A_715 : vector<16xf32>
        %gather3A_717 = arith.constant 0 : i32
        %gather3A_718 = arith.constant 0 : i32
        %gather3A_719 = tpu.memref_slice %arg12[%scan3A_299, %gather3A_717, %gather3A_718] : memref<4x120x128xf32, #tpu.memory_space<vmem>> -> memref<1x120x128xf32, #tpu.memory_space<vmem>>
        %gather3A_720 = tpu.memref_squeeze %gather3A_719 : memref<1x120x128xf32, #tpu.memory_space<vmem>> -> memref<120x128xf32, #tpu.memory_space<vmem>>
        %gather3A_721 = tpu.vector_load_idx %gather3A_720[%min3A_14, %and3A_708] : memref<120x128xf32, #tpu.memory_space<vmem>>[vector<16xi32>, vector<16xi32>], vector<16xf32>,
        %mul3A_722 = arith.mulf %gather3A_721, %gather3A_709 : vector<16xf32>
        %add3A_723 = arith.addf %add3A_659, %mul3A_722 : vector<16xf32>
        %gather3A_724 = arith.constant 0 : i32
        %gather3A_725 = arith.constant 0 : i32
        %gather3A_726 = tpu.memref_slice %arg12[%scan3A_299, %gather3A_724, %gather3A_725] : memref<4x120x128xf32, #tpu.memory_space<vmem>> -> memref<1x120x128xf32, #tpu.memory_space<vmem>>
        %gather3A_727 = tpu.memref_squeeze %gather3A_726 : memref<1x120x128xf32, #tpu.memory_space<vmem>> -> memref<120x128xf32, #tpu.memory_space<vmem>>
        %gather3A_728 = tpu.vector_load_idx %gather3A_727[%min3A_21, %and3A_708] : memref<120x128xf32, #tpu.memory_space<vmem>>[vector<16xi32>, vector<16xi32>], vector<16xf32>,
        %mul3A_729 = arith.mulf %gather3A_728, %gather3A_709 : vector<16xf32>
        %add3A_730 = arith.addf %add3A_666, %mul3A_729 : vector<16xf32>
        %gather3A_731 = arith.constant 0 : i32
        %gather3A_732 = arith.constant 0 : i32
        %gather3A_733 = tpu.memref_slice %arg12[%scan3A_299, %gather3A_731, %gather3A_732] : memref<4x120x128xf32, #tpu.memory_space<vmem>> -> memref<1x120x128xf32, #tpu.memory_space<vmem>>
        %gather3A_734 = tpu.memref_squeeze %gather3A_733 : memref<1x120x128xf32, #tpu.memory_space<vmem>> -> memref<120x128xf32, #tpu.memory_space<vmem>>
        %gather3A_735 = tpu.vector_load_idx %gather3A_734[%min3A_28, %and3A_708] : memref<120x128xf32, #tpu.memory_space<vmem>>[vector<16xi32>, vector<16xi32>], vector<16xf32>,
        %mul3A_736 = arith.mulf %gather3A_735, %gather3A_709 : vector<16xf32>
        %add3A_737 = arith.addf %add3A_673, %mul3A_736 : vector<16xf32>
        %gather3A_738 = arith.constant 0 : i32
        %gather3A_739 = arith.constant 0 : i32
        %gather3A_740 = tpu.memref_slice %arg12[%scan3A_299, %gather3A_738, %gather3A_739] : memref<4x120x128xf32, #tpu.memory_space<vmem>> -> memref<1x120x128xf32, #tpu.memory_space<vmem>>
        %gather3A_741 = tpu.memref_squeeze %gather3A_740 : memref<1x120x128xf32, #tpu.memory_space<vmem>> -> memref<120x128xf32, #tpu.memory_space<vmem>>
        %gather3A_742 = tpu.vector_load_idx %gather3A_741[%min3A_35, %and3A_708] : memref<120x128xf32, #tpu.memory_space<vmem>>[vector<16xi32>, vector<16xi32>], vector<16xf32>,
        %mul3A_743 = arith.mulf %gather3A_742, %gather3A_709 : vector<16xf32>
        %add3A_744 = arith.addf %add3A_680, %mul3A_743 : vector<16xf32>
        %gather3A_745 = arith.constant 0 : i32
        %gather3A_746 = arith.constant 0 : i32
        %gather3A_747 = tpu.memref_slice %arg12[%scan3A_299, %gather3A_745, %gather3A_746] : memref<4x120x128xf32, #tpu.memory_space<vmem>> -> memref<1x120x128xf32, #tpu.memory_space<vmem>>
        %gather3A_748 = tpu.memref_squeeze %gather3A_747 : memref<1x120x128xf32, #tpu.memory_space<vmem>> -> memref<120x128xf32, #tpu.memory_space<vmem>>
        %gather3A_749 = tpu.vector_load_idx %gather3A_748[%min3A_42, %and3A_708] : memref<120x128xf32, #tpu.memory_space<vmem>>[vector<16xi32>, vector<16xi32>], vector<16xf32>,
        %mul3A_750 = arith.mulf %gather3A_749, %gather3A_709 : vector<16xf32>
        %add3A_751 = arith.addf %add3A_687, %mul3A_750 : vector<16xf32>
        %gather3A_752 = arith.constant 0 : i32
        %gather3A_753 = arith.constant 0 : i32
        %gather3A_754 = tpu.memref_slice %arg12[%scan3A_299, %gather3A_752, %gather3A_753] : memref<4x120x128xf32, #tpu.memory_space<vmem>> -> memref<1x120x128xf32, #tpu.memory_space<vmem>>
        %gather3A_755 = tpu.memref_squeeze %gather3A_754 : memref<1x120x128xf32, #tpu.memory_space<vmem>> -> memref<120x128xf32, #tpu.memory_space<vmem>>
        %gather3A_756 = tpu.vector_load_idx %gather3A_755[%min3A_49, %and3A_708] : memref<120x128xf32, #tpu.memory_space<vmem>>[vector<16xi32>, vector<16xi32>], vector<16xf32>,
        %mul3A_757 = arith.mulf %gather3A_756, %gather3A_709 : vector<16xf32>
        %add3A_758 = arith.addf %add3A_694, %mul3A_757 : vector<16xf32>
        %gather3A_759 = arith.constant 0 : i32
        %gather3A_760 = arith.constant 0 : i32
        %gather3A_761 = tpu.memref_slice %arg12[%scan3A_299, %gather3A_759, %gather3A_760] : memref<4x120x128xf32, #tpu.memory_space<vmem>> -> memref<1x120x128xf32, #tpu.memory_space<vmem>>
        %gather3A_762 = tpu.memref_squeeze %gather3A_761 : memref<1x120x128xf32, #tpu.memory_space<vmem>> -> memref<120x128xf32, #tpu.memory_space<vmem>>
        %gather3A_763 = tpu.vector_load_idx %gather3A_762[%min3A_56, %and3A_708] : memref<120x128xf32, #tpu.memory_space<vmem>>[vector<16xi32>, vector<16xi32>], vector<16xf32>,
        %mul3A_764 = arith.mulf %gather3A_763, %gather3A_709 : vector<16xf32>
        %add3A_765 = arith.addf %add3A_701, %mul3A_764 : vector<16xf32>
        scf.yield %add3A_716, %add3A_723, %add3A_730, %add3A_737, %add3A_744, %add3A_751, %add3A_758, %add3A_765 : vector<16xf32>, vector<16xf32>, vector<16xf32>, vector<16xf32>, vector<16xf32>, vector<16xf32>, vector<16xf32>, vector<16xf32>
      }
      %scan3A_305 = arith.constant 128 : i32
      %swap3A_306 = arith.index_cast %add3A_244 : i32 to index
      %swap3A_307 = arith.constant 0 : index
      %swap3A_308 = tpu.vector_load %arg13[%swap3A_306, %swap3A_307] {strides = array<i32>} : memref<128x128xf32, #tpu.memory_space<vmem>>, vector<16xf32>,
      tpu.vector_store %arg13[%swap3A_306, %swap3A_307], %scan3A_304#0 {strides = array<i32>} : memref<128x128xf32, #tpu.memory_space<vmem>>, vector<16xf32>,
      %swap3A_309 = arith.index_cast %add3A_244 : i32 to index
      %swap3A_310 = arith.constant 16 : index
      %swap3A_311 = tpu.vector_load %arg13[%swap3A_309, %swap3A_310] {strides = array<i32>} : memref<128x128xf32, #tpu.memory_space<vmem>>, vector<16xf32>,
      tpu.vector_store %arg13[%swap3A_309, %swap3A_310], %scan3A_304#1 {strides = array<i32>} : memref<128x128xf32, #tpu.memory_space<vmem>>, vector<16xf32>,
      %swap3A_312 = arith.index_cast %add3A_244 : i32 to index
      %swap3A_313 = arith.constant 32 : index
      %swap3A_314 = tpu.vector_load %arg13[%swap3A_312, %swap3A_313] {strides = array<i32>} : memref<128x128xf32, #tpu.memory_space<vmem>>, vector<16xf32>,
      tpu.vector_store %arg13[%swap3A_312, %swap3A_313], %scan3A_304#2 {strides = array<i32>} : memref<128x128xf32, #tpu.memory_space<vmem>>, vector<16xf32>,
      %swap3A_315 = arith.index_cast %add3A_244 : i32 to index
      %swap3A_316 = arith.constant 48 : index
      %swap3A_317 = tpu.vector_load %arg13[%swap3A_315, %swap3A_316] {strides = array<i32>} : memref<128x128xf32, #tpu.memory_space<vmem>>, vector<16xf32>,
      tpu.vector_store %arg13[%swap3A_315, %swap3A_316], %scan3A_304#3 {strides = array<i32>} : memref<128x128xf32, #tpu.memory_space<vmem>>, vector<16xf32>,
      %swap3A_318 = arith.index_cast %add3A_244 : i32 to index
      %swap3A_319 = arith.constant 64 : index
      %swap3A_320 = tpu.vector_load %arg13[%swap3A_318, %swap3A_319] {strides = array<i32>} : memref<128x128xf32, #tpu.memory_space<vmem>>, vector<16xf32>,
      tpu.vector_store %arg13[%swap3A_318, %swap3A_319], %scan3A_304#4 {strides = array<i32>} : memref<128x128xf32, #tpu.memory_space<vmem>>, vector<16xf32>,
      %swap3A_321 = arith.index_cast %add3A_244 : i32 to index
      %swap3A_322 = arith.constant 80 : index
      %swap3A_323 = tpu.vector_load %arg13[%swap3A_321, %swap3A_322] {strides = array<i32>} : memref<128x128xf32, #tpu.memory_space<vmem>>, vector<16xf32>,
      tpu.vector_store %arg13[%swap3A_321, %swap3A_322], %scan3A_304#5 {strides = array<i32>} : memref<128x128xf32, #tpu.memory_space<vmem>>, vector<16xf32>,
      %swap3A_324 = arith.index_cast %add3A_244 : i32 to index
      %swap3A_325 = arith.constant 96 : index
      %swap3A_326 = tpu.vector_load %arg13[%swap3A_324, %swap3A_325] {strides = array<i32>} : memref<128x128xf32, #tpu.memory_space<vmem>>, vector<16xf32>,
      tpu.vector_store %arg13[%swap3A_324, %swap3A_325], %scan3A_304#6 {strides = array<i32>} : memref<128x128xf32, #tpu.memory_space<vmem>>, vector<16xf32>,
      %swap3A_327 = arith.index_cast %add3A_244 : i32 to index
      %swap3A_328 = arith.constant 112 : index
      %swap3A_329 = tpu.vector_load %arg13[%swap3A_327, %swap3A_328] {strides = array<i32>} : memref<128x128xf32, #tpu.memory_space<vmem>>, vector<16xf32>,
      tpu.vector_store %arg13[%swap3A_327, %swap3A_328], %scan3A_304#7 {strides = array<i32>} : memref<128x128xf32, #tpu.memory_space<vmem>>, vector<16xf32>,
      %add3A_330 = arith.constant 2 : i32
      %add3A_331 = arith.addi %mul3A_161, %add3A_330 : i32
      %dma_wait3A_332 = arith.constant 2 : i32
      %dma_wait3A_333 = arith.constant 2 : i32
      %dma_wait3A_334 = arith.constant 0 : i32
      %dma_wait3A_335 = arith.constant 0 : i32
      %dma_wait3A_336 = tpu.memref_slice %arg12[%dma_wait3A_332, %dma_wait3A_334, %dma_wait3A_335] : memref<4x120x128xf32, #tpu.memory_space<vmem>> -> memref<1x20x128xf32, #tpu.memory_space<vmem>>
      %dma_wait3A_337 = tpu.memref_squeeze %dma_wait3A_336 : memref<1x20x128xf32, #tpu.memory_space<vmem>> -> memref<20x128xf32, #tpu.memory_space<vmem>>
      %dma_wait3A_338 = arith.constant 0 : i32
      %dma_wait3A_339 = tpu.memref_slice %arg9[%add3A_331, %dma_wait3A_338] : memref<128x20xi32, #tpu.memory_space<vmem>> -> memref<1x20xi32, #tpu.memory_space<vmem>>
      %dma_wait3A_340 = tpu.memref_squeeze %dma_wait3A_339 : memref<1x20xi32, #tpu.memory_space<vmem>> -> memref<20xi32, #tpu.memory_space<vmem>>
      %dma_wait3A_341 = arith.constant 0 : i32
      %dma_wait3A_342 = arith.constant 0 : i32
      %dma_wait3A_343 = tpu.memref_slice %arg3[%dma_wait3A_341, %dma_wait3A_342] : memref<100000x128xf32, #tpu.memory_space<hbm>> -> memref<100000x128xf32, #tpu.memory_space<hbm>>
      %dma_wait3A_344 = tpu.memref_slice %arg15[%dma_wait3A_333] : memref<4x!tpu.dma_semaphore, #tpu.memory_space<semaphore_mem>> -> memref<1x!tpu.dma_semaphore, #tpu.memory_space<semaphore_mem>>
      %dma_wait3A_345 = tpu.memref_squeeze %dma_wait3A_344 : memref<1x!tpu.dma_semaphore, #tpu.memory_space<semaphore_mem>> -> memref<!tpu.dma_semaphore, #tpu.memory_space<semaphore_mem>>
      tpu.wait_indirect_dma semaphore(%dma_wait3A_345 : memref<!tpu.dma_semaphore, #tpu.memory_space<semaphore_mem>>) src(%dma_wait3A_343 : memref<100000x128xf32, #tpu.memory_space<hbm>>) dst(%dma_wait3A_337 : memref<20x128xf32, #tpu.memory_space<vmem>>)
      %dma_wait3A_346 = arith.constant 2 : i32
      %dma_wait3A_347 = arith.constant 2 : i32
      %dma_wait3A_348 = arith.constant 20 : i32
      %dma_wait3A_349 = arith.constant 0 : i32
      %dma_wait3A_350 = tpu.memref_slice %arg12[%dma_wait3A_346, %dma_wait3A_348, %dma_wait3A_349] : memref<4x120x128xf32, #tpu.memory_space<vmem>> -> memref<1x100x128xf32, #tpu.memory_space<vmem>>
      %dma_wait3A_351 = tpu.memref_squeeze %dma_wait3A_350 : memref<1x100x128xf32, #tpu.memory_space<vmem>> -> memref<100x128xf32, #tpu.memory_space<vmem>>
      %dma_wait3A_352 = arith.constant 0 : i32
      %dma_wait3A_353 = tpu.memref_slice %arg10[%add3A_331, %dma_wait3A_352] : memref<128x100xi32, #tpu.memory_space<vmem>> -> memref<1x100xi32, #tpu.memory_space<vmem>>
      %dma_wait3A_354 = tpu.memref_squeeze %dma_wait3A_353 : memref<1x100xi32, #tpu.memory_space<vmem>> -> memref<100xi32, #tpu.memory_space<vmem>>
      %dma_wait3A_355 = arith.constant 0 : i32
      %dma_wait3A_356 = arith.constant 0 : i32
      %dma_wait3A_357 = tpu.memref_slice %arg3[%dma_wait3A_355, %dma_wait3A_356] : memref<100000x128xf32, #tpu.memory_space<hbm>> -> memref<100000x128xf32, #tpu.memory_space<hbm>>
      %dma_wait3A_358 = tpu.memref_slice %arg16[%dma_wait3A_347] : memref<4x!tpu.dma_semaphore, #tpu.memory_space<semaphore_mem>> -> memref<1x!tpu.dma_semaphore, #tpu.memory_space<semaphore_mem>>
      %dma_wait3A_359 = tpu.memref_squeeze %dma_wait3A_358 : memref<1x!tpu.dma_semaphore, #tpu.memory_space<semaphore_mem>> -> memref<!tpu.dma_semaphore, #tpu.memory_space<semaphore_mem>>
      tpu.wait_indirect_dma semaphore(%dma_wait3A_359 : memref<!tpu.dma_semaphore, #tpu.memory_space<semaphore_mem>>) src(%dma_wait3A_357 : memref<100000x128xf32, #tpu.memory_space<hbm>>) dst(%dma_wait3A_351 : memref<100x128xf32, #tpu.memory_space<vmem>>)
      %add3A_360 = arith.constant 4 : i32
      %add3A_361 = arith.addi %add3A_331, %add3A_360 : i32
      %sub3A_362 = arith.constant 1 : i32
      %sub3A_363 = arith.subi %add3A_361, %sub3A_362 : i32
      %lt3A_364 = arith.constant 128 : i32
      %lt3A_365 = arith.cmpi slt, %sub3A_363, %lt3A_364 : i32
      %convert_element_type3A_366 = arith.extui %lt3A_365 : i1 to i32
      %cond3A_367 = arith.constant 0 : i32
      %cond3A_368 = arith.cmpi ne, %convert_element_type3A_366, %cond3A_367 : i32
      scf.if %cond3A_368 {
        %add3A_505 = arith.constant 4 : i32
        %add3A_506 = arith.addi %add3A_331, %add3A_505 : i32
        %sub3A_507 = arith.constant 1 : i32
        %sub3A_508 = arith.subi %add3A_506, %sub3A_507 : i32
        %dma_start3A_509 = arith.constant 1 : i32
        %dma_start3A_510 = arith.constant 1 : i32
        %dma_start3A_511 = arith.constant 0 : i32
        %dma_start3A_512 = arith.constant 0 : i32
        %dma_start3A_513 = tpu.memref_slice %arg12[%dma_start3A_509, %dma_start3A_511, %dma_start3A_512] : memref<4x120x128xf32, #tpu.memory_space<vmem>> -> memref<1x20x128xf32, #tpu.memory_space<vmem>>
        %dma_start3A_514 = tpu.memref_squeeze %dma_start3A_513 : memref<1x20x128xf32, #tpu.memory_space<vmem>> -> memref<20x128xf32, #tpu.memory_space<vmem>>
        %dma_start3A_515 = arith.constant 0 : i32
        %dma_start3A_516 = tpu.memref_slice %arg9[%sub3A_508, %dma_start3A_515] : memref<128x20xi32, #tpu.memory_space<vmem>> -> memref<1x20xi32, #tpu.memory_space<vmem>>
        %dma_start3A_517 = tpu.memref_squeeze %dma_start3A_516 : memref<1x20xi32, #tpu.memory_space<vmem>> -> memref<20xi32, #tpu.memory_space<vmem>>
        %dma_start3A_518 = arith.constant 0 : i32
        %dma_start3A_519 = arith.constant 0 : i32
        %dma_start3A_520 = tpu.memref_slice %arg3[%dma_start3A_518, %dma_start3A_519] : memref<100000x128xf32, #tpu.memory_space<hbm>> -> memref<100000x128xf32, #tpu.memory_space<hbm>>
        %dma_start3A_521 = tpu.memref_slice %arg15[%dma_start3A_510] : memref<4x!tpu.dma_semaphore, #tpu.memory_space<semaphore_mem>> -> memref<1x!tpu.dma_semaphore, #tpu.memory_space<semaphore_mem>>
        %dma_start3A_522 = tpu.memref_squeeze %dma_start3A_521 : memref<1x!tpu.dma_semaphore, #tpu.memory_space<semaphore_mem>> -> memref<!tpu.dma_semaphore, #tpu.memory_space<semaphore_mem>>
        tpu.enqueue_indirect_dma source(%dma_start3A_520 : memref<100000x128xf32, #tpu.memory_space<hbm>>) target(%dma_start3A_514 : memref<20x128xf32, #tpu.memory_space<vmem>>) offsets(%dma_start3A_517 : memref<20xi32, #tpu.memory_space<vmem>>) semaphore(%dma_start3A_522 : memref<!tpu.dma_semaphore, #tpu.memory_space<semaphore_mem>>)
        %dma_start3A_523 = arith.constant 1 : i32
        %dma_start3A_524 = arith.constant 1 : i32
        %dma_start3A_525 = arith.constant 20 : i32
        %dma_start3A_526 = arith.constant 0 : i32
        %dma_start3A_527 = tpu.memref_slice %arg12[%dma_start3A_523, %dma_start3A_525, %dma_start3A_526] : memref<4x120x128xf32, #tpu.memory_space<vmem>> -> memref<1x100x128xf32, #tpu.memory_space<vmem>>
        %dma_start3A_528 = tpu.memref_squeeze %dma_start3A_527 : memref<1x100x128xf32, #tpu.memory_space<vmem>> -> memref<100x128xf32, #tpu.memory_space<vmem>>
        %dma_start3A_529 = arith.constant 0 : i32
        %dma_start3A_530 = tpu.memref_slice %arg10[%sub3A_508, %dma_start3A_529] : memref<128x100xi32, #tpu.memory_space<vmem>> -> memref<1x100xi32, #tpu.memory_space<vmem>>
        %dma_start3A_531 = tpu.memref_squeeze %dma_start3A_530 : memref<1x100xi32, #tpu.memory_space<vmem>> -> memref<100xi32, #tpu.memory_space<vmem>>
        %dma_start3A_532 = arith.constant 0 : i32
        %dma_start3A_533 = arith.constant 0 : i32
        %dma_start3A_534 = tpu.memref_slice %arg3[%dma_start3A_532, %dma_start3A_533] : memref<100000x128xf32, #tpu.memory_space<hbm>> -> memref<100000x128xf32, #tpu.memory_space<hbm>>
        %dma_start3A_535 = tpu.memref_slice %arg16[%dma_start3A_524] : memref<4x!tpu.dma_semaphore, #tpu.memory_space<semaphore_mem>> -> memref<1x!tpu.dma_semaphore, #tpu.memory_space<semaphore_mem>>
        %dma_start3A_536 = tpu.memref_squeeze %dma_start3A_535 : memref<1x!tpu.dma_semaphore, #tpu.memory_space<semaphore_mem>> -> memref<!tpu.dma_semaphore, #tpu.memory_space<semaphore_mem>>
        tpu.enqueue_indirect_dma source(%dma_start3A_534 : memref<100000x128xf32, #tpu.memory_space<hbm>>) target(%dma_start3A_528 : memref<100x128xf32, #tpu.memory_space<vmem>>) offsets(%dma_start3A_531 : memref<100xi32, #tpu.memory_space<vmem>>) semaphore(%dma_start3A_536 : memref<!tpu.dma_semaphore, #tpu.memory_space<semaphore_mem>>)
      } else {
      }
      %broadcast_in_dim3A_369 = vector.broadcast %add3A_331 : i32 to vector<16xi32>
      %broadcast_in_dim3A_370 = arith.constant 0.000000e+00 : f32
      %broadcast_in_dim3A_371 = vector.broadcast %broadcast_in_dim3A_370 : f32 to vector<16xf32>
      %broadcast_in_dim3A_372 = arith.constant 0.000000e+00 : f32
      %broadcast_in_dim3A_373 = vector.broadcast %broadcast_in_dim3A_372 : f32 to vector<16xf32>
      %broadcast_in_dim3A_374 = arith.constant 0.000000e+00 : f32
      %broadcast_in_dim3A_375 = vector.broadcast %broadcast_in_dim3A_374 : f32 to vector<16xf32>
      %broadcast_in_dim3A_376 = arith.constant 0.000000e+00 : f32
      %broadcast_in_dim3A_377 = vector.broadcast %broadcast_in_dim3A_376 : f32 to vector<16xf32>
      %broadcast_in_dim3A_378 = arith.constant 0.000000e+00 : f32
      %broadcast_in_dim3A_379 = vector.broadcast %broadcast_in_dim3A_378 : f32 to vector<16xf32>
      %broadcast_in_dim3A_380 = arith.constant 0.000000e+00 : f32
      %broadcast_in_dim3A_381 = vector.broadcast %broadcast_in_dim3A_380 : f32 to vector<16xf32>
      %broadcast_in_dim3A_382 = arith.constant 0.000000e+00 : f32
      %broadcast_in_dim3A_383 = vector.broadcast %broadcast_in_dim3A_382 : f32 to vector<16xf32>
      %broadcast_in_dim3A_384 = arith.constant 0.000000e+00 : f32
      %broadcast_in_dim3A_385 = vector.broadcast %broadcast_in_dim3A_384 : f32 to vector<16xf32>
      %scan3A_386 = arith.constant 2 : i32
      %scan3A_387 = arith.constant 0 : i32
      %scan3A_388 = arith.constant 128 : i32
      %scan3A_389 = arith.addi %scan3A_387, %scan3A_388 : i32
      %scan3A_390 = arith.constant 4 : i32
      %scan3A_391:8 = scf.for %scan3A_505 = %scan3A_387 to %scan3A_389 step %scan3A_390 iter_args(%scan3A_506 = %broadcast_in_dim3A_371, %scan3A_507 = %broadcast_in_dim3A_373, %scan3A_508 = %broadcast_in_dim3A_375, %scan3A_509 = %broadcast_in_dim3A_377, %scan3A_510 = %broadcast_in_dim3A_379, %scan3A_511 = %broadcast_in_dim3A_381, %scan3A_512 = %broadcast_in_dim3A_383, %scan3A_513 = %broadcast_in_dim3A_385) -> (vector<16xf32>, vector<16xf32>, vector<16xf32>, vector<16xf32>, vector<16xf32>, vector<16xf32>, vector<16xf32>, vector<16xf32>)  : i32 {
        %add3A_514 = vector.broadcast %scan3A_505 : i32 to vector<16xi32>
        %add3A_515 = arith.addi %iota3A_57, %add3A_514 : vector<16xi32>
        %and3A = arith.constant 127 : i32
        %and3A_516 = vector.broadcast %and3A : i32 to vector<16xi32>
        %and3A_517 = arith.andi %add3A_515, %and3A_516 : vector<16xi32>
        %gather3A = tpu.vector_load_idx %arg11[%broadcast_in_dim3A_369, %and3A_517] : memref<128x128xf32, #tpu.memory_space<vmem>>[vector<16xi32>, vector<16xi32>], vector<16xf32>,
        %gather3A_518 = arith.constant 0 : i32
        %gather3A_519 = arith.constant 0 : i32
        %gather3A_520 = tpu.memref_slice %arg12[%scan3A_386, %gather3A_518, %gather3A_519] : memref<4x120x128xf32, #tpu.memory_space<vmem>> -> memref<1x120x128xf32, #tpu.memory_space<vmem>>
        %gather3A_521 = tpu.memref_squeeze %gather3A_520 : memref<1x120x128xf32, #tpu.memory_space<vmem>> -> memref<120x128xf32, #tpu.memory_space<vmem>>
        %gather3A_522 = tpu.vector_load_idx %gather3A_521[%min3A_7, %and3A_517] : memref<120x128xf32, #tpu.memory_space<vmem>>[vector<16xi32>, vector<16xi32>], vector<16xf32>,
        %mul3A_523 = arith.mulf %gather3A_522, %gather3A : vector<16xf32>
        %add3A_524 = arith.addf %scan3A_506, %mul3A_523 : vector<16xf32>
        %gather3A_525 = arith.constant 0 : i32
        %gather3A_526 = arith.constant 0 : i32
        %gather3A_527 = tpu.memref_slice %arg12[%scan3A_386, %gather3A_525, %gather3A_526] : memref<4x120x128xf32, #tpu.memory_space<vmem>> -> memref<1x120x128xf32, #tpu.memory_space<vmem>>
        %gather3A_528 = tpu.memref_squeeze %gather3A_527 : memref<1x120x128xf32, #tpu.memory_space<vmem>> -> memref<120x128xf32, #tpu.memory_space<vmem>>
        %gather3A_529 = tpu.vector_load_idx %gather3A_528[%min3A_14, %and3A_517] : memref<120x128xf32, #tpu.memory_space<vmem>>[vector<16xi32>, vector<16xi32>], vector<16xf32>,
        %mul3A_530 = arith.mulf %gather3A_529, %gather3A : vector<16xf32>
        %add3A_531 = arith.addf %scan3A_507, %mul3A_530 : vector<16xf32>
        %gather3A_532 = arith.constant 0 : i32
        %gather3A_533 = arith.constant 0 : i32
        %gather3A_534 = tpu.memref_slice %arg12[%scan3A_386, %gather3A_532, %gather3A_533] : memref<4x120x128xf32, #tpu.memory_space<vmem>> -> memref<1x120x128xf32, #tpu.memory_space<vmem>>
        %gather3A_535 = tpu.memref_squeeze %gather3A_534 : memref<1x120x128xf32, #tpu.memory_space<vmem>> -> memref<120x128xf32, #tpu.memory_space<vmem>>
        %gather3A_536 = tpu.vector_load_idx %gather3A_535[%min3A_21, %and3A_517] : memref<120x128xf32, #tpu.memory_space<vmem>>[vector<16xi32>, vector<16xi32>], vector<16xf32>,
        %mul3A_537 = arith.mulf %gather3A_536, %gather3A : vector<16xf32>
        %add3A_538 = arith.addf %scan3A_508, %mul3A_537 : vector<16xf32>
        %gather3A_539 = arith.constant 0 : i32
        %gather3A_540 = arith.constant 0 : i32
        %gather3A_541 = tpu.memref_slice %arg12[%scan3A_386, %gather3A_539, %gather3A_540] : memref<4x120x128xf32, #tpu.memory_space<vmem>> -> memref<1x120x128xf32, #tpu.memory_space<vmem>>
        %gather3A_542 = tpu.memref_squeeze %gather3A_541 : memref<1x120x128xf32, #tpu.memory_space<vmem>> -> memref<120x128xf32, #tpu.memory_space<vmem>>
        %gather3A_543 = tpu.vector_load_idx %gather3A_542[%min3A_28, %and3A_517] : memref<120x128xf32, #tpu.memory_space<vmem>>[vector<16xi32>, vector<16xi32>], vector<16xf32>,
        %mul3A_544 = arith.mulf %gather3A_543, %gather3A : vector<16xf32>
        %add3A_545 = arith.addf %scan3A_509, %mul3A_544 : vector<16xf32>
        %gather3A_546 = arith.constant 0 : i32
        %gather3A_547 = arith.constant 0 : i32
        %gather3A_548 = tpu.memref_slice %arg12[%scan3A_386, %gather3A_546, %gather3A_547] : memref<4x120x128xf32, #tpu.memory_space<vmem>> -> memref<1x120x128xf32, #tpu.memory_space<vmem>>
        %gather3A_549 = tpu.memref_squeeze %gather3A_548 : memref<1x120x128xf32, #tpu.memory_space<vmem>> -> memref<120x128xf32, #tpu.memory_space<vmem>>
        %gather3A_550 = tpu.vector_load_idx %gather3A_549[%min3A_35, %and3A_517] : memref<120x128xf32, #tpu.memory_space<vmem>>[vector<16xi32>, vector<16xi32>], vector<16xf32>,
        %mul3A_551 = arith.mulf %gather3A_550, %gather3A : vector<16xf32>
        %add3A_552 = arith.addf %scan3A_510, %mul3A_551 : vector<16xf32>
        %gather3A_553 = arith.constant 0 : i32
        %gather3A_554 = arith.constant 0 : i32
        %gather3A_555 = tpu.memref_slice %arg12[%scan3A_386, %gather3A_553, %gather3A_554] : memref<4x120x128xf32, #tpu.memory_space<vmem>> -> memref<1x120x128xf32, #tpu.memory_space<vmem>>
        %gather3A_556 = tpu.memref_squeeze %gather3A_555 : memref<1x120x128xf32, #tpu.memory_space<vmem>> -> memref<120x128xf32, #tpu.memory_space<vmem>>
        %gather3A_557 = tpu.vector_load_idx %gather3A_556[%min3A_42, %and3A_517] : memref<120x128xf32, #tpu.memory_space<vmem>>[vector<16xi32>, vector<16xi32>], vector<16xf32>,
        %mul3A_558 = arith.mulf %gather3A_557, %gather3A : vector<16xf32>
        %add3A_559 = arith.addf %scan3A_511, %mul3A_558 : vector<16xf32>
        %gather3A_560 = arith.constant 0 : i32
        %gather3A_561 = arith.constant 0 : i32
        %gather3A_562 = tpu.memref_slice %arg12[%scan3A_386, %gather3A_560, %gather3A_561] : memref<4x120x128xf32, #tpu.memory_space<vmem>> -> memref<1x120x128xf32, #tpu.memory_space<vmem>>
        %gather3A_563 = tpu.memref_squeeze %gather3A_562 : memref<1x120x128xf32, #tpu.memory_space<vmem>> -> memref<120x128xf32, #tpu.memory_space<vmem>>
        %gather3A_564 = tpu.vector_load_idx %gather3A_563[%min3A_49, %and3A_517] : memref<120x128xf32, #tpu.memory_space<vmem>>[vector<16xi32>, vector<16xi32>], vector<16xf32>,
        %mul3A_565 = arith.mulf %gather3A_564, %gather3A : vector<16xf32>
        %add3A_566 = arith.addf %scan3A_512, %mul3A_565 : vector<16xf32>
        %gather3A_567 = arith.constant 0 : i32
        %gather3A_568 = arith.constant 0 : i32
        %gather3A_569 = tpu.memref_slice %arg12[%scan3A_386, %gather3A_567, %gather3A_568] : memref<4x120x128xf32, #tpu.memory_space<vmem>> -> memref<1x120x128xf32, #tpu.memory_space<vmem>>
        %gather3A_570 = tpu.memref_squeeze %gather3A_569 : memref<1x120x128xf32, #tpu.memory_space<vmem>> -> memref<120x128xf32, #tpu.memory_space<vmem>>
        %gather3A_571 = tpu.vector_load_idx %gather3A_570[%min3A_56, %and3A_517] : memref<120x128xf32, #tpu.memory_space<vmem>>[vector<16xi32>, vector<16xi32>], vector<16xf32>,
        %mul3A_572 = arith.mulf %gather3A_571, %gather3A : vector<16xf32>
        %add3A_573 = arith.addf %scan3A_513, %mul3A_572 : vector<16xf32>
        %scan3A_574 = arith.constant 1 : i32
        %scan3A_575 = arith.addi %scan3A_505, %scan3A_574 : i32
        %add3A_576 = vector.broadcast %scan3A_575 : i32 to vector<16xi32>
        %add3A_577 = arith.addi %iota3A_57, %add3A_576 : vector<16xi32>
        %and3A_578 = arith.constant 127 : i32
        %and3A_579 = vector.broadcast %and3A_578 : i32 to vector<16xi32>
        %and3A_580 = arith.andi %add3A_577, %and3A_579 : vector<16xi32>
        %gather3A_581 = tpu.vector_load_idx %arg11[%broadcast_in_dim3A_369, %and3A_580] : memref<128x128xf32, #tpu.memory_space<vmem>>[vector<16xi32>, vector<16xi32>], vector<16xf32>,
        %gather3A_582 = arith.constant 0 : i32
        %gather3A_583 = arith.constant 0 : i32
        %gather3A_584 = tpu.memref_slice %arg12[%scan3A_386, %gather3A_582, %gather3A_583] : memref<4x120x128xf32, #tpu.memory_space<vmem>> -> memref<1x120x128xf32, #tpu.memory_space<vmem>>
        %gather3A_585 = tpu.memref_squeeze %gather3A_584 : memref<1x120x128xf32, #tpu.memory_space<vmem>> -> memref<120x128xf32, #tpu.memory_space<vmem>>
        %gather3A_586 = tpu.vector_load_idx %gather3A_585[%min3A_7, %and3A_580] : memref<120x128xf32, #tpu.memory_space<vmem>>[vector<16xi32>, vector<16xi32>], vector<16xf32>,
        %mul3A_587 = arith.mulf %gather3A_586, %gather3A_581 : vector<16xf32>
        %add3A_588 = arith.addf %add3A_524, %mul3A_587 : vector<16xf32>
        %gather3A_589 = arith.constant 0 : i32
        %gather3A_590 = arith.constant 0 : i32
        %gather3A_591 = tpu.memref_slice %arg12[%scan3A_386, %gather3A_589, %gather3A_590] : memref<4x120x128xf32, #tpu.memory_space<vmem>> -> memref<1x120x128xf32, #tpu.memory_space<vmem>>
        %gather3A_592 = tpu.memref_squeeze %gather3A_591 : memref<1x120x128xf32, #tpu.memory_space<vmem>> -> memref<120x128xf32, #tpu.memory_space<vmem>>
        %gather3A_593 = tpu.vector_load_idx %gather3A_592[%min3A_14, %and3A_580] : memref<120x128xf32, #tpu.memory_space<vmem>>[vector<16xi32>, vector<16xi32>], vector<16xf32>,
        %mul3A_594 = arith.mulf %gather3A_593, %gather3A_581 : vector<16xf32>
        %add3A_595 = arith.addf %add3A_531, %mul3A_594 : vector<16xf32>
        %gather3A_596 = arith.constant 0 : i32
        %gather3A_597 = arith.constant 0 : i32
        %gather3A_598 = tpu.memref_slice %arg12[%scan3A_386, %gather3A_596, %gather3A_597] : memref<4x120x128xf32, #tpu.memory_space<vmem>> -> memref<1x120x128xf32, #tpu.memory_space<vmem>>
        %gather3A_599 = tpu.memref_squeeze %gather3A_598 : memref<1x120x128xf32, #tpu.memory_space<vmem>> -> memref<120x128xf32, #tpu.memory_space<vmem>>
        %gather3A_600 = tpu.vector_load_idx %gather3A_599[%min3A_21, %and3A_580] : memref<120x128xf32, #tpu.memory_space<vmem>>[vector<16xi32>, vector<16xi32>], vector<16xf32>,
        %mul3A_601 = arith.mulf %gather3A_600, %gather3A_581 : vector<16xf32>
        %add3A_602 = arith.addf %add3A_538, %mul3A_601 : vector<16xf32>
        %gather3A_603 = arith.constant 0 : i32
        %gather3A_604 = arith.constant 0 : i32
        %gather3A_605 = tpu.memref_slice %arg12[%scan3A_386, %gather3A_603, %gather3A_604] : memref<4x120x128xf32, #tpu.memory_space<vmem>> -> memref<1x120x128xf32, #tpu.memory_space<vmem>>
        %gather3A_606 = tpu.memref_squeeze %gather3A_605 : memref<1x120x128xf32, #tpu.memory_space<vmem>> -> memref<120x128xf32, #tpu.memory_space<vmem>>
        %gather3A_607 = tpu.vector_load_idx %gather3A_606[%min3A_28, %and3A_580] : memref<120x128xf32, #tpu.memory_space<vmem>>[vector<16xi32>, vector<16xi32>], vector<16xf32>,
        %mul3A_608 = arith.mulf %gather3A_607, %gather3A_581 : vector<16xf32>
        %add3A_609 = arith.addf %add3A_545, %mul3A_608 : vector<16xf32>
        %gather3A_610 = arith.constant 0 : i32
        %gather3A_611 = arith.constant 0 : i32
        %gather3A_612 = tpu.memref_slice %arg12[%scan3A_386, %gather3A_610, %gather3A_611] : memref<4x120x128xf32, #tpu.memory_space<vmem>> -> memref<1x120x128xf32, #tpu.memory_space<vmem>>
        %gather3A_613 = tpu.memref_squeeze %gather3A_612 : memref<1x120x128xf32, #tpu.memory_space<vmem>> -> memref<120x128xf32, #tpu.memory_space<vmem>>
        %gather3A_614 = tpu.vector_load_idx %gather3A_613[%min3A_35, %and3A_580] : memref<120x128xf32, #tpu.memory_space<vmem>>[vector<16xi32>, vector<16xi32>], vector<16xf32>,
        %mul3A_615 = arith.mulf %gather3A_614, %gather3A_581 : vector<16xf32>
        %add3A_616 = arith.addf %add3A_552, %mul3A_615 : vector<16xf32>
        %gather3A_617 = arith.constant 0 : i32
        %gather3A_618 = arith.constant 0 : i32
        %gather3A_619 = tpu.memref_slice %arg12[%scan3A_386, %gather3A_617, %gather3A_618] : memref<4x120x128xf32, #tpu.memory_space<vmem>> -> memref<1x120x128xf32, #tpu.memory_space<vmem>>
        %gather3A_620 = tpu.memref_squeeze %gather3A_619 : memref<1x120x128xf32, #tpu.memory_space<vmem>> -> memref<120x128xf32, #tpu.memory_space<vmem>>
        %gather3A_621 = tpu.vector_load_idx %gather3A_620[%min3A_42, %and3A_580] : memref<120x128xf32, #tpu.memory_space<vmem>>[vector<16xi32>, vector<16xi32>], vector<16xf32>,
        %mul3A_622 = arith.mulf %gather3A_621, %gather3A_581 : vector<16xf32>
        %add3A_623 = arith.addf %add3A_559, %mul3A_622 : vector<16xf32>
        %gather3A_624 = arith.constant 0 : i32
        %gather3A_625 = arith.constant 0 : i32
        %gather3A_626 = tpu.memref_slice %arg12[%scan3A_386, %gather3A_624, %gather3A_625] : memref<4x120x128xf32, #tpu.memory_space<vmem>> -> memref<1x120x128xf32, #tpu.memory_space<vmem>>
        %gather3A_627 = tpu.memref_squeeze %gather3A_626 : memref<1x120x128xf32, #tpu.memory_space<vmem>> -> memref<120x128xf32, #tpu.memory_space<vmem>>
        %gather3A_628 = tpu.vector_load_idx %gather3A_627[%min3A_49, %and3A_580] : memref<120x128xf32, #tpu.memory_space<vmem>>[vector<16xi32>, vector<16xi32>], vector<16xf32>,
        %mul3A_629 = arith.mulf %gather3A_628, %gather3A_581 : vector<16xf32>
        %add3A_630 = arith.addf %add3A_566, %mul3A_629 : vector<16xf32>
        %gather3A_631 = arith.constant 0 : i32
        %gather3A_632 = arith.constant 0 : i32
        %gather3A_633 = tpu.memref_slice %arg12[%scan3A_386, %gather3A_631, %gather3A_632] : memref<4x120x128xf32, #tpu.memory_space<vmem>> -> memref<1x120x128xf32, #tpu.memory_space<vmem>>
        %gather3A_634 = tpu.memref_squeeze %gather3A_633 : memref<1x120x128xf32, #tpu.memory_space<vmem>> -> memref<120x128xf32, #tpu.memory_space<vmem>>
        %gather3A_635 = tpu.vector_load_idx %gather3A_634[%min3A_56, %and3A_580] : memref<120x128xf32, #tpu.memory_space<vmem>>[vector<16xi32>, vector<16xi32>], vector<16xf32>,
        %mul3A_636 = arith.mulf %gather3A_635, %gather3A_581 : vector<16xf32>
        %add3A_637 = arith.addf %add3A_573, %mul3A_636 : vector<16xf32>
        %scan3A_638 = arith.constant 2 : i32
        %scan3A_639 = arith.addi %scan3A_505, %scan3A_638 : i32
        %add3A_640 = vector.broadcast %scan3A_639 : i32 to vector<16xi32>
        %add3A_641 = arith.addi %iota3A_57, %add3A_640 : vector<16xi32>
        %and3A_642 = arith.constant 127 : i32
        %and3A_643 = vector.broadcast %and3A_642 : i32 to vector<16xi32>
        %and3A_644 = arith.andi %add3A_641, %and3A_643 : vector<16xi32>
        %gather3A_645 = tpu.vector_load_idx %arg11[%broadcast_in_dim3A_369, %and3A_644] : memref<128x128xf32, #tpu.memory_space<vmem>>[vector<16xi32>, vector<16xi32>], vector<16xf32>,
        %gather3A_646 = arith.constant 0 : i32
        %gather3A_647 = arith.constant 0 : i32
        %gather3A_648 = tpu.memref_slice %arg12[%scan3A_386, %gather3A_646, %gather3A_647] : memref<4x120x128xf32, #tpu.memory_space<vmem>> -> memref<1x120x128xf32, #tpu.memory_space<vmem>>
        %gather3A_649 = tpu.memref_squeeze %gather3A_648 : memref<1x120x128xf32, #tpu.memory_space<vmem>> -> memref<120x128xf32, #tpu.memory_space<vmem>>
        %gather3A_650 = tpu.vector_load_idx %gather3A_649[%min3A_7, %and3A_644] : memref<120x128xf32, #tpu.memory_space<vmem>>[vector<16xi32>, vector<16xi32>], vector<16xf32>,
        %mul3A_651 = arith.mulf %gather3A_650, %gather3A_645 : vector<16xf32>
        %add3A_652 = arith.addf %add3A_588, %mul3A_651 : vector<16xf32>
        %gather3A_653 = arith.constant 0 : i32
        %gather3A_654 = arith.constant 0 : i32
        %gather3A_655 = tpu.memref_slice %arg12[%scan3A_386, %gather3A_653, %gather3A_654] : memref<4x120x128xf32, #tpu.memory_space<vmem>> -> memref<1x120x128xf32, #tpu.memory_space<vmem>>
        %gather3A_656 = tpu.memref_squeeze %gather3A_655 : memref<1x120x128xf32, #tpu.memory_space<vmem>> -> memref<120x128xf32, #tpu.memory_space<vmem>>
        %gather3A_657 = tpu.vector_load_idx %gather3A_656[%min3A_14, %and3A_644] : memref<120x128xf32, #tpu.memory_space<vmem>>[vector<16xi32>, vector<16xi32>], vector<16xf32>,
        %mul3A_658 = arith.mulf %gather3A_657, %gather3A_645 : vector<16xf32>
        %add3A_659 = arith.addf %add3A_595, %mul3A_658 : vector<16xf32>
        %gather3A_660 = arith.constant 0 : i32
        %gather3A_661 = arith.constant 0 : i32
        %gather3A_662 = tpu.memref_slice %arg12[%scan3A_386, %gather3A_660, %gather3A_661] : memref<4x120x128xf32, #tpu.memory_space<vmem>> -> memref<1x120x128xf32, #tpu.memory_space<vmem>>
        %gather3A_663 = tpu.memref_squeeze %gather3A_662 : memref<1x120x128xf32, #tpu.memory_space<vmem>> -> memref<120x128xf32, #tpu.memory_space<vmem>>
        %gather3A_664 = tpu.vector_load_idx %gather3A_663[%min3A_21, %and3A_644] : memref<120x128xf32, #tpu.memory_space<vmem>>[vector<16xi32>, vector<16xi32>], vector<16xf32>,
        %mul3A_665 = arith.mulf %gather3A_664, %gather3A_645 : vector<16xf32>
        %add3A_666 = arith.addf %add3A_602, %mul3A_665 : vector<16xf32>
        %gather3A_667 = arith.constant 0 : i32
        %gather3A_668 = arith.constant 0 : i32
        %gather3A_669 = tpu.memref_slice %arg12[%scan3A_386, %gather3A_667, %gather3A_668] : memref<4x120x128xf32, #tpu.memory_space<vmem>> -> memref<1x120x128xf32, #tpu.memory_space<vmem>>
        %gather3A_670 = tpu.memref_squeeze %gather3A_669 : memref<1x120x128xf32, #tpu.memory_space<vmem>> -> memref<120x128xf32, #tpu.memory_space<vmem>>
        %gather3A_671 = tpu.vector_load_idx %gather3A_670[%min3A_28, %and3A_644] : memref<120x128xf32, #tpu.memory_space<vmem>>[vector<16xi32>, vector<16xi32>], vector<16xf32>,
        %mul3A_672 = arith.mulf %gather3A_671, %gather3A_645 : vector<16xf32>
        %add3A_673 = arith.addf %add3A_609, %mul3A_672 : vector<16xf32>
        %gather3A_674 = arith.constant 0 : i32
        %gather3A_675 = arith.constant 0 : i32
        %gather3A_676 = tpu.memref_slice %arg12[%scan3A_386, %gather3A_674, %gather3A_675] : memref<4x120x128xf32, #tpu.memory_space<vmem>> -> memref<1x120x128xf32, #tpu.memory_space<vmem>>
        %gather3A_677 = tpu.memref_squeeze %gather3A_676 : memref<1x120x128xf32, #tpu.memory_space<vmem>> -> memref<120x128xf32, #tpu.memory_space<vmem>>
        %gather3A_678 = tpu.vector_load_idx %gather3A_677[%min3A_35, %and3A_644] : memref<120x128xf32, #tpu.memory_space<vmem>>[vector<16xi32>, vector<16xi32>], vector<16xf32>,
        %mul3A_679 = arith.mulf %gather3A_678, %gather3A_645 : vector<16xf32>
        %add3A_680 = arith.addf %add3A_616, %mul3A_679 : vector<16xf32>
        %gather3A_681 = arith.constant 0 : i32
        %gather3A_682 = arith.constant 0 : i32
        %gather3A_683 = tpu.memref_slice %arg12[%scan3A_386, %gather3A_681, %gather3A_682] : memref<4x120x128xf32, #tpu.memory_space<vmem>> -> memref<1x120x128xf32, #tpu.memory_space<vmem>>
        %gather3A_684 = tpu.memref_squeeze %gather3A_683 : memref<1x120x128xf32, #tpu.memory_space<vmem>> -> memref<120x128xf32, #tpu.memory_space<vmem>>
        %gather3A_685 = tpu.vector_load_idx %gather3A_684[%min3A_42, %and3A_644] : memref<120x128xf32, #tpu.memory_space<vmem>>[vector<16xi32>, vector<16xi32>], vector<16xf32>,
        %mul3A_686 = arith.mulf %gather3A_685, %gather3A_645 : vector<16xf32>
        %add3A_687 = arith.addf %add3A_623, %mul3A_686 : vector<16xf32>
        %gather3A_688 = arith.constant 0 : i32
        %gather3A_689 = arith.constant 0 : i32
        %gather3A_690 = tpu.memref_slice %arg12[%scan3A_386, %gather3A_688, %gather3A_689] : memref<4x120x128xf32, #tpu.memory_space<vmem>> -> memref<1x120x128xf32, #tpu.memory_space<vmem>>
        %gather3A_691 = tpu.memref_squeeze %gather3A_690 : memref<1x120x128xf32, #tpu.memory_space<vmem>> -> memref<120x128xf32, #tpu.memory_space<vmem>>
        %gather3A_692 = tpu.vector_load_idx %gather3A_691[%min3A_49, %and3A_644] : memref<120x128xf32, #tpu.memory_space<vmem>>[vector<16xi32>, vector<16xi32>], vector<16xf32>,
        %mul3A_693 = arith.mulf %gather3A_692, %gather3A_645 : vector<16xf32>
        %add3A_694 = arith.addf %add3A_630, %mul3A_693 : vector<16xf32>
        %gather3A_695 = arith.constant 0 : i32
        %gather3A_696 = arith.constant 0 : i32
        %gather3A_697 = tpu.memref_slice %arg12[%scan3A_386, %gather3A_695, %gather3A_696] : memref<4x120x128xf32, #tpu.memory_space<vmem>> -> memref<1x120x128xf32, #tpu.memory_space<vmem>>
        %gather3A_698 = tpu.memref_squeeze %gather3A_697 : memref<1x120x128xf32, #tpu.memory_space<vmem>> -> memref<120x128xf32, #tpu.memory_space<vmem>>
        %gather3A_699 = tpu.vector_load_idx %gather3A_698[%min3A_56, %and3A_644] : memref<120x128xf32, #tpu.memory_space<vmem>>[vector<16xi32>, vector<16xi32>], vector<16xf32>,
        %mul3A_700 = arith.mulf %gather3A_699, %gather3A_645 : vector<16xf32>
        %add3A_701 = arith.addf %add3A_637, %mul3A_700 : vector<16xf32>
        %scan3A_702 = arith.constant 3 : i32
        %scan3A_703 = arith.addi %scan3A_505, %scan3A_702 : i32
        %add3A_704 = vector.broadcast %scan3A_703 : i32 to vector<16xi32>
        %add3A_705 = arith.addi %iota3A_57, %add3A_704 : vector<16xi32>
        %and3A_706 = arith.constant 127 : i32
        %and3A_707 = vector.broadcast %and3A_706 : i32 to vector<16xi32>
        %and3A_708 = arith.andi %add3A_705, %and3A_707 : vector<16xi32>
        %gather3A_709 = tpu.vector_load_idx %arg11[%broadcast_in_dim3A_369, %and3A_708] : memref<128x128xf32, #tpu.memory_space<vmem>>[vector<16xi32>, vector<16xi32>], vector<16xf32>,
        %gather3A_710 = arith.constant 0 : i32
        %gather3A_711 = arith.constant 0 : i32
        %gather3A_712 = tpu.memref_slice %arg12[%scan3A_386, %gather3A_710, %gather3A_711] : memref<4x120x128xf32, #tpu.memory_space<vmem>> -> memref<1x120x128xf32, #tpu.memory_space<vmem>>
        %gather3A_713 = tpu.memref_squeeze %gather3A_712 : memref<1x120x128xf32, #tpu.memory_space<vmem>> -> memref<120x128xf32, #tpu.memory_space<vmem>>
        %gather3A_714 = tpu.vector_load_idx %gather3A_713[%min3A_7, %and3A_708] : memref<120x128xf32, #tpu.memory_space<vmem>>[vector<16xi32>, vector<16xi32>], vector<16xf32>,
        %mul3A_715 = arith.mulf %gather3A_714, %gather3A_709 : vector<16xf32>
        %add3A_716 = arith.addf %add3A_652, %mul3A_715 : vector<16xf32>
        %gather3A_717 = arith.constant 0 : i32
        %gather3A_718 = arith.constant 0 : i32
        %gather3A_719 = tpu.memref_slice %arg12[%scan3A_386, %gather3A_717, %gather3A_718] : memref<4x120x128xf32, #tpu.memory_space<vmem>> -> memref<1x120x128xf32, #tpu.memory_space<vmem>>
        %gather3A_720 = tpu.memref_squeeze %gather3A_719 : memref<1x120x128xf32, #tpu.memory_space<vmem>> -> memref<120x128xf32, #tpu.memory_space<vmem>>
        %gather3A_721 = tpu.vector_load_idx %gather3A_720[%min3A_14, %and3A_708] : memref<120x128xf32, #tpu.memory_space<vmem>>[vector<16xi32>, vector<16xi32>], vector<16xf32>,
        %mul3A_722 = arith.mulf %gather3A_721, %gather3A_709 : vector<16xf32>
        %add3A_723 = arith.addf %add3A_659, %mul3A_722 : vector<16xf32>
        %gather3A_724 = arith.constant 0 : i32
        %gather3A_725 = arith.constant 0 : i32
        %gather3A_726 = tpu.memref_slice %arg12[%scan3A_386, %gather3A_724, %gather3A_725] : memref<4x120x128xf32, #tpu.memory_space<vmem>> -> memref<1x120x128xf32, #tpu.memory_space<vmem>>
        %gather3A_727 = tpu.memref_squeeze %gather3A_726 : memref<1x120x128xf32, #tpu.memory_space<vmem>> -> memref<120x128xf32, #tpu.memory_space<vmem>>
        %gather3A_728 = tpu.vector_load_idx %gather3A_727[%min3A_21, %and3A_708] : memref<120x128xf32, #tpu.memory_space<vmem>>[vector<16xi32>, vector<16xi32>], vector<16xf32>,
        %mul3A_729 = arith.mulf %gather3A_728, %gather3A_709 : vector<16xf32>
        %add3A_730 = arith.addf %add3A_666, %mul3A_729 : vector<16xf32>
        %gather3A_731 = arith.constant 0 : i32
        %gather3A_732 = arith.constant 0 : i32
        %gather3A_733 = tpu.memref_slice %arg12[%scan3A_386, %gather3A_731, %gather3A_732] : memref<4x120x128xf32, #tpu.memory_space<vmem>> -> memref<1x120x128xf32, #tpu.memory_space<vmem>>
        %gather3A_734 = tpu.memref_squeeze %gather3A_733 : memref<1x120x128xf32, #tpu.memory_space<vmem>> -> memref<120x128xf32, #tpu.memory_space<vmem>>
        %gather3A_735 = tpu.vector_load_idx %gather3A_734[%min3A_28, %and3A_708] : memref<120x128xf32, #tpu.memory_space<vmem>>[vector<16xi32>, vector<16xi32>], vector<16xf32>,
        %mul3A_736 = arith.mulf %gather3A_735, %gather3A_709 : vector<16xf32>
        %add3A_737 = arith.addf %add3A_673, %mul3A_736 : vector<16xf32>
        %gather3A_738 = arith.constant 0 : i32
        %gather3A_739 = arith.constant 0 : i32
        %gather3A_740 = tpu.memref_slice %arg12[%scan3A_386, %gather3A_738, %gather3A_739] : memref<4x120x128xf32, #tpu.memory_space<vmem>> -> memref<1x120x128xf32, #tpu.memory_space<vmem>>
        %gather3A_741 = tpu.memref_squeeze %gather3A_740 : memref<1x120x128xf32, #tpu.memory_space<vmem>> -> memref<120x128xf32, #tpu.memory_space<vmem>>
        %gather3A_742 = tpu.vector_load_idx %gather3A_741[%min3A_35, %and3A_708] : memref<120x128xf32, #tpu.memory_space<vmem>>[vector<16xi32>, vector<16xi32>], vector<16xf32>,
        %mul3A_743 = arith.mulf %gather3A_742, %gather3A_709 : vector<16xf32>
        %add3A_744 = arith.addf %add3A_680, %mul3A_743 : vector<16xf32>
        %gather3A_745 = arith.constant 0 : i32
        %gather3A_746 = arith.constant 0 : i32
        %gather3A_747 = tpu.memref_slice %arg12[%scan3A_386, %gather3A_745, %gather3A_746] : memref<4x120x128xf32, #tpu.memory_space<vmem>> -> memref<1x120x128xf32, #tpu.memory_space<vmem>>
        %gather3A_748 = tpu.memref_squeeze %gather3A_747 : memref<1x120x128xf32, #tpu.memory_space<vmem>> -> memref<120x128xf32, #tpu.memory_space<vmem>>
        %gather3A_749 = tpu.vector_load_idx %gather3A_748[%min3A_42, %and3A_708] : memref<120x128xf32, #tpu.memory_space<vmem>>[vector<16xi32>, vector<16xi32>], vector<16xf32>,
        %mul3A_750 = arith.mulf %gather3A_749, %gather3A_709 : vector<16xf32>
        %add3A_751 = arith.addf %add3A_687, %mul3A_750 : vector<16xf32>
        %gather3A_752 = arith.constant 0 : i32
        %gather3A_753 = arith.constant 0 : i32
        %gather3A_754 = tpu.memref_slice %arg12[%scan3A_386, %gather3A_752, %gather3A_753] : memref<4x120x128xf32, #tpu.memory_space<vmem>> -> memref<1x120x128xf32, #tpu.memory_space<vmem>>
        %gather3A_755 = tpu.memref_squeeze %gather3A_754 : memref<1x120x128xf32, #tpu.memory_space<vmem>> -> memref<120x128xf32, #tpu.memory_space<vmem>>
        %gather3A_756 = tpu.vector_load_idx %gather3A_755[%min3A_49, %and3A_708] : memref<120x128xf32, #tpu.memory_space<vmem>>[vector<16xi32>, vector<16xi32>], vector<16xf32>,
        %mul3A_757 = arith.mulf %gather3A_756, %gather3A_709 : vector<16xf32>
        %add3A_758 = arith.addf %add3A_694, %mul3A_757 : vector<16xf32>
        %gather3A_759 = arith.constant 0 : i32
        %gather3A_760 = arith.constant 0 : i32
        %gather3A_761 = tpu.memref_slice %arg12[%scan3A_386, %gather3A_759, %gather3A_760] : memref<4x120x128xf32, #tpu.memory_space<vmem>> -> memref<1x120x128xf32, #tpu.memory_space<vmem>>
        %gather3A_762 = tpu.memref_squeeze %gather3A_761 : memref<1x120x128xf32, #tpu.memory_space<vmem>> -> memref<120x128xf32, #tpu.memory_space<vmem>>
        %gather3A_763 = tpu.vector_load_idx %gather3A_762[%min3A_56, %and3A_708] : memref<120x128xf32, #tpu.memory_space<vmem>>[vector<16xi32>, vector<16xi32>], vector<16xf32>,
        %mul3A_764 = arith.mulf %gather3A_763, %gather3A_709 : vector<16xf32>
        %add3A_765 = arith.addf %add3A_701, %mul3A_764 : vector<16xf32>
        scf.yield %add3A_716, %add3A_723, %add3A_730, %add3A_737, %add3A_744, %add3A_751, %add3A_758, %add3A_765 : vector<16xf32>, vector<16xf32>, vector<16xf32>, vector<16xf32>, vector<16xf32>, vector<16xf32>, vector<16xf32>, vector<16xf32>
      }
      %scan3A_392 = arith.constant 128 : i32
      %swap3A_393 = arith.index_cast %add3A_331 : i32 to index
      %swap3A_394 = arith.constant 0 : index
      %swap3A_395 = tpu.vector_load %arg13[%swap3A_393, %swap3A_394] {strides = array<i32>} : memref<128x128xf32, #tpu.memory_space<vmem>>, vector<16xf32>,
      tpu.vector_store %arg13[%swap3A_393, %swap3A_394], %scan3A_391#0 {strides = array<i32>} : memref<128x128xf32, #tpu.memory_space<vmem>>, vector<16xf32>,
      %swap3A_396 = arith.index_cast %add3A_331 : i32 to index
      %swap3A_397 = arith.constant 16 : index
      %swap3A_398 = tpu.vector_load %arg13[%swap3A_396, %swap3A_397] {strides = array<i32>} : memref<128x128xf32, #tpu.memory_space<vmem>>, vector<16xf32>,
      tpu.vector_store %arg13[%swap3A_396, %swap3A_397], %scan3A_391#1 {strides = array<i32>} : memref<128x128xf32, #tpu.memory_space<vmem>>, vector<16xf32>,
      %swap3A_399 = arith.index_cast %add3A_331 : i32 to index
      %swap3A_400 = arith.constant 32 : index
      %swap3A_401 = tpu.vector_load %arg13[%swap3A_399, %swap3A_400] {strides = array<i32>} : memref<128x128xf32, #tpu.memory_space<vmem>>, vector<16xf32>,
      tpu.vector_store %arg13[%swap3A_399, %swap3A_400], %scan3A_391#2 {strides = array<i32>} : memref<128x128xf32, #tpu.memory_space<vmem>>, vector<16xf32>,
      %swap3A_402 = arith.index_cast %add3A_331 : i32 to index
      %swap3A_403 = arith.constant 48 : index
      %swap3A_404 = tpu.vector_load %arg13[%swap3A_402, %swap3A_403] {strides = array<i32>} : memref<128x128xf32, #tpu.memory_space<vmem>>, vector<16xf32>,
      tpu.vector_store %arg13[%swap3A_402, %swap3A_403], %scan3A_391#3 {strides = array<i32>} : memref<128x128xf32, #tpu.memory_space<vmem>>, vector<16xf32>,
      %swap3A_405 = arith.index_cast %add3A_331 : i32 to index
      %swap3A_406 = arith.constant 64 : index
      %swap3A_407 = tpu.vector_load %arg13[%swap3A_405, %swap3A_406] {strides = array<i32>} : memref<128x128xf32, #tpu.memory_space<vmem>>, vector<16xf32>,
      tpu.vector_store %arg13[%swap3A_405, %swap3A_406], %scan3A_391#4 {strides = array<i32>} : memref<128x128xf32, #tpu.memory_space<vmem>>, vector<16xf32>,
      %swap3A_408 = arith.index_cast %add3A_331 : i32 to index
      %swap3A_409 = arith.constant 80 : index
      %swap3A_410 = tpu.vector_load %arg13[%swap3A_408, %swap3A_409] {strides = array<i32>} : memref<128x128xf32, #tpu.memory_space<vmem>>, vector<16xf32>,
      tpu.vector_store %arg13[%swap3A_408, %swap3A_409], %scan3A_391#5 {strides = array<i32>} : memref<128x128xf32, #tpu.memory_space<vmem>>, vector<16xf32>,
      %swap3A_411 = arith.index_cast %add3A_331 : i32 to index
      %swap3A_412 = arith.constant 96 : index
      %swap3A_413 = tpu.vector_load %arg13[%swap3A_411, %swap3A_412] {strides = array<i32>} : memref<128x128xf32, #tpu.memory_space<vmem>>, vector<16xf32>,
      tpu.vector_store %arg13[%swap3A_411, %swap3A_412], %scan3A_391#6 {strides = array<i32>} : memref<128x128xf32, #tpu.memory_space<vmem>>, vector<16xf32>,
      %swap3A_414 = arith.index_cast %add3A_331 : i32 to index
      %swap3A_415 = arith.constant 112 : index
      %swap3A_416 = tpu.vector_load %arg13[%swap3A_414, %swap3A_415] {strides = array<i32>} : memref<128x128xf32, #tpu.memory_space<vmem>>, vector<16xf32>,
      tpu.vector_store %arg13[%swap3A_414, %swap3A_415], %scan3A_391#7 {strides = array<i32>} : memref<128x128xf32, #tpu.memory_space<vmem>>, vector<16xf32>,
      %add3A_417 = arith.constant 3 : i32
      %add3A_418 = arith.addi %mul3A_161, %add3A_417 : i32
      %dma_wait3A_419 = arith.constant 3 : i32
      %dma_wait3A_420 = arith.constant 3 : i32
      %dma_wait3A_421 = arith.constant 0 : i32
      %dma_wait3A_422 = arith.constant 0 : i32
      %dma_wait3A_423 = tpu.memref_slice %arg12[%dma_wait3A_419, %dma_wait3A_421, %dma_wait3A_422] : memref<4x120x128xf32, #tpu.memory_space<vmem>> -> memref<1x20x128xf32, #tpu.memory_space<vmem>>
      %dma_wait3A_424 = tpu.memref_squeeze %dma_wait3A_423 : memref<1x20x128xf32, #tpu.memory_space<vmem>> -> memref<20x128xf32, #tpu.memory_space<vmem>>
      %dma_wait3A_425 = arith.constant 0 : i32
      %dma_wait3A_426 = tpu.memref_slice %arg9[%add3A_418, %dma_wait3A_425] : memref<128x20xi32, #tpu.memory_space<vmem>> -> memref<1x20xi32, #tpu.memory_space<vmem>>
      %dma_wait3A_427 = tpu.memref_squeeze %dma_wait3A_426 : memref<1x20xi32, #tpu.memory_space<vmem>> -> memref<20xi32, #tpu.memory_space<vmem>>
      %dma_wait3A_428 = arith.constant 0 : i32
      %dma_wait3A_429 = arith.constant 0 : i32
      %dma_wait3A_430 = tpu.memref_slice %arg3[%dma_wait3A_428, %dma_wait3A_429] : memref<100000x128xf32, #tpu.memory_space<hbm>> -> memref<100000x128xf32, #tpu.memory_space<hbm>>
      %dma_wait3A_431 = tpu.memref_slice %arg15[%dma_wait3A_420] : memref<4x!tpu.dma_semaphore, #tpu.memory_space<semaphore_mem>> -> memref<1x!tpu.dma_semaphore, #tpu.memory_space<semaphore_mem>>
      %dma_wait3A_432 = tpu.memref_squeeze %dma_wait3A_431 : memref<1x!tpu.dma_semaphore, #tpu.memory_space<semaphore_mem>> -> memref<!tpu.dma_semaphore, #tpu.memory_space<semaphore_mem>>
      tpu.wait_indirect_dma semaphore(%dma_wait3A_432 : memref<!tpu.dma_semaphore, #tpu.memory_space<semaphore_mem>>) src(%dma_wait3A_430 : memref<100000x128xf32, #tpu.memory_space<hbm>>) dst(%dma_wait3A_424 : memref<20x128xf32, #tpu.memory_space<vmem>>)
      %dma_wait3A_433 = arith.constant 3 : i32
      %dma_wait3A_434 = arith.constant 3 : i32
      %dma_wait3A_435 = arith.constant 20 : i32
      %dma_wait3A_436 = arith.constant 0 : i32
      %dma_wait3A_437 = tpu.memref_slice %arg12[%dma_wait3A_433, %dma_wait3A_435, %dma_wait3A_436] : memref<4x120x128xf32, #tpu.memory_space<vmem>> -> memref<1x100x128xf32, #tpu.memory_space<vmem>>
      %dma_wait3A_438 = tpu.memref_squeeze %dma_wait3A_437 : memref<1x100x128xf32, #tpu.memory_space<vmem>> -> memref<100x128xf32, #tpu.memory_space<vmem>>
      %dma_wait3A_439 = arith.constant 0 : i32
      %dma_wait3A_440 = tpu.memref_slice %arg10[%add3A_418, %dma_wait3A_439] : memref<128x100xi32, #tpu.memory_space<vmem>> -> memref<1x100xi32, #tpu.memory_space<vmem>>
      %dma_wait3A_441 = tpu.memref_squeeze %dma_wait3A_440 : memref<1x100xi32, #tpu.memory_space<vmem>> -> memref<100xi32, #tpu.memory_space<vmem>>
      %dma_wait3A_442 = arith.constant 0 : i32
      %dma_wait3A_443 = arith.constant 0 : i32
      %dma_wait3A_444 = tpu.memref_slice %arg3[%dma_wait3A_442, %dma_wait3A_443] : memref<100000x128xf32, #tpu.memory_space<hbm>> -> memref<100000x128xf32, #tpu.memory_space<hbm>>
      %dma_wait3A_445 = tpu.memref_slice %arg16[%dma_wait3A_434] : memref<4x!tpu.dma_semaphore, #tpu.memory_space<semaphore_mem>> -> memref<1x!tpu.dma_semaphore, #tpu.memory_space<semaphore_mem>>
      %dma_wait3A_446 = tpu.memref_squeeze %dma_wait3A_445 : memref<1x!tpu.dma_semaphore, #tpu.memory_space<semaphore_mem>> -> memref<!tpu.dma_semaphore, #tpu.memory_space<semaphore_mem>>
      tpu.wait_indirect_dma semaphore(%dma_wait3A_446 : memref<!tpu.dma_semaphore, #tpu.memory_space<semaphore_mem>>) src(%dma_wait3A_444 : memref<100000x128xf32, #tpu.memory_space<hbm>>) dst(%dma_wait3A_438 : memref<100x128xf32, #tpu.memory_space<vmem>>)
      %add3A_447 = arith.constant 4 : i32
      %add3A_448 = arith.addi %add3A_418, %add3A_447 : i32
      %sub3A_449 = arith.constant 1 : i32
      %sub3A_450 = arith.subi %add3A_448, %sub3A_449 : i32
      %lt3A_451 = arith.constant 128 : i32
      %lt3A_452 = arith.cmpi slt, %sub3A_450, %lt3A_451 : i32
      %convert_element_type3A_453 = arith.extui %lt3A_452 : i1 to i32
      %cond3A_454 = arith.constant 0 : i32
      %cond3A_455 = arith.cmpi ne, %convert_element_type3A_453, %cond3A_454 : i32
      scf.if %cond3A_455 {
        %add3A_505 = arith.constant 4 : i32
        %add3A_506 = arith.addi %add3A_418, %add3A_505 : i32
        %sub3A_507 = arith.constant 1 : i32
        %sub3A_508 = arith.subi %add3A_506, %sub3A_507 : i32
        %dma_start3A_509 = arith.constant 2 : i32
        %dma_start3A_510 = arith.constant 2 : i32
        %dma_start3A_511 = arith.constant 0 : i32
        %dma_start3A_512 = arith.constant 0 : i32
        %dma_start3A_513 = tpu.memref_slice %arg12[%dma_start3A_509, %dma_start3A_511, %dma_start3A_512] : memref<4x120x128xf32, #tpu.memory_space<vmem>> -> memref<1x20x128xf32, #tpu.memory_space<vmem>>
        %dma_start3A_514 = tpu.memref_squeeze %dma_start3A_513 : memref<1x20x128xf32, #tpu.memory_space<vmem>> -> memref<20x128xf32, #tpu.memory_space<vmem>>
        %dma_start3A_515 = arith.constant 0 : i32
        %dma_start3A_516 = tpu.memref_slice %arg9[%sub3A_508, %dma_start3A_515] : memref<128x20xi32, #tpu.memory_space<vmem>> -> memref<1x20xi32, #tpu.memory_space<vmem>>
        %dma_start3A_517 = tpu.memref_squeeze %dma_start3A_516 : memref<1x20xi32, #tpu.memory_space<vmem>> -> memref<20xi32, #tpu.memory_space<vmem>>
        %dma_start3A_518 = arith.constant 0 : i32
        %dma_start3A_519 = arith.constant 0 : i32
        %dma_start3A_520 = tpu.memref_slice %arg3[%dma_start3A_518, %dma_start3A_519] : memref<100000x128xf32, #tpu.memory_space<hbm>> -> memref<100000x128xf32, #tpu.memory_space<hbm>>
        %dma_start3A_521 = tpu.memref_slice %arg15[%dma_start3A_510] : memref<4x!tpu.dma_semaphore, #tpu.memory_space<semaphore_mem>> -> memref<1x!tpu.dma_semaphore, #tpu.memory_space<semaphore_mem>>
        %dma_start3A_522 = tpu.memref_squeeze %dma_start3A_521 : memref<1x!tpu.dma_semaphore, #tpu.memory_space<semaphore_mem>> -> memref<!tpu.dma_semaphore, #tpu.memory_space<semaphore_mem>>
        tpu.enqueue_indirect_dma source(%dma_start3A_520 : memref<100000x128xf32, #tpu.memory_space<hbm>>) target(%dma_start3A_514 : memref<20x128xf32, #tpu.memory_space<vmem>>) offsets(%dma_start3A_517 : memref<20xi32, #tpu.memory_space<vmem>>) semaphore(%dma_start3A_522 : memref<!tpu.dma_semaphore, #tpu.memory_space<semaphore_mem>>)
        %dma_start3A_523 = arith.constant 2 : i32
        %dma_start3A_524 = arith.constant 2 : i32
        %dma_start3A_525 = arith.constant 20 : i32
        %dma_start3A_526 = arith.constant 0 : i32
        %dma_start3A_527 = tpu.memref_slice %arg12[%dma_start3A_523, %dma_start3A_525, %dma_start3A_526] : memref<4x120x128xf32, #tpu.memory_space<vmem>> -> memref<1x100x128xf32, #tpu.memory_space<vmem>>
        %dma_start3A_528 = tpu.memref_squeeze %dma_start3A_527 : memref<1x100x128xf32, #tpu.memory_space<vmem>> -> memref<100x128xf32, #tpu.memory_space<vmem>>
        %dma_start3A_529 = arith.constant 0 : i32
        %dma_start3A_530 = tpu.memref_slice %arg10[%sub3A_508, %dma_start3A_529] : memref<128x100xi32, #tpu.memory_space<vmem>> -> memref<1x100xi32, #tpu.memory_space<vmem>>
        %dma_start3A_531 = tpu.memref_squeeze %dma_start3A_530 : memref<1x100xi32, #tpu.memory_space<vmem>> -> memref<100xi32, #tpu.memory_space<vmem>>
        %dma_start3A_532 = arith.constant 0 : i32
        %dma_start3A_533 = arith.constant 0 : i32
        %dma_start3A_534 = tpu.memref_slice %arg3[%dma_start3A_532, %dma_start3A_533] : memref<100000x128xf32, #tpu.memory_space<hbm>> -> memref<100000x128xf32, #tpu.memory_space<hbm>>
        %dma_start3A_535 = tpu.memref_slice %arg16[%dma_start3A_524] : memref<4x!tpu.dma_semaphore, #tpu.memory_space<semaphore_mem>> -> memref<1x!tpu.dma_semaphore, #tpu.memory_space<semaphore_mem>>
        %dma_start3A_536 = tpu.memref_squeeze %dma_start3A_535 : memref<1x!tpu.dma_semaphore, #tpu.memory_space<semaphore_mem>> -> memref<!tpu.dma_semaphore, #tpu.memory_space<semaphore_mem>>
        tpu.enqueue_indirect_dma source(%dma_start3A_534 : memref<100000x128xf32, #tpu.memory_space<hbm>>) target(%dma_start3A_528 : memref<100x128xf32, #tpu.memory_space<vmem>>) offsets(%dma_start3A_531 : memref<100xi32, #tpu.memory_space<vmem>>) semaphore(%dma_start3A_536 : memref<!tpu.dma_semaphore, #tpu.memory_space<semaphore_mem>>)
      } else {
      }
      %broadcast_in_dim3A_456 = vector.broadcast %add3A_418 : i32 to vector<16xi32>
      %broadcast_in_dim3A_457 = arith.constant 0.000000e+00 : f32
      %broadcast_in_dim3A_458 = vector.broadcast %broadcast_in_dim3A_457 : f32 to vector<16xf32>
      %broadcast_in_dim3A_459 = arith.constant 0.000000e+00 : f32
      %broadcast_in_dim3A_460 = vector.broadcast %broadcast_in_dim3A_459 : f32 to vector<16xf32>
      %broadcast_in_dim3A_461 = arith.constant 0.000000e+00 : f32
      %broadcast_in_dim3A_462 = vector.broadcast %broadcast_in_dim3A_461 : f32 to vector<16xf32>
      %broadcast_in_dim3A_463 = arith.constant 0.000000e+00 : f32
      %broadcast_in_dim3A_464 = vector.broadcast %broadcast_in_dim3A_463 : f32 to vector<16xf32>
      %broadcast_in_dim3A_465 = arith.constant 0.000000e+00 : f32
      %broadcast_in_dim3A_466 = vector.broadcast %broadcast_in_dim3A_465 : f32 to vector<16xf32>
      %broadcast_in_dim3A_467 = arith.constant 0.000000e+00 : f32
      %broadcast_in_dim3A_468 = vector.broadcast %broadcast_in_dim3A_467 : f32 to vector<16xf32>
      %broadcast_in_dim3A_469 = arith.constant 0.000000e+00 : f32
      %broadcast_in_dim3A_470 = vector.broadcast %broadcast_in_dim3A_469 : f32 to vector<16xf32>
      %broadcast_in_dim3A_471 = arith.constant 0.000000e+00 : f32
      %broadcast_in_dim3A_472 = vector.broadcast %broadcast_in_dim3A_471 : f32 to vector<16xf32>
      %scan3A_473 = arith.constant 3 : i32
      %scan3A_474 = arith.constant 0 : i32
      %scan3A_475 = arith.constant 128 : i32
      %scan3A_476 = arith.addi %scan3A_474, %scan3A_475 : i32
      %scan3A_477 = arith.constant 4 : i32
      %scan3A_478:8 = scf.for %scan3A_505 = %scan3A_474 to %scan3A_476 step %scan3A_477 iter_args(%scan3A_506 = %broadcast_in_dim3A_458, %scan3A_507 = %broadcast_in_dim3A_460, %scan3A_508 = %broadcast_in_dim3A_462, %scan3A_509 = %broadcast_in_dim3A_464, %scan3A_510 = %broadcast_in_dim3A_466, %scan3A_511 = %broadcast_in_dim3A_468, %scan3A_512 = %broadcast_in_dim3A_470, %scan3A_513 = %broadcast_in_dim3A_472) -> (vector<16xf32>, vector<16xf32>, vector<16xf32>, vector<16xf32>, vector<16xf32>, vector<16xf32>, vector<16xf32>, vector<16xf32>)  : i32 {
        %add3A_514 = vector.broadcast %scan3A_505 : i32 to vector<16xi32>
        %add3A_515 = arith.addi %iota3A_57, %add3A_514 : vector<16xi32>
        %and3A = arith.constant 127 : i32
        %and3A_516 = vector.broadcast %and3A : i32 to vector<16xi32>
        %and3A_517 = arith.andi %add3A_515, %and3A_516 : vector<16xi32>
        %gather3A = tpu.vector_load_idx %arg11[%broadcast_in_dim3A_456, %and3A_517] : memref<128x128xf32, #tpu.memory_space<vmem>>[vector<16xi32>, vector<16xi32>], vector<16xf32>,
        %gather3A_518 = arith.constant 0 : i32
        %gather3A_519 = arith.constant 0 : i32
        %gather3A_520 = tpu.memref_slice %arg12[%scan3A_473, %gather3A_518, %gather3A_519] : memref<4x120x128xf32, #tpu.memory_space<vmem>> -> memref<1x120x128xf32, #tpu.memory_space<vmem>>
        %gather3A_521 = tpu.memref_squeeze %gather3A_520 : memref<1x120x128xf32, #tpu.memory_space<vmem>> -> memref<120x128xf32, #tpu.memory_space<vmem>>
        %gather3A_522 = tpu.vector_load_idx %gather3A_521[%min3A_7, %and3A_517] : memref<120x128xf32, #tpu.memory_space<vmem>>[vector<16xi32>, vector<16xi32>], vector<16xf32>,
        %mul3A_523 = arith.mulf %gather3A_522, %gather3A : vector<16xf32>
        %add3A_524 = arith.addf %scan3A_506, %mul3A_523 : vector<16xf32>
        %gather3A_525 = arith.constant 0 : i32
        %gather3A_526 = arith.constant 0 : i32
        %gather3A_527 = tpu.memref_slice %arg12[%scan3A_473, %gather3A_525, %gather3A_526] : memref<4x120x128xf32, #tpu.memory_space<vmem>> -> memref<1x120x128xf32, #tpu.memory_space<vmem>>
        %gather3A_528 = tpu.memref_squeeze %gather3A_527 : memref<1x120x128xf32, #tpu.memory_space<vmem>> -> memref<120x128xf32, #tpu.memory_space<vmem>>
        %gather3A_529 = tpu.vector_load_idx %gather3A_528[%min3A_14, %and3A_517] : memref<120x128xf32, #tpu.memory_space<vmem>>[vector<16xi32>, vector<16xi32>], vector<16xf32>,
        %mul3A_530 = arith.mulf %gather3A_529, %gather3A : vector<16xf32>
        %add3A_531 = arith.addf %scan3A_507, %mul3A_530 : vector<16xf32>
        %gather3A_532 = arith.constant 0 : i32
        %gather3A_533 = arith.constant 0 : i32
        %gather3A_534 = tpu.memref_slice %arg12[%scan3A_473, %gather3A_532, %gather3A_533] : memref<4x120x128xf32, #tpu.memory_space<vmem>> -> memref<1x120x128xf32, #tpu.memory_space<vmem>>
        %gather3A_535 = tpu.memref_squeeze %gather3A_534 : memref<1x120x128xf32, #tpu.memory_space<vmem>> -> memref<120x128xf32, #tpu.memory_space<vmem>>
        %gather3A_536 = tpu.vector_load_idx %gather3A_535[%min3A_21, %and3A_517] : memref<120x128xf32, #tpu.memory_space<vmem>>[vector<16xi32>, vector<16xi32>], vector<16xf32>,
        %mul3A_537 = arith.mulf %gather3A_536, %gather3A : vector<16xf32>
        %add3A_538 = arith.addf %scan3A_508, %mul3A_537 : vector<16xf32>
        %gather3A_539 = arith.constant 0 : i32
        %gather3A_540 = arith.constant 0 : i32
        %gather3A_541 = tpu.memref_slice %arg12[%scan3A_473, %gather3A_539, %gather3A_540] : memref<4x120x128xf32, #tpu.memory_space<vmem>> -> memref<1x120x128xf32, #tpu.memory_space<vmem>>
        %gather3A_542 = tpu.memref_squeeze %gather3A_541 : memref<1x120x128xf32, #tpu.memory_space<vmem>> -> memref<120x128xf32, #tpu.memory_space<vmem>>
        %gather3A_543 = tpu.vector_load_idx %gather3A_542[%min3A_28, %and3A_517] : memref<120x128xf32, #tpu.memory_space<vmem>>[vector<16xi32>, vector<16xi32>], vector<16xf32>,
        %mul3A_544 = arith.mulf %gather3A_543, %gather3A : vector<16xf32>
        %add3A_545 = arith.addf %scan3A_509, %mul3A_544 : vector<16xf32>
        %gather3A_546 = arith.constant 0 : i32
        %gather3A_547 = arith.constant 0 : i32
        %gather3A_548 = tpu.memref_slice %arg12[%scan3A_473, %gather3A_546, %gather3A_547] : memref<4x120x128xf32, #tpu.memory_space<vmem>> -> memref<1x120x128xf32, #tpu.memory_space<vmem>>
        %gather3A_549 = tpu.memref_squeeze %gather3A_548 : memref<1x120x128xf32, #tpu.memory_space<vmem>> -> memref<120x128xf32, #tpu.memory_space<vmem>>
        %gather3A_550 = tpu.vector_load_idx %gather3A_549[%min3A_35, %and3A_517] : memref<120x128xf32, #tpu.memory_space<vmem>>[vector<16xi32>, vector<16xi32>], vector<16xf32>,
        %mul3A_551 = arith.mulf %gather3A_550, %gather3A : vector<16xf32>
        %add3A_552 = arith.addf %scan3A_510, %mul3A_551 : vector<16xf32>
        %gather3A_553 = arith.constant 0 : i32
        %gather3A_554 = arith.constant 0 : i32
        %gather3A_555 = tpu.memref_slice %arg12[%scan3A_473, %gather3A_553, %gather3A_554] : memref<4x120x128xf32, #tpu.memory_space<vmem>> -> memref<1x120x128xf32, #tpu.memory_space<vmem>>
        %gather3A_556 = tpu.memref_squeeze %gather3A_555 : memref<1x120x128xf32, #tpu.memory_space<vmem>> -> memref<120x128xf32, #tpu.memory_space<vmem>>
        %gather3A_557 = tpu.vector_load_idx %gather3A_556[%min3A_42, %and3A_517] : memref<120x128xf32, #tpu.memory_space<vmem>>[vector<16xi32>, vector<16xi32>], vector<16xf32>,
        %mul3A_558 = arith.mulf %gather3A_557, %gather3A : vector<16xf32>
        %add3A_559 = arith.addf %scan3A_511, %mul3A_558 : vector<16xf32>
        %gather3A_560 = arith.constant 0 : i32
        %gather3A_561 = arith.constant 0 : i32
        %gather3A_562 = tpu.memref_slice %arg12[%scan3A_473, %gather3A_560, %gather3A_561] : memref<4x120x128xf32, #tpu.memory_space<vmem>> -> memref<1x120x128xf32, #tpu.memory_space<vmem>>
        %gather3A_563 = tpu.memref_squeeze %gather3A_562 : memref<1x120x128xf32, #tpu.memory_space<vmem>> -> memref<120x128xf32, #tpu.memory_space<vmem>>
        %gather3A_564 = tpu.vector_load_idx %gather3A_563[%min3A_49, %and3A_517] : memref<120x128xf32, #tpu.memory_space<vmem>>[vector<16xi32>, vector<16xi32>], vector<16xf32>,
        %mul3A_565 = arith.mulf %gather3A_564, %gather3A : vector<16xf32>
        %add3A_566 = arith.addf %scan3A_512, %mul3A_565 : vector<16xf32>
        %gather3A_567 = arith.constant 0 : i32
        %gather3A_568 = arith.constant 0 : i32
        %gather3A_569 = tpu.memref_slice %arg12[%scan3A_473, %gather3A_567, %gather3A_568] : memref<4x120x128xf32, #tpu.memory_space<vmem>> -> memref<1x120x128xf32, #tpu.memory_space<vmem>>
        %gather3A_570 = tpu.memref_squeeze %gather3A_569 : memref<1x120x128xf32, #tpu.memory_space<vmem>> -> memref<120x128xf32, #tpu.memory_space<vmem>>
        %gather3A_571 = tpu.vector_load_idx %gather3A_570[%min3A_56, %and3A_517] : memref<120x128xf32, #tpu.memory_space<vmem>>[vector<16xi32>, vector<16xi32>], vector<16xf32>,
        %mul3A_572 = arith.mulf %gather3A_571, %gather3A : vector<16xf32>
        %add3A_573 = arith.addf %scan3A_513, %mul3A_572 : vector<16xf32>
        %scan3A_574 = arith.constant 1 : i32
        %scan3A_575 = arith.addi %scan3A_505, %scan3A_574 : i32
        %add3A_576 = vector.broadcast %scan3A_575 : i32 to vector<16xi32>
        %add3A_577 = arith.addi %iota3A_57, %add3A_576 : vector<16xi32>
        %and3A_578 = arith.constant 127 : i32
        %and3A_579 = vector.broadcast %and3A_578 : i32 to vector<16xi32>
        %and3A_580 = arith.andi %add3A_577, %and3A_579 : vector<16xi32>
        %gather3A_581 = tpu.vector_load_idx %arg11[%broadcast_in_dim3A_456, %and3A_580] : memref<128x128xf32, #tpu.memory_space<vmem>>[vector<16xi32>, vector<16xi32>], vector<16xf32>,
        %gather3A_582 = arith.constant 0 : i32
        %gather3A_583 = arith.constant 0 : i32
        %gather3A_584 = tpu.memref_slice %arg12[%scan3A_473, %gather3A_582, %gather3A_583] : memref<4x120x128xf32, #tpu.memory_space<vmem>> -> memref<1x120x128xf32, #tpu.memory_space<vmem>>
        %gather3A_585 = tpu.memref_squeeze %gather3A_584 : memref<1x120x128xf32, #tpu.memory_space<vmem>> -> memref<120x128xf32, #tpu.memory_space<vmem>>
        %gather3A_586 = tpu.vector_load_idx %gather3A_585[%min3A_7, %and3A_580] : memref<120x128xf32, #tpu.memory_space<vmem>>[vector<16xi32>, vector<16xi32>], vector<16xf32>,
        %mul3A_587 = arith.mulf %gather3A_586, %gather3A_581 : vector<16xf32>
        %add3A_588 = arith.addf %add3A_524, %mul3A_587 : vector<16xf32>
        %gather3A_589 = arith.constant 0 : i32
        %gather3A_590 = arith.constant 0 : i32
        %gather3A_591 = tpu.memref_slice %arg12[%scan3A_473, %gather3A_589, %gather3A_590] : memref<4x120x128xf32, #tpu.memory_space<vmem>> -> memref<1x120x128xf32, #tpu.memory_space<vmem>>
        %gather3A_592 = tpu.memref_squeeze %gather3A_591 : memref<1x120x128xf32, #tpu.memory_space<vmem>> -> memref<120x128xf32, #tpu.memory_space<vmem>>
        %gather3A_593 = tpu.vector_load_idx %gather3A_592[%min3A_14, %and3A_580] : memref<120x128xf32, #tpu.memory_space<vmem>>[vector<16xi32>, vector<16xi32>], vector<16xf32>,
        %mul3A_594 = arith.mulf %gather3A_593, %gather3A_581 : vector<16xf32>
        %add3A_595 = arith.addf %add3A_531, %mul3A_594 : vector<16xf32>
        %gather3A_596 = arith.constant 0 : i32
        %gather3A_597 = arith.constant 0 : i32
        %gather3A_598 = tpu.memref_slice %arg12[%scan3A_473, %gather3A_596, %gather3A_597] : memref<4x120x128xf32, #tpu.memory_space<vmem>> -> memref<1x120x128xf32, #tpu.memory_space<vmem>>
        %gather3A_599 = tpu.memref_squeeze %gather3A_598 : memref<1x120x128xf32, #tpu.memory_space<vmem>> -> memref<120x128xf32, #tpu.memory_space<vmem>>
        %gather3A_600 = tpu.vector_load_idx %gather3A_599[%min3A_21, %and3A_580] : memref<120x128xf32, #tpu.memory_space<vmem>>[vector<16xi32>, vector<16xi32>], vector<16xf32>,
        %mul3A_601 = arith.mulf %gather3A_600, %gather3A_581 : vector<16xf32>
        %add3A_602 = arith.addf %add3A_538, %mul3A_601 : vector<16xf32>
        %gather3A_603 = arith.constant 0 : i32
        %gather3A_604 = arith.constant 0 : i32
        %gather3A_605 = tpu.memref_slice %arg12[%scan3A_473, %gather3A_603, %gather3A_604] : memref<4x120x128xf32, #tpu.memory_space<vmem>> -> memref<1x120x128xf32, #tpu.memory_space<vmem>>
        %gather3A_606 = tpu.memref_squeeze %gather3A_605 : memref<1x120x128xf32, #tpu.memory_space<vmem>> -> memref<120x128xf32, #tpu.memory_space<vmem>>
        %gather3A_607 = tpu.vector_load_idx %gather3A_606[%min3A_28, %and3A_580] : memref<120x128xf32, #tpu.memory_space<vmem>>[vector<16xi32>, vector<16xi32>], vector<16xf32>,
        %mul3A_608 = arith.mulf %gather3A_607, %gather3A_581 : vector<16xf32>
        %add3A_609 = arith.addf %add3A_545, %mul3A_608 : vector<16xf32>
        %gather3A_610 = arith.constant 0 : i32
        %gather3A_611 = arith.constant 0 : i32
        %gather3A_612 = tpu.memref_slice %arg12[%scan3A_473, %gather3A_610, %gather3A_611] : memref<4x120x128xf32, #tpu.memory_space<vmem>> -> memref<1x120x128xf32, #tpu.memory_space<vmem>>
        %gather3A_613 = tpu.memref_squeeze %gather3A_612 : memref<1x120x128xf32, #tpu.memory_space<vmem>> -> memref<120x128xf32, #tpu.memory_space<vmem>>
        %gather3A_614 = tpu.vector_load_idx %gather3A_613[%min3A_35, %and3A_580] : memref<120x128xf32, #tpu.memory_space<vmem>>[vector<16xi32>, vector<16xi32>], vector<16xf32>,
        %mul3A_615 = arith.mulf %gather3A_614, %gather3A_581 : vector<16xf32>
        %add3A_616 = arith.addf %add3A_552, %mul3A_615 : vector<16xf32>
        %gather3A_617 = arith.constant 0 : i32
        %gather3A_618 = arith.constant 0 : i32
        %gather3A_619 = tpu.memref_slice %arg12[%scan3A_473, %gather3A_617, %gather3A_618] : memref<4x120x128xf32, #tpu.memory_space<vmem>> -> memref<1x120x128xf32, #tpu.memory_space<vmem>>
        %gather3A_620 = tpu.memref_squeeze %gather3A_619 : memref<1x120x128xf32, #tpu.memory_space<vmem>> -> memref<120x128xf32, #tpu.memory_space<vmem>>
        %gather3A_621 = tpu.vector_load_idx %gather3A_620[%min3A_42, %and3A_580] : memref<120x128xf32, #tpu.memory_space<vmem>>[vector<16xi32>, vector<16xi32>], vector<16xf32>,
        %mul3A_622 = arith.mulf %gather3A_621, %gather3A_581 : vector<16xf32>
        %add3A_623 = arith.addf %add3A_559, %mul3A_622 : vector<16xf32>
        %gather3A_624 = arith.constant 0 : i32
        %gather3A_625 = arith.constant 0 : i32
        %gather3A_626 = tpu.memref_slice %arg12[%scan3A_473, %gather3A_624, %gather3A_625] : memref<4x120x128xf32, #tpu.memory_space<vmem>> -> memref<1x120x128xf32, #tpu.memory_space<vmem>>
        %gather3A_627 = tpu.memref_squeeze %gather3A_626 : memref<1x120x128xf32, #tpu.memory_space<vmem>> -> memref<120x128xf32, #tpu.memory_space<vmem>>
        %gather3A_628 = tpu.vector_load_idx %gather3A_627[%min3A_49, %and3A_580] : memref<120x128xf32, #tpu.memory_space<vmem>>[vector<16xi32>, vector<16xi32>], vector<16xf32>,
        %mul3A_629 = arith.mulf %gather3A_628, %gather3A_581 : vector<16xf32>
        %add3A_630 = arith.addf %add3A_566, %mul3A_629 : vector<16xf32>
        %gather3A_631 = arith.constant 0 : i32
        %gather3A_632 = arith.constant 0 : i32
        %gather3A_633 = tpu.memref_slice %arg12[%scan3A_473, %gather3A_631, %gather3A_632] : memref<4x120x128xf32, #tpu.memory_space<vmem>> -> memref<1x120x128xf32, #tpu.memory_space<vmem>>
        %gather3A_634 = tpu.memref_squeeze %gather3A_633 : memref<1x120x128xf32, #tpu.memory_space<vmem>> -> memref<120x128xf32, #tpu.memory_space<vmem>>
        %gather3A_635 = tpu.vector_load_idx %gather3A_634[%min3A_56, %and3A_580] : memref<120x128xf32, #tpu.memory_space<vmem>>[vector<16xi32>, vector<16xi32>], vector<16xf32>,
        %mul3A_636 = arith.mulf %gather3A_635, %gather3A_581 : vector<16xf32>
        %add3A_637 = arith.addf %add3A_573, %mul3A_636 : vector<16xf32>
        %scan3A_638 = arith.constant 2 : i32
        %scan3A_639 = arith.addi %scan3A_505, %scan3A_638 : i32
        %add3A_640 = vector.broadcast %scan3A_639 : i32 to vector<16xi32>
        %add3A_641 = arith.addi %iota3A_57, %add3A_640 : vector<16xi32>
        %and3A_642 = arith.constant 127 : i32
        %and3A_643 = vector.broadcast %and3A_642 : i32 to vector<16xi32>
        %and3A_644 = arith.andi %add3A_641, %and3A_643 : vector<16xi32>
        %gather3A_645 = tpu.vector_load_idx %arg11[%broadcast_in_dim3A_456, %and3A_644] : memref<128x128xf32, #tpu.memory_space<vmem>>[vector<16xi32>, vector<16xi32>], vector<16xf32>,
        %gather3A_646 = arith.constant 0 : i32
        %gather3A_647 = arith.constant 0 : i32
        %gather3A_648 = tpu.memref_slice %arg12[%scan3A_473, %gather3A_646, %gather3A_647] : memref<4x120x128xf32, #tpu.memory_space<vmem>> -> memref<1x120x128xf32, #tpu.memory_space<vmem>>
        %gather3A_649 = tpu.memref_squeeze %gather3A_648 : memref<1x120x128xf32, #tpu.memory_space<vmem>> -> memref<120x128xf32, #tpu.memory_space<vmem>>
        %gather3A_650 = tpu.vector_load_idx %gather3A_649[%min3A_7, %and3A_644] : memref<120x128xf32, #tpu.memory_space<vmem>>[vector<16xi32>, vector<16xi32>], vector<16xf32>,
        %mul3A_651 = arith.mulf %gather3A_650, %gather3A_645 : vector<16xf32>
        %add3A_652 = arith.addf %add3A_588, %mul3A_651 : vector<16xf32>
        %gather3A_653 = arith.constant 0 : i32
        %gather3A_654 = arith.constant 0 : i32
        %gather3A_655 = tpu.memref_slice %arg12[%scan3A_473, %gather3A_653, %gather3A_654] : memref<4x120x128xf32, #tpu.memory_space<vmem>> -> memref<1x120x128xf32, #tpu.memory_space<vmem>>
        %gather3A_656 = tpu.memref_squeeze %gather3A_655 : memref<1x120x128xf32, #tpu.memory_space<vmem>> -> memref<120x128xf32, #tpu.memory_space<vmem>>
        %gather3A_657 = tpu.vector_load_idx %gather3A_656[%min3A_14, %and3A_644] : memref<120x128xf32, #tpu.memory_space<vmem>>[vector<16xi32>, vector<16xi32>], vector<16xf32>,
        %mul3A_658 = arith.mulf %gather3A_657, %gather3A_645 : vector<16xf32>
        %add3A_659 = arith.addf %add3A_595, %mul3A_658 : vector<16xf32>
        %gather3A_660 = arith.constant 0 : i32
        %gather3A_661 = arith.constant 0 : i32
        %gather3A_662 = tpu.memref_slice %arg12[%scan3A_473, %gather3A_660, %gather3A_661] : memref<4x120x128xf32, #tpu.memory_space<vmem>> -> memref<1x120x128xf32, #tpu.memory_space<vmem>>
        %gather3A_663 = tpu.memref_squeeze %gather3A_662 : memref<1x120x128xf32, #tpu.memory_space<vmem>> -> memref<120x128xf32, #tpu.memory_space<vmem>>
        %gather3A_664 = tpu.vector_load_idx %gather3A_663[%min3A_21, %and3A_644] : memref<120x128xf32, #tpu.memory_space<vmem>>[vector<16xi32>, vector<16xi32>], vector<16xf32>,
        %mul3A_665 = arith.mulf %gather3A_664, %gather3A_645 : vector<16xf32>
        %add3A_666 = arith.addf %add3A_602, %mul3A_665 : vector<16xf32>
        %gather3A_667 = arith.constant 0 : i32
        %gather3A_668 = arith.constant 0 : i32
        %gather3A_669 = tpu.memref_slice %arg12[%scan3A_473, %gather3A_667, %gather3A_668] : memref<4x120x128xf32, #tpu.memory_space<vmem>> -> memref<1x120x128xf32, #tpu.memory_space<vmem>>
        %gather3A_670 = tpu.memref_squeeze %gather3A_669 : memref<1x120x128xf32, #tpu.memory_space<vmem>> -> memref<120x128xf32, #tpu.memory_space<vmem>>
        %gather3A_671 = tpu.vector_load_idx %gather3A_670[%min3A_28, %and3A_644] : memref<120x128xf32, #tpu.memory_space<vmem>>[vector<16xi32>, vector<16xi32>], vector<16xf32>,
        %mul3A_672 = arith.mulf %gather3A_671, %gather3A_645 : vector<16xf32>
        %add3A_673 = arith.addf %add3A_609, %mul3A_672 : vector<16xf32>
        %gather3A_674 = arith.constant 0 : i32
        %gather3A_675 = arith.constant 0 : i32
        %gather3A_676 = tpu.memref_slice %arg12[%scan3A_473, %gather3A_674, %gather3A_675] : memref<4x120x128xf32, #tpu.memory_space<vmem>> -> memref<1x120x128xf32, #tpu.memory_space<vmem>>
        %gather3A_677 = tpu.memref_squeeze %gather3A_676 : memref<1x120x128xf32, #tpu.memory_space<vmem>> -> memref<120x128xf32, #tpu.memory_space<vmem>>
        %gather3A_678 = tpu.vector_load_idx %gather3A_677[%min3A_35, %and3A_644] : memref<120x128xf32, #tpu.memory_space<vmem>>[vector<16xi32>, vector<16xi32>], vector<16xf32>,
        %mul3A_679 = arith.mulf %gather3A_678, %gather3A_645 : vector<16xf32>
        %add3A_680 = arith.addf %add3A_616, %mul3A_679 : vector<16xf32>
        %gather3A_681 = arith.constant 0 : i32
        %gather3A_682 = arith.constant 0 : i32
        %gather3A_683 = tpu.memref_slice %arg12[%scan3A_473, %gather3A_681, %gather3A_682] : memref<4x120x128xf32, #tpu.memory_space<vmem>> -> memref<1x120x128xf32, #tpu.memory_space<vmem>>
        %gather3A_684 = tpu.memref_squeeze %gather3A_683 : memref<1x120x128xf32, #tpu.memory_space<vmem>> -> memref<120x128xf32, #tpu.memory_space<vmem>>
        %gather3A_685 = tpu.vector_load_idx %gather3A_684[%min3A_42, %and3A_644] : memref<120x128xf32, #tpu.memory_space<vmem>>[vector<16xi32>, vector<16xi32>], vector<16xf32>,
        %mul3A_686 = arith.mulf %gather3A_685, %gather3A_645 : vector<16xf32>
        %add3A_687 = arith.addf %add3A_623, %mul3A_686 : vector<16xf32>
        %gather3A_688 = arith.constant 0 : i32
        %gather3A_689 = arith.constant 0 : i32
        %gather3A_690 = tpu.memref_slice %arg12[%scan3A_473, %gather3A_688, %gather3A_689] : memref<4x120x128xf32, #tpu.memory_space<vmem>> -> memref<1x120x128xf32, #tpu.memory_space<vmem>>
        %gather3A_691 = tpu.memref_squeeze %gather3A_690 : memref<1x120x128xf32, #tpu.memory_space<vmem>> -> memref<120x128xf32, #tpu.memory_space<vmem>>
        %gather3A_692 = tpu.vector_load_idx %gather3A_691[%min3A_49, %and3A_644] : memref<120x128xf32, #tpu.memory_space<vmem>>[vector<16xi32>, vector<16xi32>], vector<16xf32>,
        %mul3A_693 = arith.mulf %gather3A_692, %gather3A_645 : vector<16xf32>
        %add3A_694 = arith.addf %add3A_630, %mul3A_693 : vector<16xf32>
        %gather3A_695 = arith.constant 0 : i32
        %gather3A_696 = arith.constant 0 : i32
        %gather3A_697 = tpu.memref_slice %arg12[%scan3A_473, %gather3A_695, %gather3A_696] : memref<4x120x128xf32, #tpu.memory_space<vmem>> -> memref<1x120x128xf32, #tpu.memory_space<vmem>>
        %gather3A_698 = tpu.memref_squeeze %gather3A_697 : memref<1x120x128xf32, #tpu.memory_space<vmem>> -> memref<120x128xf32, #tpu.memory_space<vmem>>
        %gather3A_699 = tpu.vector_load_idx %gather3A_698[%min3A_56, %and3A_644] : memref<120x128xf32, #tpu.memory_space<vmem>>[vector<16xi32>, vector<16xi32>], vector<16xf32>,
        %mul3A_700 = arith.mulf %gather3A_699, %gather3A_645 : vector<16xf32>
        %add3A_701 = arith.addf %add3A_637, %mul3A_700 : vector<16xf32>
        %scan3A_702 = arith.constant 3 : i32
        %scan3A_703 = arith.addi %scan3A_505, %scan3A_702 : i32
        %add3A_704 = vector.broadcast %scan3A_703 : i32 to vector<16xi32>
        %add3A_705 = arith.addi %iota3A_57, %add3A_704 : vector<16xi32>
        %and3A_706 = arith.constant 127 : i32
        %and3A_707 = vector.broadcast %and3A_706 : i32 to vector<16xi32>
        %and3A_708 = arith.andi %add3A_705, %and3A_707 : vector<16xi32>
        %gather3A_709 = tpu.vector_load_idx %arg11[%broadcast_in_dim3A_456, %and3A_708] : memref<128x128xf32, #tpu.memory_space<vmem>>[vector<16xi32>, vector<16xi32>], vector<16xf32>,
        %gather3A_710 = arith.constant 0 : i32
        %gather3A_711 = arith.constant 0 : i32
        %gather3A_712 = tpu.memref_slice %arg12[%scan3A_473, %gather3A_710, %gather3A_711] : memref<4x120x128xf32, #tpu.memory_space<vmem>> -> memref<1x120x128xf32, #tpu.memory_space<vmem>>
        %gather3A_713 = tpu.memref_squeeze %gather3A_712 : memref<1x120x128xf32, #tpu.memory_space<vmem>> -> memref<120x128xf32, #tpu.memory_space<vmem>>
        %gather3A_714 = tpu.vector_load_idx %gather3A_713[%min3A_7, %and3A_708] : memref<120x128xf32, #tpu.memory_space<vmem>>[vector<16xi32>, vector<16xi32>], vector<16xf32>,
        %mul3A_715 = arith.mulf %gather3A_714, %gather3A_709 : vector<16xf32>
        %add3A_716 = arith.addf %add3A_652, %mul3A_715 : vector<16xf32>
        %gather3A_717 = arith.constant 0 : i32
        %gather3A_718 = arith.constant 0 : i32
        %gather3A_719 = tpu.memref_slice %arg12[%scan3A_473, %gather3A_717, %gather3A_718] : memref<4x120x128xf32, #tpu.memory_space<vmem>> -> memref<1x120x128xf32, #tpu.memory_space<vmem>>
        %gather3A_720 = tpu.memref_squeeze %gather3A_719 : memref<1x120x128xf32, #tpu.memory_space<vmem>> -> memref<120x128xf32, #tpu.memory_space<vmem>>
        %gather3A_721 = tpu.vector_load_idx %gather3A_720[%min3A_14, %and3A_708] : memref<120x128xf32, #tpu.memory_space<vmem>>[vector<16xi32>, vector<16xi32>], vector<16xf32>,
        %mul3A_722 = arith.mulf %gather3A_721, %gather3A_709 : vector<16xf32>
        %add3A_723 = arith.addf %add3A_659, %mul3A_722 : vector<16xf32>
        %gather3A_724 = arith.constant 0 : i32
        %gather3A_725 = arith.constant 0 : i32
        %gather3A_726 = tpu.memref_slice %arg12[%scan3A_473, %gather3A_724, %gather3A_725] : memref<4x120x128xf32, #tpu.memory_space<vmem>> -> memref<1x120x128xf32, #tpu.memory_space<vmem>>
        %gather3A_727 = tpu.memref_squeeze %gather3A_726 : memref<1x120x128xf32, #tpu.memory_space<vmem>> -> memref<120x128xf32, #tpu.memory_space<vmem>>
        %gather3A_728 = tpu.vector_load_idx %gather3A_727[%min3A_21, %and3A_708] : memref<120x128xf32, #tpu.memory_space<vmem>>[vector<16xi32>, vector<16xi32>], vector<16xf32>,
        %mul3A_729 = arith.mulf %gather3A_728, %gather3A_709 : vector<16xf32>
        %add3A_730 = arith.addf %add3A_666, %mul3A_729 : vector<16xf32>
        %gather3A_731 = arith.constant 0 : i32
        %gather3A_732 = arith.constant 0 : i32
        %gather3A_733 = tpu.memref_slice %arg12[%scan3A_473, %gather3A_731, %gather3A_732] : memref<4x120x128xf32, #tpu.memory_space<vmem>> -> memref<1x120x128xf32, #tpu.memory_space<vmem>>
        %gather3A_734 = tpu.memref_squeeze %gather3A_733 : memref<1x120x128xf32, #tpu.memory_space<vmem>> -> memref<120x128xf32, #tpu.memory_space<vmem>>
        %gather3A_735 = tpu.vector_load_idx %gather3A_734[%min3A_28, %and3A_708] : memref<120x128xf32, #tpu.memory_space<vmem>>[vector<16xi32>, vector<16xi32>], vector<16xf32>,
        %mul3A_736 = arith.mulf %gather3A_735, %gather3A_709 : vector<16xf32>
        %add3A_737 = arith.addf %add3A_673, %mul3A_736 : vector<16xf32>
        %gather3A_738 = arith.constant 0 : i32
        %gather3A_739 = arith.constant 0 : i32
        %gather3A_740 = tpu.memref_slice %arg12[%scan3A_473, %gather3A_738, %gather3A_739] : memref<4x120x128xf32, #tpu.memory_space<vmem>> -> memref<1x120x128xf32, #tpu.memory_space<vmem>>
        %gather3A_741 = tpu.memref_squeeze %gather3A_740 : memref<1x120x128xf32, #tpu.memory_space<vmem>> -> memref<120x128xf32, #tpu.memory_space<vmem>>
        %gather3A_742 = tpu.vector_load_idx %gather3A_741[%min3A_35, %and3A_708] : memref<120x128xf32, #tpu.memory_space<vmem>>[vector<16xi32>, vector<16xi32>], vector<16xf32>,
        %mul3A_743 = arith.mulf %gather3A_742, %gather3A_709 : vector<16xf32>
        %add3A_744 = arith.addf %add3A_680, %mul3A_743 : vector<16xf32>
        %gather3A_745 = arith.constant 0 : i32
        %gather3A_746 = arith.constant 0 : i32
        %gather3A_747 = tpu.memref_slice %arg12[%scan3A_473, %gather3A_745, %gather3A_746] : memref<4x120x128xf32, #tpu.memory_space<vmem>> -> memref<1x120x128xf32, #tpu.memory_space<vmem>>
        %gather3A_748 = tpu.memref_squeeze %gather3A_747 : memref<1x120x128xf32, #tpu.memory_space<vmem>> -> memref<120x128xf32, #tpu.memory_space<vmem>>
        %gather3A_749 = tpu.vector_load_idx %gather3A_748[%min3A_42, %and3A_708] : memref<120x128xf32, #tpu.memory_space<vmem>>[vector<16xi32>, vector<16xi32>], vector<16xf32>,
        %mul3A_750 = arith.mulf %gather3A_749, %gather3A_709 : vector<16xf32>
        %add3A_751 = arith.addf %add3A_687, %mul3A_750 : vector<16xf32>
        %gather3A_752 = arith.constant 0 : i32
        %gather3A_753 = arith.constant 0 : i32
        %gather3A_754 = tpu.memref_slice %arg12[%scan3A_473, %gather3A_752, %gather3A_753] : memref<4x120x128xf32, #tpu.memory_space<vmem>> -> memref<1x120x128xf32, #tpu.memory_space<vmem>>
        %gather3A_755 = tpu.memref_squeeze %gather3A_754 : memref<1x120x128xf32, #tpu.memory_space<vmem>> -> memref<120x128xf32, #tpu.memory_space<vmem>>
        %gather3A_756 = tpu.vector_load_idx %gather3A_755[%min3A_49, %and3A_708] : memref<120x128xf32, #tpu.memory_space<vmem>>[vector<16xi32>, vector<16xi32>], vector<16xf32>,
        %mul3A_757 = arith.mulf %gather3A_756, %gather3A_709 : vector<16xf32>
        %add3A_758 = arith.addf %add3A_694, %mul3A_757 : vector<16xf32>
        %gather3A_759 = arith.constant 0 : i32
        %gather3A_760 = arith.constant 0 : i32
        %gather3A_761 = tpu.memref_slice %arg12[%scan3A_473, %gather3A_759, %gather3A_760] : memref<4x120x128xf32, #tpu.memory_space<vmem>> -> memref<1x120x128xf32, #tpu.memory_space<vmem>>
        %gather3A_762 = tpu.memref_squeeze %gather3A_761 : memref<1x120x128xf32, #tpu.memory_space<vmem>> -> memref<120x128xf32, #tpu.memory_space<vmem>>
        %gather3A_763 = tpu.vector_load_idx %gather3A_762[%min3A_56, %and3A_708] : memref<120x128xf32, #tpu.memory_space<vmem>>[vector<16xi32>, vector<16xi32>], vector<16xf32>,
        %mul3A_764 = arith.mulf %gather3A_763, %gather3A_709 : vector<16xf32>
        %add3A_765 = arith.addf %add3A_701, %mul3A_764 : vector<16xf32>
        scf.yield %add3A_716, %add3A_723, %add3A_730, %add3A_737, %add3A_744, %add3A_751, %add3A_758, %add3A_765 : vector<16xf32>, vector<16xf32>, vector<16xf32>, vector<16xf32>, vector<16xf32>, vector<16xf32>, vector<16xf32>, vector<16xf32>
      }
      %scan3A_479 = arith.constant 128 : i32
      %swap3A_480 = arith.index_cast %add3A_418 : i32 to index
      %swap3A_481 = arith.constant 0 : index
      %swap3A_482 = tpu.vector_load %arg13[%swap3A_480, %swap3A_481] {strides = array<i32>} : memref<128x128xf32, #tpu.memory_space<vmem>>, vector<16xf32>,
      tpu.vector_store %arg13[%swap3A_480, %swap3A_481], %scan3A_478#0 {strides = array<i32>} : memref<128x128xf32, #tpu.memory_space<vmem>>, vector<16xf32>,
      %swap3A_483 = arith.index_cast %add3A_418 : i32 to index
      %swap3A_484 = arith.constant 16 : index
      %swap3A_485 = tpu.vector_load %arg13[%swap3A_483, %swap3A_484] {strides = array<i32>} : memref<128x128xf32, #tpu.memory_space<vmem>>, vector<16xf32>,
      tpu.vector_store %arg13[%swap3A_483, %swap3A_484], %scan3A_478#1 {strides = array<i32>} : memref<128x128xf32, #tpu.memory_space<vmem>>, vector<16xf32>,
      %swap3A_486 = arith.index_cast %add3A_418 : i32 to index
      %swap3A_487 = arith.constant 32 : index
      %swap3A_488 = tpu.vector_load %arg13[%swap3A_486, %swap3A_487] {strides = array<i32>} : memref<128x128xf32, #tpu.memory_space<vmem>>, vector<16xf32>,
      tpu.vector_store %arg13[%swap3A_486, %swap3A_487], %scan3A_478#2 {strides = array<i32>} : memref<128x128xf32, #tpu.memory_space<vmem>>, vector<16xf32>,
      %swap3A_489 = arith.index_cast %add3A_418 : i32 to index
      %swap3A_490 = arith.constant 48 : index
      %swap3A_491 = tpu.vector_load %arg13[%swap3A_489, %swap3A_490] {strides = array<i32>} : memref<128x128xf32, #tpu.memory_space<vmem>>, vector<16xf32>,
      tpu.vector_store %arg13[%swap3A_489, %swap3A_490], %scan3A_478#3 {strides = array<i32>} : memref<128x128xf32, #tpu.memory_space<vmem>>, vector<16xf32>,
      %swap3A_492 = arith.index_cast %add3A_418 : i32 to index
      %swap3A_493 = arith.constant 64 : index
      %swap3A_494 = tpu.vector_load %arg13[%swap3A_492, %swap3A_493] {strides = array<i32>} : memref<128x128xf32, #tpu.memory_space<vmem>>, vector<16xf32>,
      tpu.vector_store %arg13[%swap3A_492, %swap3A_493], %scan3A_478#4 {strides = array<i32>} : memref<128x128xf32, #tpu.memory_space<vmem>>, vector<16xf32>,
      %swap3A_495 = arith.index_cast %add3A_418 : i32 to index
      %swap3A_496 = arith.constant 80 : index
      %swap3A_497 = tpu.vector_load %arg13[%swap3A_495, %swap3A_496] {strides = array<i32>} : memref<128x128xf32, #tpu.memory_space<vmem>>, vector<16xf32>,
      tpu.vector_store %arg13[%swap3A_495, %swap3A_496], %scan3A_478#5 {strides = array<i32>} : memref<128x128xf32, #tpu.memory_space<vmem>>, vector<16xf32>,
      %swap3A_498 = arith.index_cast %add3A_418 : i32 to index
      %swap3A_499 = arith.constant 96 : index
      %swap3A_500 = tpu.vector_load %arg13[%swap3A_498, %swap3A_499] {strides = array<i32>} : memref<128x128xf32, #tpu.memory_space<vmem>>, vector<16xf32>,
      tpu.vector_store %arg13[%swap3A_498, %swap3A_499], %scan3A_478#6 {strides = array<i32>} : memref<128x128xf32, #tpu.memory_space<vmem>>, vector<16xf32>,
      %swap3A_501 = arith.index_cast %add3A_418 : i32 to index
      %swap3A_502 = arith.constant 112 : index
      %swap3A_503 = tpu.vector_load %arg13[%swap3A_501, %swap3A_502] {strides = array<i32>} : memref<128x128xf32, #tpu.memory_space<vmem>>, vector<16xf32>,
      tpu.vector_store %arg13[%swap3A_501, %swap3A_502], %scan3A_478#7 {strides = array<i32>} : memref<128x128xf32, #tpu.memory_space<vmem>>, vector<16xf32>,
      %scan3A_504 = arith.constant 0 : i32
      scf.yield %scan3A_504 : i32
    }
    %scan3A_157 = arith.constant 32 : i32
    "tpu.region"() ({
      %run_scoped3A = tpu.sem_alloc : memref<!tpu.dma_semaphore, #tpu.memory_space<semaphore_mem>>
      %dma_start3A_158 = arith.constant 0 : i32
      %dma_start3A_159 = tpu.memref_slice %arg7[%mul3A_2, %dma_start3A_158] : memref<4096x128xf32, #tpu.memory_space<hbm>> -> memref<128x128xf32, #tpu.memory_space<hbm>>
      %dma_start3A_160 = arith.constant 0 : i32
      %dma_start3A_161 = tpu.memref_slice %arg7[%mul3A_2, %dma_start3A_160] : memref<4096x128xf32, #tpu.memory_space<hbm>> -> memref<128x128xf32, #tpu.memory_space<hbm>>
      tpu.enqueue_dma source(%arg13 : memref<128x128xf32, #tpu.memory_space<vmem>>) target(%dma_start3A_161 : memref<128x128xf32, #tpu.memory_space<hbm>>) target_semaphore(%run_scoped3A : memref<!tpu.dma_semaphore, #tpu.memory_space<semaphore_mem>>)
      %dma_wait3A_162 = arith.constant 0 : i32
      %dma_wait3A_163 = tpu.memref_slice %arg7[%mul3A_2, %dma_wait3A_162] : memref<4096x128xf32, #tpu.memory_space<hbm>> -> memref<128x128xf32, #tpu.memory_space<hbm>>
      %dma_wait3A_164 = arith.constant 0 : i32
      %dma_wait3A_165 = tpu.memref_slice %arg7[%mul3A_2, %dma_wait3A_164] : memref<4096x128xf32, #tpu.memory_space<hbm>> -> memref<128x128xf32, #tpu.memory_space<hbm>>
      tpu.wait_dma2 semaphore(%run_scoped3A : memref<!tpu.dma_semaphore, #tpu.memory_space<semaphore_mem>>) src(%arg13 : memref<128x128xf32, #tpu.memory_space<vmem>>) dst(%dma_wait3A_165 : memref<128x128xf32, #tpu.memory_space<hbm>>)
      tpu.yield
    }) : () -> ()
    return
  }
}

</mosaic_0001>

<sc_bundles>
// kernel: _sc_dots.3.cloned.1.call-start
scs
__scs_entry_jumppad:
0x0: {  	(pc) =	sbr.rel $0x88, $3  }
0x1: {  	(tag) =	ssettag $0x0;
	lr =	simm.s32 $0x1  }
0x2: {  	[smem:$0x3F9C] =	sst lr;
	_ =	strace $0xD0000000  }
0x3: {  	_ = 	snop  }
0x4: {  	_ = 	snop  }
0x5: {  	_ = 	snop  }
0x6: {  	_ = 	snop  }
0x7: {  	_ = 	snop  }
__scs_overlays_trampoline_lowered:
0x8: {  	[smem:$0x3FAB] =	sst s0  }
0x9: {  	[smem:$0x3FAC] =	sst s1  }
0xa: {  	[smem:$0x3FAD] =	sst s2  }
0xb: {  	[smem:$0x3FAE] =	sst s3  }
0xc: {  	[smem:$0x3FAF] =	sst s4  }
0xd: {  	[smem:$0x3FB0] =	sst s5  }
0xe: {  	[smem:$0x3FB1] =	sst s6  }
0xf: {  	[smem:$0x3FB2] =	sst s7  }
0x10: {  	[smem:$0x3FB3] =	sst s8  }
0x11: {  	[smem:$0x3FB4] =	sst s9;
	s0 =	simm.s32 @!p0 $0x0  }
0x12: {  	s1 =	sld [smem:$0x3F9A];
	s0 =	simm.s32 @p0 $0x1  }
0x13: {  	[smem:$0x3FB5] =	sst s0;
	s0 =	simm.s32 @!p1 $0x0  }
0x14: {  	s2 =	sld [smem:$0x3F99];
	s0 =	simm.s32 @p1 $0x1  }
0x15: {  	[smem:$0x3FB6] =	sst s0;
	s0 =	simm.s32 @!p2 $0x0  }
0x16: {  	s3 =	sld [smem:$0x3FDB];
	s0 =	simm.s32 @p2 $0x1  }
0x17: {  	s4 =	simm.s32 $0x1BF5;
	[smem:$0x3FB8] =	sst s0  }
0x18: {  	s0 =	sld [smem:$0x3F9B];
	_ =	swait.ge [sflag:s4], $0x0  }
0x19: {  	s7 =	sld [smem:$0x3F9C]  }
0x1a: {  	s8 =	sadd.s32 $0xFFFFE003, lr  }
0x1b: {  	s9 =	sadd.s32 $0xFFFFFEF7, lr;
	s5 =	simm.s32 $0xFFFFFFFF;
	p2 =	slt.u32 s8, $0xFFFFF086  }
0x1c: {  	p1 =	slt.u32 s9, $0xF7A;
	s5 =	simm.s32 @!p2 $0x0  }
0x1d: {  	s5 =	simm.s32 @p1 $0x1;
	p0 =	seq.s32 s7, s2  }
0x1e: {  	s7 =	smul.u32 @!p0 $0xF7A, s2;
	p2 =	seq.s32 @!p0 s5, $0x0  }
0x1f: {  	s9 =	smul.u32 $0xF7A, s1;
	s8 =	simm.s32 @!p0 $0x1BF5;
	p2 =	por !p2, p0  }
0x20: {  	[sflag:s8] =	ssyncset.s32 @!p0 $0xFFFFF086;
	s6 =	sadd.s32 @!p0 s3, s7;
	s7 =	simm.s32 @!p0 $0x108  }
0x21: {  	s3 =	sadd.s32 s3, s9;
	s6 =	sadd.s32 @!p0 $0x88, s6;
	s7 =	simm.s32 @p2 $0x1082  }
0x22: {  	[simem:s7], [sflag:s8] =	dma.local @!p0 [hbm:s6], $0xF7A  }
0x23: {  	s9 =	sor.u32 $0xD0000000, s2;
	s6 =	simm.s32 $0x108;
	_ =	swait.ge @!p0 [sflag:s8], $0x0  }
0x24: {  	s3 =	sadd.s32 $0x88, s3;
	s6 =	simm.s32 @!p1 $0x1082;
	[sflag:s4] =	ssyncset.s32 $0xFFFFF086  }
0x25: {  	[simem:s6], [sflag:s4] =	dma.local [hbm:s3], $0xF7A  }
0x26: {  	[smem:$0x3F9C] =	sst s1;
	(tag) =	ssettag s2;
	_ =	strace s9  }
0x27: {  	s1 =	sld [smem:$0x3FAC]  }
0x28: {  	s2 =	sld [smem:$0x3FAD]  }
0x29: {  	s4 =	sld [smem:$0x3FAF]  }
0x2a: {  	p0 =	seq.s32 s5, $0x0;
	s5 =	sld [smem:$0x3FB0]  }
0x2b: {  	s6 =	sld [smem:$0x3FB1]  }
0x2c: {  	s7 =	sld [smem:$0x3FB2]  }
0x2d: {  	s3 =	simm.s32 $0x108;
	s8 =	sld [smem:$0x3FB3]  }
0x2e: {  	s3 =	simm.s32 @!p0 $0x1082;
	s9 =	sld [smem:$0x3FB4]  }
0x2f: {  	lr =	sadd.s32 s0, s3;
	s0 =	sld [smem:$0x3FAB]  }
0x30: {  	s3 =	sld [smem:$0x3FAE]  }
0x31: {  	[smem:$0x3FB7] =	sst s10  }
0x32: {  	s10 =	sld [smem:$0x3FB5];
	_ =	sdelay $0x3  }
0x33: {  	p0 =	seq.s32 s10, $0x1;
	s10 =	sld [smem:$0x3FB7];
	_ =	sdelay $0x3  }
0x34: {  	[smem:$0x3FB7] =	sst s10  }
0x35: {  	s10 =	sld [smem:$0x3FB6];
	_ =	sdelay $0x3  }
0x36: {  	p1 =	seq.s32 s10, $0x1;
	s10 =	sld [smem:$0x3FB7];
	_ =	sdelay $0x3  }
0x37: {  	[smem:$0x3FB7] =	sst s10  }
0x38: {  	s10 =	sld [smem:$0x3FB8]  }
0x39: {  	_ = 	snop;
	(pc) =	sbr.ind lr, $3  }
0x3a: {  	_ = 	snop  }
0x3b: {  	_ = 	snop  }
0x3c: {  	p2 =	seq.s32 s10, $0x1;
	s10 =	sld [smem:$0x3FB7]  }
0x3d: {  	_ =	shalt  }
0x3e: {  	_ =	shalt  }
0x3f: {  	_ =	shalt  }
0x40: {  	_ =	shalt  }
0x41: {  	_ =	shalt  }
0x42: {  	_ =	shalt  }
0x43: {  	_ =	shalt  }
0x44: {  	_ =	shalt  }
0x45: {  	_ =	shalt  }
0x46: {  	_ =	shalt  }
0x47: {  	_ =	shalt  }
0x48: {  	_ =	shalt  }
0x49: {  	_ =	shalt  }
0x4a: {  	_ =	shalt  }
0x4b: {  	_ =	shalt  }
0x4c: {  	_ =	shalt  }
0x4d: {  	_ =	shalt  }
0x4e: {  	_ =	shalt  }
0x4f: {  	_ =	shalt  }
0x50: {  	_ =	shalt  }
0x51: {  	_ =	shalt  }
0x52: {  	_ =	shalt  }
0x53: {  	_ =	shalt  }
0x54: {  	_ =	shalt  }
0x55: {  	_ =	shalt  }
0x56: {  	_ =	shalt  }
0x57: {  	_ =	shalt  }
0x58: {  	_ =	shalt  }
0x59: {  	_ =	shalt  }
0x5a: {  	_ =	shalt  }
0x5b: {  	_ =	shalt  }
0x5c: {  	_ =	shalt  }
0x5d: {  	_ =	shalt  }
0x5e: {  	_ =	shalt  }
0x5f: {  	_ =	shalt  }
0x60: {  	_ =	shalt  }
0x61: {  	_ =	shalt  }
0x62: {  	_ =	shalt  }
0x63: {  	_ =	shalt  }
0x64: {  	_ =	shalt  }
0x65: {  	_ =	shalt  }
0x66: {  	_ =	shalt  }
0x67: {  	_ =	shalt  }
0x68: {  	_ =	shalt  }
0x69: {  	_ =	shalt  }
0x6a: {  	_ =	shalt  }
0x6b: {  	_ =	shalt  }
0x6c: {  	_ =	shalt  }
0x6d: {  	_ =	shalt  }
0x6e: {  	_ =	shalt  }
0x6f: {  	_ =	shalt  }
0x70: {  	_ =	shalt  }
0x71: {  	_ =	shalt  }
0x72: {  	_ =	shalt  }
0x73: {  	_ =	shalt  }
0x74: {  	_ =	shalt  }
0x75: {  	_ =	shalt  }
0x76: {  	_ =	shalt  }
0x77: {  	_ =	shalt  }
0x78: {  	_ =	shalt  }
0x79: {  	_ =	shalt  }
0x7a: {  	_ =	shalt  }
0x7b: {  	_ =	shalt  }
0x7c: {  	_ =	shalt  }
0x7d: {  	_ =	shalt  }
0x7e: {  	_ =	shalt  }
0x7f: {  	_ =	shalt  }
0x80: {  	_ =	shalt  }
0x81: {  	_ =	shalt  }
0x82: {  	_ =	shalt  }
0x83: {  	_ =	shalt  }
0x84: {  	_ =	shalt  }
0x85: {  	_ =	shalt  }
0x86: {  	_ =	shalt  }
0x87: {  	_ =	shalt  }
.Lfunc_end0:
.L_simem_size_0:
called_computation_lowered:
.L_overlay_start_0:
0x88: {  	s2 =	sld [smem:$0x3FD9]  }
0x89: {  	s3 =	sld [smem:$0x3FFE];
	_ =	sdelay $0x1  }
0x8a: {  	s1 =	srdreg.scid  }
0x8b: {  	s0 =	sand.u32 $0x1, s1  }
0x8c: {  	s17 =	sshll.u32 s0, $0xA;
	s2 =	sadd.s32 s3, s2  }
0x8d: {  	s2 =	sadd.s32 s2, s17  }
0x8e: {  	[smem:$0x3FC3] =	sst s2  }
0x8f: {  	_ = 	snop  }
0x90: {  	s2 =	sld [smem:$0x3FC9]  }
0x91: {  	s18 =	sld [smem:$0x3FC8]  }
0x92: {  	s4 =	sld [smem:$0x3FC7]  }
0x93: {  	s5 =	sld [smem:$0x3FD0];
	(tm) =	ssettm $0x1  }
0x94: {  	s6 =	sld [smem:$0x3FFB];
	_ =	sdelay $0x3  }
0x95: {  	_ =	strace s6  }
0x96: {  	s6 =	sld [smem:$0x3FFC];
	_ =	sdelay $0x3  }
0x97: {  	_ =	strace s6  }
0x98: {  	s6 =	sld [smem:$0x3FFD];
	_ =	sdelay $0x3  }
0x99: {  	_ =	strace s6  }
0x9a: {  	_ =	strace $0x8FFFFFFF  }
0x9b: {  	s19 =	sld [smem:$0x3FDB];
	_ =	sdelay $0x1  }
0x9c: {  	s7 =	simm.s32 $_scs_section_size  }
0x9d: {  	s8 =	simm.s32 $_size__tile_overlayer_lowered;
	s9 =	simm.s32 $_tile_overlayer_lowered  }
0x9e: {  	s22 =	simm.s32 $0x1BFF;
	s21 =	sshll.u32 s9, $0x1;
	s6 =	sadd.s32 s7, s19  }
0x9f: {  	s10 =	simm.s32 $0x0;
	s20 =	sshll.u32 s8, $0x1;
	s8 =	sadd.s32 s21, s6  }
0xa0: {  	[timem:s10], [sflag:s22] =	dma.local [hbm:s8], s20  }
0xa1: {  	_ =	swait.ge [sflag:s22], s20  }
0xa2: {  	s7 =	ssub.s32 $0x0, s20;
	[sflag:s22] =	ssyncset.done $0x0  }
0xa3: {  	[sflag:s22] =	ssyncadd.s32 s7;
	_ =	sdelay $0x1  }
0xa4: {  	s23 =	simm.s32 $0x1B8B  }
0xa5: {  	_ =	swait.ge [sflag:s23], $0x1  }
0xa6: {  	[sflag:s23] =	ssyncset.done $0x0  }
0xa7: {  	s25 =	simm.s32 $0x1B8E;
	s24 =	sld [smem:$0x3FFE];
	[sflag:s23] =	ssyncadd.s32 $0xFFFFFFFF  }
0xa8: {  	s26 =	simm.s32 $execute0_lowered;
	[smem:$0x3FD2] =	sst s25  }
0xa9: {  	s8 =	sshll.u32 s26, $0x1;
	_ =	strace $0x80000046;
	[dreg:$0x1] =	wrdreg $0xFFFFFFFF  }
0xaa: {  	s28 =	simm.s32 $_size_execute0_lowered;
	s6 =	sadd.s32 s6, s8;
	[dreg:$0x0] =	wrdreg $0x0  }
0xab: {  	s8 =	sshll.u32 s28, $0x1;
	[dreg:$0x2] =	wrdreg s6  }
0xac: {  	[dreg:$0x3] =	wrdreg s8  }
0xad: {  	[dreg:$0x4] =	wrdreg $0xC0  }
0xae: {  	_ =	task [dreg:s10], $0x5FFFF  }
0xaf: {  	[dreg:$0x1] =	wrdreg $0xFFFFFFFF  }
0xb0: {  	[dreg:$0x0] =	wrdreg $0x60  }
0xb1: {  	[dreg:$0x2] =	wrdreg s2  }
0xb2: {  	[dreg:$0x3] =	wrdreg s18  }
0xb3: {  	[dreg:$0x4] =	wrdreg s4  }
0xb4: {  	[dreg:$0x5] =	wrdreg s24  }
0xb5: {  	[dreg:$0x6] =	wrdreg s5  }
0xb6: {  	[dreg:$0x7] =	wrdreg $0x9  }
0xb7: {  	_ =	task.clear_ibuf [dreg:s10], $0x8FFFF;
	_ =	strace $0x90000046  }
0xb8: {  	s29 =	simm.s32 $0x9;
	_ =	strace $0x80000048  }
0xb9: {  	_ =	swait.ge [sflag:s29], $0x1  }
0xba: {  	[sflag:s29] =	ssyncadd.s32 $0xFFFFFFFF  }
0xbb: {  	_ =	strace $0x90000048  }
0xbc: {  	_ =	sfence  }
0xbd: {  	s30 =	sld [smem:$0x0];
	_ =	sdelay $0x2  }
0xbe: {  	s31 =	sshll.u32 s1, $0xD;
	s1 =	sshrl.u32 s1, $0x2  }
0xbf: {  	s3 =	sand.u32 $0x4000, s31;
	s1 =	sadd.s32 s1, s30  }
0xc0: {  	s0 =	sor.u32 s3, s0;
	s1 =	sshll.u32 s1, $0x11  }
0xc1: {  	s0 =	sor.u32 s1, s0  }
0xc2: {  	s0 =	sadd.s32 $0x8F2B, s0  }
0xc3: {  	[sflag:s0] =	ssyncadd.remote.s32 $0x1  }
0xc4: {  	_ =	sfence.sel $0xFFFF  }
0xc5: {  	[dreg:$0x0] =	wrdreg $0xFFFFFFFF;
	(pc) =	sbr.abs _section_cstart, $3  }
0xc6: {  	[dreg:$0x1] =	wrdreg $0xFFFFFFFF  }
0xc7: {  	_ =	task.clear_ibuf [dreg:s10], $0x2FFFF;
	_ =	strace $0x9FFFFFFF  }
0xc8: {  	(tm) =	ssettm $0x7FFFFFFF  }
0xc9: {  	_ =	shalt  }
tec
execute0_lowered:
.L_overlay_start_1:
0x0: {  	(tag) =	ssettag $0x1  }
0x1: {  	s2 =	rddreg [dreg:$0x1]  }
0x2: {  	s0 =	rddreg [dreg:$0x2]  }
0x3: {  	s1 =	srdreg.scid;
	s3 =	rddreg [dreg:$0x3]  }
0x4: {  	s4 =	stileid.u32;
	s5 =	rddreg [dreg:$0x4]  }
0x5: {  	s10 =	simm.s32 $0x80;
	s11 =	simm.s32 $0xA;
	s13 =	simm.s32 $0x14  }
0x6: {  	s14 =	simm.s32 $0xC080;
	s15 =	simm.s32 $0x64;
	s18 =	simm.s32 $0xFC80  }
0x7: {  	s22 =	simm.s32 $0x13880;
	s28 =	simm.s32 $0x2;
	s29 =	simm.s32 $0x6  }
0x8: {  	v63 =	vlaneseq.u32;
	s30 =	simm.s32 $0x17480;
	s31 =	simm.s32 $0x17E80;
	s16 =	simm.s32 $0x8  }
0x9: {  	s17 =	simm.s32 $0x5;
	s6 =	sshll.u32 s4, $0x8;
	s4 =	simm.s32 $0x0;
	v58 =	vmul.u32 $0x80, v63  }
0xa: {  	v2 =	vimm.s32 $0x3B80;
	vm0 =	vcmask $0x300;
	s19 =	simm.s32 $0x9;
	s1 =	sand.u32 $0x1, s1;
	[smem:$0x7FF] =	sst s4  }
0xb: {  	vm10 =	vcmask $0x704;
	v2 =	vsel vm0, $0x3800, v2;
	s7 =	sshll.u32 s1, $0x7;
	s1 =	ssub.s32 $0x2, s1;
	_ =	strace $0x80000047;
	v1 =	vor.u32 $0x800, v58;
	[tilespmem:$0x1FFF0] =	vst v58  }
0xc: {  	vm11 =	vcmask $0xB08;
	s21 =	simm.s32 $0x0;
	v3 =	vsel vm10, $0x3880, v2;
	s6 =	sor.u32 s7, s6;
	s8 =	sshrl.u32 s1, $0x1;
	v0 =	vor.u32 $0x1000, v58;
	[tilespmem:$0x1FF80] =	vst v1  }
0xd: {  	vm12 =	vcmask $0xF0C;
	v4 =	vsel vm11, $0x3900, v3;
	s7 =	sshll.u32 s6, $0x4;
	s1 =	ssub.s32 s1, s8;
	s6 =	sshrl.u32 s6, $0x3;
	[tilespmem:$0x1FF90] =	vst v0;
	v0 =	vor.u32 $0x1800, v58  }
0xe: {  	vm13 =	vcmask $0x1310;
	v5 =	vsel vm12, $0x3980, v4;
	s3 =	sadd.s32 s7, s3;
	s0 =	sadd.s32 s0, s6;
	s26 =	sadd.s32 s5, s7;
	[tilespmem:$0x1FFA0] =	vst v0;
	v0 =	vor.u32 $0x2800, v58  }
0xf: {  	vm14 =	vcmask $0x1714;
	s9 =	smax.u32 s1, $0x1;
	v6 =	vsel vm13, $0x3A00, v5;
	s1 =	simm.s32 $0x7;
	v5 =	vor.u32 $0x2000, v58;
	[dreg:$0x8] =	wrdreg s0;
	[tilespmem:$0x1FFB0] =	vst v0  }
0x10: {  	vm15 =	vcmask $0x1B18;
	s25 =	sadd.s32 $0x600, s3;
	s3 =	sadd.s32 $0x10600, s3;
	[dreg:$0x9] =	wrdreg s26;
	v8 =	vsel vm14, $0x3A80, v6;
	v0 =	vor.u32 $0x3000, v58;
	[tilespmem:$0x1FFE0] =	vst v5  }
0x11: {  	s26 =	simm.s32 $0x1;
	s0 =	simm.s32 $0x4;
	[dreg:$0x6] =	wrdreg s25;
	v1 =	vsel vm15, $0x3B00, v8;
	[tilespmem:$0x1FFC0] =	vst v0  }
0x12: {  	[dreg:$0x7] =	wrdreg s3;
	s25 =	simm.s32 $0x8080;
	s3 =	simm.s32 $0x3;
	[tilespmem:$0x1FFD0] =	vst v1  }
.LBB2_1:
0x13: {  	s5 =	rddreg [dreg:$0x6]  }
0x14: {  	[tilespmem:s10], [sflag:$0xA] =	stream.linear.gather [hbm4b:s5+s4], $0x4000, $0x38;
	[tilespmem:$0x1F080] =	vst v63  }
0x15: {  	_ =	swait.ge [sflag:s11], $0x4000  }
0x16: {  	[sflag:s11] =	ssyncset.done $0x0  }
0x17: {  	s6 =	simm.s32 $0x4080;
	s20 =	rddreg [dreg:$0x7];
	[sflag:s11] =	ssyncadd.s32 $0xFFFFC000  }
0x18: {  	[tilespmem:s6], [sflag:$0xA] =	stream.linear.gather [hbm4b:s20+s4], $0x4000, $0x38;
	[tilespmem:$0x1F080] =	vst v63  }
0x19: {  	_ =	swait.ge [sflag:s11], $0x4000  }
0x1a: {  	[sflag:s11] =	ssyncset.done $0x0  }
0x1b: {  	[sflag:s11] =	ssyncadd.s32 $0xFFFFC000  }
0x1c: {  	[tilespmem:s14], [sflag:$0x2] =	stream.indirect.gather [hbm4b:s2+s13], $0x80, s10, s13, $0xb8;
	[tilespmem:$0x1F080] =	vst v63  }
0x1d: {  	s23 =	simm.s32 $0xCA80  }
0x1e: {  	[tilespmem:s23], [sflag:$0x6] =	stream.indirect.gather [hbm4b:s2+s15], $0x80, s6, s15, $0xb8;
	[tilespmem:$0x1F080] =	vst v63  }
0x1f: {  	s24 =	simm.s32 $0x100  }
0x20: {  	[tilespmem:s18], [sflag:$0x3] =	stream.indirect.gather [hbm4b:s2+s13], $0x80, s24, s13, $0xb8;
	[tilespmem:$0x1F080] =	vst v63  }
0x21: {  	s7 =	simm.s32 $0x10680;
	s6 =	simm.s32 $0x4100  }
0x22: {  	[tilespmem:s7], [sflag:$0x7] =	stream.indirect.gather [hbm4b:s2+s15], $0x80, s6, s15, $0xb8;
	[tilespmem:$0x1F080] =	vst v63  }
0x23: {  	s8 =	simm.s32 $0x180  }
0x24: {  	[tilespmem:s22], [sflag:$0x4] =	stream.indirect.gather [hbm4b:s2+s13], $0x80, s8, s13, $0xb8;
	[tilespmem:$0x1F080] =	vst v63  }
0x25: {  	s12 =	simm.s32 $0x4180;
	s20 =	simm.s32 $0x14280  }
0x26: {  	[tilespmem:s20], [sflag:$0x8] =	stream.indirect.gather [hbm4b:s2+s15], $0x80, s12, s15, $0xb8;
	[tilespmem:$0x1F080] =	vst v63  }
0x27: {  	s23 =	rddreg [dreg:$0x8]  }
0x28: {  	[tilespmem:s4], [sflag:$0xA] =	stream.linear.gather [hbm4b:s23+s4], $0x80, $0x38;
	[tilespmem:$0x1F080] =	vst v63  }
0x29: {  	_ =	swait.ge [sflag:s11], $0x80  }
0x2a: {  	[sflag:s11] =	ssyncset.done $0x0  }
0x2b: {  	[sflag:s11] =	ssyncadd.s32 $0xFFFFFF80  }
0x2c: {  	s24 =	rddreg [dreg:$0x0]  }
0x2d: {  	[tilespmem:s25], [sflag:$0x1] =	stream.indirect.gather [hbm4b:s24+s10], $0x80, s4, s10, $0xb8;
	[tilespmem:$0x1F080] =	vst v63  }
0x2e: {  	_ =	swait.ge [sflag:s26], $0x4000  }
0x2f: {  	[sflag:s26] =	ssyncset.done $0x0  }
0x30: {  	s23 =	simm.s32 $0x0;
	[sflag:s26] =	ssyncadd.s32 $0xFFFFC000  }
.LBB2_2:
0x31: {  	_ =	swait.ge [sflag:s28], $0xA00  }
0x32: {  	s5 =	simm.s32 $0x1;
	[sflag:s28] =	ssyncset.done $0x0  }
0x33: {  	s20 =	sshll.u32 s23, $0x9;
	v10 =	vadd.s32 s5, v63;
	[sflag:s28] =	ssyncadd.s32 $0xFFFFF600  }
0x34: {  	s6 =	sshllo.u32 s23, $0x2;
	v7 =	vmov s20;
	v11 =	vand.u32 $0x7F, v10;
	_ =	swait.ge [sflag:s29], $0x3200  }
0x35: {  	s24 =	sshll.u32 s6, $0x7;
	v10 =	vor.u32 v7, v11;
	[sflag:s29] =	ssyncset.done $0x0  }
0x36: {  	s8 =	simm.s32 $0x0;
	s12 =	sadd.s32 $0x80, s24;
	v13 =	vor.u32 v1, v11;
	v2 =	vld [tilespmem:$0x1FF80];
	[sflag:s29] =	ssyncadd.s32 $0xFFFFCE00  }
0x37: {  	v15 =	vor.u32 v58, v11;
	v3 =	vld [tilespmem:$0x1FFA0];
	[tilespmem:s30], [sflag:$0x5] =	stream.indirect.gather [hbm4b:s2+s13], $0x80, s12, s13, $0xb8  }
0x38: {  	v27 =	vadd.s32 s8, v63;
	s6 =	sadd.s32 $0x4080, s24;
	v17 =	vor.u32 v0, v11;
	v4 =	vld [tilespmem:$0x1FF90]  }
0x39: {  	v27 =	vand.u32 $0x7F, v27;
	v26 =	vor.u32 v5, v11;
	v6 =	vld [tilespmem:$0x1FFB0];
	[tilespmem:s31], [sflag:$0x9] =	stream.indirect.gather [hbm4b:s2+s15], $0x80, s6, s15, $0xb8  }
0x3a: {  	v31 =	vor.u32 v1, v27;
	v12 =	vld.idx.msk [tilespmem:v10+s25+$0x0], $0xffff  }
0x3b: {  	v16 =	vor.u32 v2, v11;
	v25 =	vld.idx.msk [tilespmem:v13+s14+$0x0], $0xffff  }
0x3c: {  	v18 =	vor.u32 v3, v11;
	v15 =	vld.idx.msk [tilespmem:v15+s14+$0x0], $0xffff  }
0x3d: {  	v19 =	vor.u32 v4, v11;
	v17 =	vld.idx.msk [tilespmem:v17+s14+$0x0], $0xffff  }
0x3e: {  	s7 =	simm.s32 $0x2;
	v11 =	vor.u32 v6, v11;
	v26 =	vld.idx.msk [tilespmem:v26+s14+$0x0], $0xffff  }
0x3f: {  	v10 =	vadd.s32 s7, v63;
	v35 =	vor.u32 v2, v27;
	v44 =	vld.idx.msk [tilespmem:v31+s14+$0x0], $0xffff  }
0x40: {  	v38 =	vor.u32 v3, v27;
	v14 =	vand.u32 $0x7F, v10;
	v16 =	vld.idx.msk [tilespmem:v16+s14+$0x0], $0xffff  }
0x41: {  	v10 =	vor.u32 v7, v14;
	v18 =	vld.idx.msk [tilespmem:v18+s14+$0x0], $0xffff  }
0x42: {  	v13 =	vor.u32 v2, v14;
	v19 =	vld.idx.msk [tilespmem:v19+s14+$0x0], $0xffff  }
0x43: {  	v21 =	vor.u32 v58, v14;
	v34 =	vld.idx.msk [tilespmem:v11+s14+$0x0], $0xffff  }
0x44: {  	v23 =	vor.u32 v6, v14;
	v50 =	vld.idx.msk [tilespmem:v35+s14+$0x0], $0xffff  }
0x45: {  	v22 =	vor.u32 v0, v14;
	v35 =	vld.idx.msk [tilespmem:v38+s14+$0x0], $0xffff  }
0x46: {  	v24 =	vor.u32 v1, v14;
	v10 =	vld.idx.msk [tilespmem:v10+s25+$0x0], $0xffff  }
0x47: {  	v32 =	vor.u32 v4, v14;
	v20 =	vld.idx.msk [tilespmem:v13+s14+$0x0], $0xffff  }
0x48: {  	v28 =	vld.idx.msk [tilespmem:v21+s14+$0x0], $0xffff;
	v13 =	vor.u32 v7, v27  }
0x49: {  	v29 =	vimm.f32 $0.0e+00;
	v21 =	vld.idx.msk [tilespmem:v23+s14+$0x0], $0xffff;
	v23 =	vor.u32 v58, v27  }
0x4a: {  	v39 =	vor.u32 v5, v27;
	v40 =	vor.u32 v0, v27;
	s12 =	simm.s32 $0x3;
	v36 =	vor.u32 v6, v27;
	v22 =	vld.idx.msk [tilespmem:v22+s14+$0x0], $0xffff  }
0x4b: {  	v51 =	vor.u32 v3, v14;
	v47 =	vmul.f32 v15, v12;
	v33 =	vld.idx.msk [tilespmem:v24+s14+$0x0], $0xffff;
	v24 =	vadd.s32 s12, v63  }
0x4c: {  	v15 =	vmul.f32 v26, v12;
	v31 =	vmul.f32 v17, v12;
	v48 =	vld.idx.msk [tilespmem:v32+s14+$0x0], $0xffff;
	v30 =	vand.u32 $0x7F, v24  }
0x4d: {  	v38 =	vimm.f32 $0.0e+00;
	v24 =	vor.u32 v4, v27;
	v11 =	vor.u32 v7, v30;
	v13 =	vld.idx.msk [tilespmem:v13+s25+$0x0], $0xffff  }
0x4e: {  	v46 =	vor.u32 v3, v30;
	v37 =	vor.u32 v2, v30;
	v26 =	vor.u32 v6, v30;
	v27 =	vld.idx.msk [tilespmem:v23+s14+$0x0], $0xffff  }
0x4f: {  	v41 =	vor.u32 v0, v30;
	v42 =	vmul.f32 v16, v12;
	v17 =	vmul.f32 v18, v12  }
0x50: {  	v49 =	vld.idx.msk [tilespmem:v39+s14+$0x0], $0xffff;
	v53 =	vor.u32 v58, v30;
	v18 =	vmul.f32 v19, v12;
	v22 =	vmul.f32 v22, v10  }
0x51: {  	v43 =	vor.u32 v1, v30;
	v32 =	vmul.f32 v28, v10;
	v23 =	vmul.f32 v33, v10;
	v28 =	vld.idx.msk [tilespmem:v40+s14+$0x0], $0xffff  }
0x52: {  	v45 =	vor.u32 v5, v30;
	v40 =	vmul.f32 v25, v12;
	v16 =	vmul.f32 v48, v10;
	v11 =	vld.idx.msk [tilespmem:v11+s25+$0x0], $0xffff  }
0x53: {  	v19 =	vimm.f32 $0.0e+00;
	v48 =	vld.idx.msk [tilespmem:v26+s14+$0x0], $0xffff;
	v25 =	vmul.f32 v44, v13;
	v27 =	vmul.f32 v27, v13  }
0x54: {  	v33 =	vimm.f32 $0.0e+00;
	v44 =	vld.idx.msk [tilespmem:v46+s14+$0x0], $0xffff;
	v39 =	vmul.f32 v50, v13;
	v46 =	vimm.f32 $0.0e+00  }
0x55: {  	s5 =	simm.s32 $0x4;
	[tilespmem:$0x1FF70] =	vst v7;
	s12 =	sshll.u32 s23, $0x2;
	v50 =	vld.idx.msk [tilespmem:v53+s14+$0x0], $0xffff;
	v52 =	vadd.f32 v25, v29;
	v25 =	vadd.f32 v27, v29;
	v27 =	vimm.f32 $0.0e+00  }
.LBB2_3:
0x56: {  	v41 =	vld.idx.msk [tilespmem:v41+s14+$0x0], $0xffff  }
0x57: {  	v53 =	vmul.f32 v34, v12;
	v12 =	vld.idx.msk [tilespmem:v43+s14+$0x0], $0xffff  }
0x58: {  	v24 =	vld.idx.msk [tilespmem:v24+s14+$0x0], $0xffff  }
0x59: {  	v34 =	vld.idx.msk [tilespmem:v37+s14+$0x0], $0xffff  }
0x5a: {  	v1 =	vld [tilespmem:$0x1FF70]  }
0x5b: {  	v28 =	vmul.f32 v28, v13;
	v36 =	vld.idx.msk [tilespmem:v36+s14+$0x0], $0xffff  }
0x5c: {  	v14 =	vor.u32 v5, v14;
	s6 =	smov.u32 s5;
	v30 =	vor.u32 v4, v30;
	v3 =	vld [tilespmem:$0x1FFD0];
	v26 =	vadd.f32 v39, v29  }
0x5d: {  	v20 =	vmul.f32 v20, v10;
	v51 =	vld.idx.msk [tilespmem:v51+s14+$0x0], $0xffff;
	v52 =	vadd.f32 v40, v52;
	s7 =	sadd.s32 $0x1, s6;
	v29 =	vadd.f32 v47, v25  }
0x5e: {  	v7 =	vld [tilespmem:$0x1FF80];
	v42 =	vadd.f32 v42, v26;
	v40 =	vmul.f32 v21, v10;
	v21 =	vadd.s32 s7, v63  }
0x5f: {  	v2 =	vld [tilespmem:$0x1FFC0];
	v25 =	vmovc v22;
	v29 =	vadd.f32 v32, v29;
	v23 =	vadd.f32 v23, v52;
	v21 =	vand.u32 $0x7F, v21  }
0x60: {  	v8 =	vld [tilespmem:$0x1FFA0];
	v22 =	vmul.f32 v35, v13;
	v35 =	vmovc v31;
	v26 =	vmul.f32 v48, v11;
	v31 =	vor.u32 v1, v21  }
0x61: {  	v45 =	vld.idx.msk [tilespmem:v45+s14+$0x0], $0xffff;
	v49 =	vmul.f32 v49, v13;
	v44 =	vmul.f32 v44, v11;
	v60 =	vor.u32 v3, v21  }
0x62: {  	v9 =	vld [tilespmem:$0x1FFB0];
	s8 =	sadd.s32 $0x2, s6;
	v55 =	vmul.f32 v12, v11;
	v39 =	vmul.f32 v41, v11;
	v61 =	vor.u32 v58, v21  }
0x63: {  	v62 =	vld.idx.msk [tilespmem:v14+s14+$0x0], $0xffff;
	v14 =	vadd.s32 s8, v63;
	v24 =	vmul.f32 v24, v13;
	v54 =	vor.u32 v7, v21  }
0x64: {  	v30 =	vld.idx.msk [tilespmem:v30+s14+$0x0], $0xffff;
	v51 =	vmul.f32 v51, v10;
	v13 =	vmul.f32 v36, v13;
	v56 =	vor.u32 v2, v21  }
0x65: {  	v34 =	vmul.f32 v34, v11;
	v37 =	vor.u32 v5, v21;
	v43 =	vor.u32 v8, v21;
	v12 =	vld.idx.msk [tilespmem:v31+s25+$0x0], $0xffff  }
0x66: {  	v41 =	vor.u32 v4, v21;
	v14 =	vand.u32 $0x7F, v14;
	v31 =	vmul.f32 v50, v11;
	v50 =	vld.idx.msk [tilespmem:v60+s14+$0x0], $0xffff  }
0x67: {  	v22 =	vadd.f32 v22, v46;
	v38 =	vadd.f32 v49, v38;
	v47 =	vor.u32 v1, v14;
	v46 =	vld.idx.msk [tilespmem:v61+s14+$0x0], $0xffff  }
0x68: {  	v48 =	vor.u32 v58, v14;
	v57 =	vor.u32 v4, v14;
	v55 =	vadd.f32 v55, v23;
	v52 =	vld.idx.msk [tilespmem:v54+s14+$0x0], $0xffff  }
0x69: {  	v0 =	vor.u32 v2, v14;
	v33 =	vadd.f32 v24, v33;
	v17 =	vadd.f32 v17, v22;
	v56 =	vld.idx.msk [tilespmem:v56+s14+$0x0], $0xffff  }
0x6a: {  	v59 =	vor.u32 v3, v14;
	v22 =	vadd.f32 v13, v27;
	v27 =	vadd.f32 v15, v38;
	v23 =	vld.idx.msk [tilespmem:v43+s14+$0x0], $0xffff  }
0x6b: {  	v15 =	vadd.f32 v18, v33;
	v6 =	vmul.f32 v62, v10;
	v10 =	vadd.s32 s6, v63;
	v61 =	vld.idx.msk [tilespmem:v41+s14+$0x0], $0xffff  }
0x6c: {  	v62 =	vmul.f32 v45, v11;
	v51 =	vadd.f32 v51, v17;
	v41 =	vand.u32 $0x7F, v10;
	v10 =	vld.idx.msk [tilespmem:v47+s25+$0x0], $0xffff  }
0x6d: {  	v18 =	vadd.f32 v53, v22;
	v54 =	vor.u32 v7, v14;
	v43 =	vor.u32 v9, v14;
	v47 =	vld.idx.msk [tilespmem:v48+s14+$0x0], $0xffff  }
0x6e: {  	v16 =	vadd.f32 v16, v15;
	v45 =	vor.u32 v58, v41;
	v49 =	vor.u32 v7, v41;
	v32 =	vld.idx.msk [tilespmem:v0+s14+$0x0], $0xffff  }
0x6f: {  	v24 =	vor.u32 v4, v41;
	v48 =	vor.u32 v8, v41;
	v63 =	vor.u32 v3, v41;
	v38 =	vld.idx.msk [tilespmem:v59+s14+$0x0], $0xffff  }
0x70: {  	v0 =	vlaneseq.u32;
	v59 =	vmul.f32 v30, v11;
	v11 =	vld.idx.msk [tilespmem:v37+s14+$0x0], $0xffff;
	v36 =	vor.u32 v9, v41  }
0x71: {  	s6 =	sadd.s32 $0x3, s6;
	v53 =	vld.idx.msk [tilespmem:v57+s14+$0x0], $0xffff;
	v27 =	vadd.f32 v6, v27;
	v60 =	vadd.f32 v31, v29;
	v31 =	vor.u32 v9, v21  }
0x72: {  	v29 =	vadd.f32 v20, v42;
	v42 =	vor.u32 v1, v41;
	v13 =	vadd.s32 s6, v0;
	v20 =	vld.idx.msk [tilespmem:v54+s14+$0x0], $0xffff  }
0x73: {  	v0 =	vor.u32 v2, v41;
	v30 =	vand.u32 $0x7F, v13;
	v33 =	vadd.f32 v59, v16;
	v21 =	vld.idx.msk [tilespmem:v43+s14+$0x0], $0xffff  }
0x74: {  	v29 =	vadd.f32 v34, v29;
	v17 =	vor.u32 v1, v30;
	v1 =	vor.u32 v8, v30;
	v57 =	vld.idx.msk [tilespmem:v63+s14+$0x0], $0xffff  }
0x75: {  	v37 =	vor.u32 v7, v30;
	v54 =	vor.u32 v5, v41;
	v41 =	vor.u32 v2, v30;
	v2 =	vld.idx.msk [tilespmem:v45+s14+$0x0], $0xffff  }
0x76: {  	v43 =	vor.u32 v3, v30;
	v22 =	vmul.f32 v32, v10;
	v32 =	vmul.f32 v47, v10;
	v34 =	vld.idx.msk [tilespmem:v31+s14+$0x0], $0xffff  }
0x77: {  	v63 =	vadd.f32 v40, v18;
	v47 =	vmul.f32 v46, v12;
	v18 =	vadd.f32 v28, v19;
	v13 =	vld.idx.msk [tilespmem:v42+s25+$0x0], $0xffff  }
0x78: {  	v15 =	vmul.f32 v11, v12;
	v19 =	vor.u32 v9, v30;
	v31 =	vmul.f32 v56, v12;
	v56 =	vld.idx.msk [tilespmem:v49+s14+$0x0], $0xffff  }
0x79: {  	v40 =	vmul.f32 v50, v12;
	v45 =	vor.u32 v5, v30;
	v46 =	vadd.f32 v44, v51;
	v28 =	vld.idx.msk [tilespmem:v0+s14+$0x0], $0xffff  }
0x7a: {  	p0 =	slt.u32 s5, $0x7C;
	v16 =	vmul.f32 v53, v10;
	v0 =	vor.u32 v58, v30;
	v35 =	vadd.f32 v35, v18;
	v11 =	vld.idx.msk [tilespmem:v17+s25+$0x0], $0xffff  }
.Ltmp0:
0x7b: {  	v51 =	vor.u32 v8, v14;
	v42 =	vmul.f32 v52, v12;
	v18 =	vmul.f32 v61, v12;
	v44 =	vld.idx.msk [tilespmem:v1+s14+$0x0], $0xffff;
	(pc) =	sbr.rel @p0 .LBB2_3-.Ltmp0, $4  }
0x7c: {  	v17 =	vmul.f32 v23, v12;
	v23 =	vmul.f32 v38, v10;
	v49 =	vld.idx.msk [tilespmem:v54+s14+$0x0], $0xffff;
	v61 =	vadd.f32 v25, v35  }
0x7d: {  	v38 =	vadd.f32 v62, v27;
	v35 =	vld.idx.msk [tilespmem:v48+s14+$0x0], $0xffff;
	v59 =	vmul.f32 v57, v13;
	v2 =	vmul.f32 v2, v13  }
0x7e: {  	v27 =	vadd.f32 v26, v63;
	v63 =	vlaneseq.u32;
	v48 =	vld.idx.msk [tilespmem:v19+s14+$0x0], $0xffff;
	v19 =	vadd.f32 v39, v61  }
0x7f: {  	s5 =	sadd.s32 $0x4, s5;
	v39 =	vmul.f32 v56, v13;
	v50 =	vld.idx.msk [tilespmem:v0+s14+$0x0], $0xffff;
	v52 =	vadd.f32 v59, v55;
	v25 =	vadd.f32 v2, v60  }
0x80: {  	_ =	sdelay $0x3  }
0x81: {  	v0 =	vld.idx.msk [tilespmem:v24+s14+$0x0], $0xffff;
	v1 =	vor.u32 v5, v14  }
0x82: {  	v2 =	vmul.f32 v28, v13;
	v9 =	vor.u32 v4, v30;
	v14 =	vld.idx.msk [tilespmem:v36+s14+$0x0], $0xffff  }
0x83: {  	v26 =	vld.idx.msk [tilespmem:v51+s14+$0x0], $0xffff;
	v20 =	vmul.f32 v20, v10;
	v25 =	vadd.f32 v47, v25;
	v28 =	vadd.f32 v39, v29  }
0x84: {  	v24 =	vadd.f32 v40, v52;
	v29 =	vmul.f32 v35, v13;
	v2 =	vadd.f32 v2, v19  }
0x85: {  	v30 =	vld.idx.msk [tilespmem:v37+s14+$0x0], $0xffff;
	v25 =	vadd.f32 v32, v25;
	v28 =	vadd.f32 v42, v28;
	v42 =	vmul.f32 v49, v13  }
0x86: {  	v40 =	vmul.f32 v50, v11;
	v29 =	vadd.f32 v29, v46;
	v0 =	vmul.f32 v0, v13;
	v1 =	vld.idx.msk [tilespmem:v1+s14+$0x0], $0xffff  }
0x87: {  	v2 =	vadd.f32 v31, v2;
	v9 =	vld.idx.msk [tilespmem:v9+s14+$0x0], $0xffff;
	v13 =	vmul.f32 v14, v13;
	v20 =	vadd.f32 v20, v28  }
0x88: {  	v14 =	vmul.f32 v26, v10;
	v26 =	vadd.f32 v42, v38;
	v0 =	vadd.f32 v0, v33  }
0x89: {  	v12 =	vmul.f32 v34, v12;
	v28 =	vld.idx.msk [tilespmem:v45+s14+$0x0], $0xffff;
	v25 =	vadd.f32 v40, v25;
	v17 =	vadd.f32 v17, v29  }
0x8a: {  	v21 =	vmul.f32 v21, v10;
	v13 =	vadd.f32 v13, v27;
	v0 =	vadd.f32 v18, v0  }
0x8b: {  	v30 =	vmul.f32 v30, v11;
	v15 =	vadd.f32 v15, v26;
	v14 =	vadd.f32 v14, v17;
	v18 =	vld.idx.msk [tilespmem:v41+s14+$0x0], $0xffff  }
0x8c: {  	v17 =	vld.idx.msk [tilespmem:v43+s14+$0x0], $0xffff;
	v1 =	vmul.f32 v1, v10;
	v9 =	vmul.f32 v9, v11;
	v0 =	vadd.f32 v16, v0  }
0x8d: {  	v12 =	vadd.f32 v12, v13;
	v10 =	vadd.f32 v30, v20;
	v16 =	vmul.f32 v44, v11  }
0x8e: {  	[tilespmem:s20+$0x1B080] =	vst v25;
	v13 =	vmul.f32 v28, v11;
	v1 =	vadd.f32 v1, v15;
	v0 =	vadd.f32 v9, v0  }
0x8f: {  	v12 =	vadd.f32 v21, v12;
	[tilespmem:s20+$0x1B090] =	vst v10;
	v9 =	vmul.f32 v48, v11;
	v14 =	vadd.f32 v16, v14  }
0x90: {  	v2 =	vadd.f32 v22, v2;
	v10 =	vmul.f32 v18, v11;
	v1 =	vadd.f32 v13, v1;
	[tilespmem:s20+$0x1B0A0] =	vst v0  }
0x91: {  	v44 =	vmul.f32 v17, v11;
	v11 =	vadd.f32 v23, v24;
	v9 =	vadd.f32 v9, v12;
	[tilespmem:s20+$0x1B0B0] =	vst v14  }
0x92: {  	v2 =	vadd.f32 v10, v2;
	[tilespmem:s20+$0x1B0C0] =	vst v1  }
0x93: {  	v0 =	vadd.f32 v44, v11;
	[tilespmem:s20+$0x1B0D0] =	vst v9  }
0x94: {  	[tilespmem:s20+$0x1B0E0] =	vst v2  }
0x95: {  	[tilespmem:s20+$0x1B0F0] =	vst v0  }
0x96: {  	_ =	swait.ge [sflag:s3], $0xA00  }
0x97: {  	[sflag:s3] =	ssyncset.done $0x0  }
0x98: {  	s5 =	sor.u32 $0x1, s12;
	s6 =	simm.s32 $0x1;
	[sflag:s3] =	ssyncadd.s32 $0xFFFFF600  }
0x99: {  	s5 =	sshll.u32 s5, $0x7;
	v45 =	vadd.s32 s6, v63;
	_ =	swait.ge [sflag:s1], $0x3200  }
0x9a: {  	p0 =	seq.s32 s23, $0x1F;
	v9 =	vmov s5;
	v0 =	vand.u32 $0x7F, v45;
	v3 =	vld [tilespmem:$0x1FFD0]  }
0x9b: {  	s7 =	simm.s32 @!p0 $0x14;
	v46 =	vor.u32 v9, v0;
	[sflag:s1] =	ssyncset.done $0x0;
	v53 =	vld [tilespmem:$0x1FF80]  }
0x9c: {  	s8 =	simm.s32 @!p0 $0xC080;
	s6 =	sadd.s32 @!p0 $0x280, s20;
	v10 =	vor.u32 v58, v0;
	v48 =	vld [tilespmem:$0x1FFC0];
	[sflag:s1] =	ssyncadd.s32 $0xFFFFCE00  }
0x9d: {  	v16 =	vor.u32 v4, v0;
	v7 =	vld [tilespmem:$0x1FFA0];
	[tilespmem:s8], [sflag:$0x2] =	stream.indirect.gather @!p0 [hbm4b:s2+s7], $0x80, s6, s7, $0xb8  }
0x9e: {  	v24 =	vor.u32 v5, v0;
	v8 =	vld [tilespmem:$0x1FFB0];
	s6 =	sadd.s32 @!p0 $0x4280, s20;
	s7 =	simm.s32 @!p0 $0x64;
	s8 =	simm.s32 @!p0 $0xCA80  }
0x9f: {  	[tilespmem:s8], [sflag:$0x6] =	stream.indirect.gather @!p0 [hbm4b:s2+s7], $0x80, s6, s7, $0xb8;
	v47 =	vor.u32 v3, v0;
	[tilespmem:$0x1F080] =	vst v63  }
0xa0: {  	v11 =	vor.u32 v53, v0;
	v12 =	vld.idx.msk [tilespmem:v46+s25+$0x0], $0xffff  }
0xa1: {  	s8 =	simm.s32 $0x2;
	v13 =	vor.u32 v48, v0;
	v50 =	vld.idx.msk [tilespmem:v10+s18+$0x0], $0xffff  }
0xa2: {  	v15 =	vor.u32 v7, v0;
	v49 =	vadd.s32 s8, v63;
	v16 =	vld.idx.msk [tilespmem:v16+s18+$0x0], $0xffff  }
0xa3: {  	v0 =	vor.u32 v8, v0;
	v51 =	vld.idx.msk [tilespmem:v24+s18+$0x0], $0xffff;
	v14 =	vand.u32 $0x7F, v49  }
0xa4: {  	v17 =	vor.u32 v53, v14;
	v2 =	vld.idx.msk [tilespmem:v47+s18+$0x0], $0xffff  }
0xa5: {  	v10 =	vor.u32 v9, v14;
	v11 =	vld.idx.msk [tilespmem:v11+s18+$0x0], $0xffff  }
0xa6: {  	v18 =	vor.u32 v58, v14;
	v19 =	vld.idx.msk [tilespmem:v13+s18+$0x0], $0xffff  }
0xa7: {  	s7 =	simm.s32 $0x0;
	v22 =	vor.u32 v3, v14;
	v23 =	vld.idx.msk [tilespmem:v15+s18+$0x0], $0xffff  }
0xa8: {  	v21 =	vadd.s32 s7, v63;
	v13 =	vor.u32 v48, v14;
	v35 =	vld.idx.msk [tilespmem:v0+s18+$0x0], $0xffff  }
0xa9: {  	v15 =	vor.u32 v8, v14;
	v20 =	vld.idx.msk [tilespmem:v17+s18+$0x0], $0xffff;
	v17 =	vand.u32 $0x7F, v21  }
0xaa: {  	v10 =	vld.idx.msk [tilespmem:v10+s25+$0x0], $0xffff;
	v25 =	vor.u32 v9, v17  }
0xab: {  	v18 =	vld.idx.msk [tilespmem:v18+s18+$0x0], $0xffff;
	v27 =	vor.u32 v3, v17  }
0xac: {  	v28 =	vld.idx.msk [tilespmem:v22+s18+$0x0], $0xffff;
	v54 =	vor.u32 v53, v17  }
0xad: {  	s8 =	simm.s32 $0x3;
	v56 =	vor.u32 v48, v17;
	v26 =	vld.idx.msk [tilespmem:v13+s18+$0x0], $0xffff  }
0xae: {  	v38 =	vimm.f32 $0.0e+00;
	v21 =	vld.idx.msk [tilespmem:v15+s18+$0x0], $0xffff;
	v15 =	vor.u32 v58, v17;
	v13 =	vadd.s32 s8, v63  }
0xaf: {  	v29 =	vimm.f32 $0.0e+00;
	v31 =	vor.u32 v4, v14;
	v30 =	vand.u32 $0x7F, v13;
	v13 =	vld.idx.msk [tilespmem:v25+s25+$0x0], $0xffff  }
0xb0: {  	v33 =	vimm.f32 $0.0e+00;
	v46 =	vimm.f32 $0.0e+00;
	v55 =	vor.u32 v5, v17;
	v27 =	vld.idx.msk [tilespmem:v27+s18+$0x0], $0xffff  }
0xb1: {  	v24 =	vor.u32 v4, v17;
	v52 =	vor.u32 v9, v30;
	v32 =	vmul.f32 v18, v10;
	v60 =	vld.idx.msk [tilespmem:v54+s18+$0x0], $0xffff  }
0xb2: {  	v57 =	vor.u32 v7, v30;
	v18 =	vmul.f32 v23, v12;
	v23 =	vmul.f32 v28, v10;
	v28 =	vld.idx.msk [tilespmem:v56+s18+$0x0], $0xffff  }
0xb3: {  	v36 =	vor.u32 v8, v17;
	v59 =	vor.u32 v8, v30;
	v25 =	vor.u32 v7, v17;
	v17 =	vld.idx.msk [tilespmem:v15+s18+$0x0], $0xffff  }
0xb4: {  	v47 =	vmul.f32 v50, v12;
	v61 =	vor.u32 v58, v30;
	v22 =	vmul.f32 v26, v10;
	v26 =	vld.idx.msk [tilespmem:v31+s18+$0x0], $0xffff  }
0xb5: {  	v6 =	vmul.f32 v51, v12;
	v51 =	vor.u32 v7, v14;
	v42 =	vmul.f32 v11, v12;
	v49 =	vld.idx.msk [tilespmem:v55+s18+$0x0], $0xffff  }
0xb6: {  	v40 =	vmul.f32 v2, v12;
	v37 =	vor.u32 v53, v30;
	v41 =	vor.u32 v48, v30;
	v11 =	vld.idx.msk [tilespmem:v52+s25+$0x0], $0xffff  }
0xb7: {  	v43 =	vor.u32 v3, v30;
	v31 =	vmul.f32 v19, v12;
	v19 =	vmul.f32 v16, v12;
	v44 =	vld.idx.msk [tilespmem:v57+s18+$0x0], $0xffff  }
0xb8: {  	v45 =	vor.u32 v5, v30;
	v48 =	vld.idx.msk [tilespmem:v59+s18+$0x0], $0xffff;
	v62 =	vmul.f32 v27, v13;
	v17 =	vmul.f32 v17, v13  }
0xb9: {  	v50 =	vld.idx.msk [tilespmem:v61+s18+$0x0], $0xffff;
	v39 =	vmul.f32 v60, v13;
	v27 =	vimm.f32 $0.0e+00;
	v16 =	vmul.f32 v26, v10  }
0xba: {  	[tilespmem:$0x1FF60] =	vst v9;
	s6 =	simm.s32 $0x4;
	v34 =	vld.idx.msk [tilespmem:v25+s18+$0x0], $0xffff;
	v52 =	vadd.f32 v62, v29;
	v25 =	vadd.f32 v17, v29;
	v17 =	vimm.f32 $0.0e+00  }
.LBB2_5:
0xbb: {  	v9 =	vld [tilespmem:$0x1FFE0]  }
0xbc: {  	v2 =	vld.idx.msk [tilespmem:v41+s18+$0x0], $0xffff  }
0xbd: {  	v24 =	vld.idx.msk [tilespmem:v24+s18+$0x0], $0xffff  }
0xbe: {  	v15 =	vld [tilespmem:$0x1FF60]  }
0xbf: {  	v36 =	vld.idx.msk [tilespmem:v36+s18+$0x0], $0xffff  }
0xc0: {  	v7 =	vld [tilespmem:$0x1FFA0]  }
0xc1: {  	v8 =	vld [tilespmem:$0x1FFD0]  }
0xc2: {  	s7 =	smov.u32 s6;
	v26 =	vld [tilespmem:$0x1FFF0]  }
0xc3: {  	v56 =	vld.idx.msk [tilespmem:v51+s18+$0x0], $0xffff;
	v0 =	vadd.f32 v40, v52;
	s8 =	sadd.s32 $0x1, s7;
	v41 =	vmul.f32 v35, v12  }
0xc4: {  	v40 =	vmul.f32 v21, v10;
	v12 =	vld.idx.msk [tilespmem:v43+s18+$0x0], $0xffff;
	v21 =	vadd.s32 s8, v63;
	v30 =	vor.u32 v4, v30  }
0xc5: {  	v3 =	vmovc v22;
	v35 =	vld.idx.msk [tilespmem:v37+s18+$0x0], $0xffff;
	v5 =	vmul.f32 v48, v11;
	v1 =	vor.u32 v9, v14;
	v21 =	vand.u32 $0x7F, v21  }
0xc6: {  	v22 =	vmul.f32 v34, v13;
	v34 =	vmovc v31;
	v37 =	vld [tilespmem:$0x1FF80];
	v14 =	vadd.f32 v39, v29;
	v31 =	vor.u32 v15, v21  }
0xc7: {  	[tilespmem:$0x1FF50] =	vst v5;
	v57 =	vor.u32 v26, v21;
	v5 =	vld [tilespmem:$0x1FFC0]  }
0xc8: {  	v20 =	vmul.f32 v20, v10;
	v45 =	vld.idx.msk [tilespmem:v45+s18+$0x0], $0xffff;
	v42 =	vadd.f32 v42, v14;
	v14 =	vor.u32 v8, v21  }
0xc9: {  	v49 =	vmul.f32 v49, v13;
	v0 =	vadd.f32 v23, v0;
	v43 =	vor.u32 v7, v21;
	v23 =	vld.idx.msk [tilespmem:v30+s18+$0x0], $0xffff  }
0xca: {  	v44 =	vmul.f32 v44, v11;
	v28 =	vmul.f32 v28, v13;
	v29 =	vadd.f32 v47, v25;
	v1 =	vld.idx.msk [tilespmem:v1+s18+$0x0], $0xffff  }
0xcb: {  	s8 =	sadd.s32 $0x2, s7;
	v39 =	vmul.f32 v2, v11;
	v58 =	vor.u32 v37, v21;
	v51 =	vmul.f32 v12, v11;
	v12 =	vld.idx.msk [tilespmem:v31+s25+$0x0], $0xffff  }
0xcc: {  	v60 =	vadd.s32 s8, v63;
	v2 =	vadd.f32 v22, v46;
	v59 =	vor.u32 v5, v21;
	v46 =	vld.idx.msk [tilespmem:v57+s18+$0x0], $0xffff  }
0xcd: {  	v30 =	vmul.f32 v50, v11;
	v31 =	vor.u32 v4, v21;
	v50 =	vld.idx.msk [tilespmem:v14+s18+$0x0], $0xffff;
	v14 =	vand.u32 $0x7F, v60  }
0xce: {  	v24 =	vmul.f32 v24, v13;
	v25 =	vadd.f32 v51, v0;
	v51 =	vld.idx.msk [tilespmem:v43+s18+$0x0], $0xffff;
	v22 =	vor.u32 v15, v14  }
0xcf: {  	[tilespmem:$0x1FF40] =	vst v3;
	v47 =	vmul.f32 v56, v10;
	v29 =	vadd.f32 v32, v29;
	v0 =	vld [tilespmem:$0x1FFB0];
	v62 =	vor.u32 v37, v14  }
0xd0: {  	v13 =	vmul.f32 v36, v13;
	v3 =	vor.u32 v9, v21;
	v61 =	vor.u32 v26, v14;
	v53 =	vld.idx.msk [tilespmem:v58+s18+$0x0], $0xffff  }
0xd1: {  	v33 =	vadd.f32 v24, v33;
	v57 =	vadd.f32 v30, v29;
	v55 =	vor.u32 v5, v14;
	v52 =	vld.idx.msk [tilespmem:v59+s18+$0x0], $0xffff  }
0xd2: {  	v56 =	vor.u32 v8, v14;
	v1 =	vmul.f32 v1, v10;
	v10 =	vadd.s32 s7, v63;
	v58 =	vld.idx.msk [tilespmem:v31+s18+$0x0], $0xffff  }
0xd3: {  	v29 =	vadd.f32 v20, v42;
	v30 =	vmul.f32 v35, v11;
	v42 =	vand.u32 $0x7F, v10;
	v10 =	vld.idx.msk [tilespmem:v22+s25+$0x0], $0xffff  }
0xd4: {  	v27 =	vadd.f32 v13, v27;
	v2 =	vadd.f32 v18, v2;
	v54 =	vor.u32 v4, v14;
	v20 =	vld.idx.msk [tilespmem:v62+s18+$0x0], $0xffff  }
0xd5: {  	v29 =	vadd.f32 v30, v29;
	s7 =	sadd.s32 $0x3, s7;
	v43 =	vor.u32 v0, v14;
	v31 =	vor.u32 v0, v21;
	v32 =	vld.idx.msk [tilespmem:v61+s18+$0x0], $0xffff  }
0xd6: {  	v13 =	vadd.s32 s7, v63;
	v59 =	vor.u32 v37, v42;
	v18 =	vor.u32 v8, v42;
	v55 =	vld.idx.msk [tilespmem:v55+s18+$0x0], $0xffff  }
0xd7: {  	v63 =	vor.u32 v5, v42;
	v30 =	vand.u32 $0x7F, v13;
	v22 =	vadd.f32 v49, v38;
	v56 =	vld.idx.msk [tilespmem:v56+s18+$0x0], $0xffff  }
0xd8: {  	v38 =	vmul.f32 v45, v11;
	v45 =	vor.u32 v15, v42;
	v62 =	vmul.f32 v23, v11;
	v11 =	vld.idx.msk [tilespmem:v3+s18+$0x0], $0xffff  }
0xd9: {  	v23 =	vor.u32 v15, v30;
	v15 =	vadd.f32 v19, v33;
	v19 =	vadd.f32 v41, v27;
	v27 =	vld.idx.msk [tilespmem:v54+s18+$0x0], $0xffff  }
0xda: {  	v17 =	vadd.f32 v28, v17;
	v21 =	vld.idx.msk [tilespmem:v43+s18+$0x0], $0xffff  }
0xdb: {  	v2 =	vadd.f32 v47, v2;
	v35 =	vld.idx.msk [tilespmem:v31+s18+$0x0], $0xffff  }
0xdc: {  	v17 =	vadd.f32 v34, v17;
	v47 =	vmul.f32 v46, v12;
	v54 =	vld.idx.msk [tilespmem:v18+s18+$0x0], $0xffff  }
0xdd: {  	v46 =	vadd.f32 v44, v2;
	v49 =	vor.u32 v26, v42;
	v61 =	vadd.f32 v6, v22;
	v59 =	vld.idx.msk [tilespmem:v59+s18+$0x0], $0xffff  }
0xde: {  	v24 =	vor.u32 v4, v42;
	v48 =	vor.u32 v7, v42;
	v16 =	vadd.f32 v16, v15;
	v28 =	vld.idx.msk [tilespmem:v63+s18+$0x0], $0xffff  }
0xdf: {  	v60 =	vor.u32 v9, v42;
	v36 =	vor.u32 v0, v42;
	v1 =	vadd.f32 v1, v61;
	v61 =	vld [tilespmem:$0x1FF40]  }
0xe0: {  	v3 =	vor.u32 v7, v30;
	v37 =	vor.u32 v37, v30;
	v33 =	vadd.f32 v62, v16;
	v62 =	vld [tilespmem:$0x1FF50]  }
0xe1: {  	v41 =	vor.u32 v5, v30;
	v42 =	vmul.f32 v53, v12;
	v53 =	vor.u32 v0, v30;
	v13 =	vld.idx.msk [tilespmem:v45+s25+$0x0], $0xffff  }
0xe2: {  	v43 =	vor.u32 v8, v30;
	v31 =	vmul.f32 v52, v12;
	v18 =	vmul.f32 v51, v12;
	v4 =	vld.idx.msk [tilespmem:v49+s18+$0x0], $0xffff  }
0xe3: {  	v6 =	vmul.f32 v11, v12;
	v11 =	vld.idx.msk [tilespmem:v23+s25+$0x0], $0xffff;
	v23 =	vmul.f32 v56, v10;
	v56 =	vor.u32 v26, v30  }
0xe4: {  	p1 =	slt.u32 s6, $0x7C;
	v63 =	vlaneseq.u32;
	v34 =	vld.idx.msk [tilespmem:v48+s18+$0x0], $0xffff;
	v51 =	vor.u32 v7, v14;
	v22 =	vmul.f32 v55, v10  }
.Ltmp1:
0xe5: {  	v32 =	vmul.f32 v32, v10;
	v55 =	vadd.f32 v40, v19;
	v49 =	vld.idx.msk [tilespmem:v60+s18+$0x0], $0xffff;
	v40 =	vmul.f32 v50, v12;
	(pc) =	sbr.rel @p1 .LBB2_5-.Ltmp1, $4  }
0xe6: {  	v45 =	vor.u32 v9, v30;
	v19 =	vmul.f32 v58, v12;
	v44 =	vld.idx.msk [tilespmem:v3+s18+$0x0], $0xffff;
	v3 =	vadd.f32 v61, v17  }
0xe7: {  	v38 =	vadd.f32 v38, v1;
	v48 =	vld.idx.msk [tilespmem:v53+s18+$0x0], $0xffff;
	v60 =	vmul.f32 v54, v13;
	v4 =	vmul.f32 v4, v13  }
0xe8: {  	v16 =	vmul.f32 v27, v10;
	v27 =	vadd.f32 v62, v55;
	v50 =	vld.idx.msk [tilespmem:v56+s18+$0x0], $0xffff;
	v17 =	vadd.f32 v39, v3  }
0xe9: {  	s6 =	sadd.s32 $0x4, s6;
	v39 =	vmul.f32 v59, v13;
	v52 =	vadd.f32 v60, v25;
	v25 =	vadd.f32 v4, v57;
	v4 =	vld [tilespmem:$0x1FF90]  }
0xea: {  	_ =	sdelay $0x2  }
0xeb: {  	v53 =	vld [tilespmem:$0x1FFE0]  }
0xec: {  	v0 =	vld.idx.msk [tilespmem:v24+s18+$0x0], $0xffff  }
0xed: {  	v2 =	vmul.f32 v28, v13  }
0xee: {  	v36 =	vld.idx.msk [tilespmem:v36+s18+$0x0], $0xffff;
	v12 =	vmul.f32 v35, v12;
	v34 =	vmul.f32 v34, v13  }
0xef: {  	v24 =	vld.idx.msk [tilespmem:v51+s18+$0x0], $0xffff;
	v20 =	vmul.f32 v20, v10;
	v9 =	vadd.f32 v40, v52;
	v3 =	vor.u32 v4, v30  }
0xf0: {  	v21 =	vmul.f32 v21, v10;
	v51 =	vadd.f32 v34, v46;
	v1 =	vor.u32 v53, v14  }
0xf1: {  	v2 =	vadd.f32 v2, v17;
	v9 =	vadd.f32 v23, v9;
	v0 =	vmul.f32 v0, v13  }
0xf2: {  	v28 =	vld.idx.msk [tilespmem:v37+s18+$0x0], $0xffff;
	v30 =	vmul.f32 v49, v13;
	v18 =	vadd.f32 v18, v51;
	v14 =	vadd.f32 v47, v25  }
0xf3: {  	v54 =	vmovc v4;
	v25 =	vadd.f32 v39, v29;
	v4 =	vmul.f32 v36, v13;
	v0 =	vadd.f32 v0, v33  }
0xf4: {  	v13 =	vmul.f32 v24, v10;
	v24 =	vadd.f32 v30, v38;
	v14 =	vadd.f32 v32, v14;
	v3 =	vld.idx.msk [tilespmem:v3+s18+$0x0], $0xffff  }
0xf5: {  	v52 =	vmul.f32 v48, v11;
	v25 =	vadd.f32 v42, v25;
	v0 =	vadd.f32 v19, v0;
	v1 =	vld.idx.msk [tilespmem:v1+s18+$0x0], $0xffff  }
0xf6: {  	v29 =	vmul.f32 v50, v11;
	v4 =	vadd.f32 v4, v27;
	v13 =	vadd.f32 v13, v18;
	v18 =	vld.idx.msk [tilespmem:v43+s18+$0x0], $0xffff  }
0xf7: {  	v20 =	vadd.f32 v20, v25;
	v25 =	vld.idx.msk [tilespmem:v45+s18+$0x0], $0xffff;
	v0 =	vadd.f32 v16, v0;
	v16 =	vmul.f32 v44, v11  }
0xf8: {  	v28 =	vmul.f32 v28, v11;
	v14 =	vadd.f32 v29, v14;
	v19 =	vld.idx.msk [tilespmem:v41+s18+$0x0], $0xffff;
	v4 =	vadd.f32 v12, v4  }
0xf9: {  	s5 =	sand.u32 $0x3FFFFF80, s5;
	v15 =	vadd.f32 v6, v24;
	v13 =	vadd.f32 v16, v13;
	v3 =	vmul.f32 v3, v11  }
0xfa: {  	[tilespmem:s5+$0x1B080] =	vst v14;
	v4 =	vadd.f32 v21, v4;
	v1 =	vmul.f32 v1, v10;
	v10 =	vadd.f32 v28, v20  }
0xfb: {  	v2 =	vadd.f32 v31, v2;
	v55 =	vmul.f32 v18, v11;
	[tilespmem:s5+$0x1B0B0] =	vst v13;
	v0 =	vadd.f32 v3, v0  }
0xfc: {  	v12 =	vmul.f32 v25, v11;
	v3 =	vadd.f32 v52, v4;
	v1 =	vadd.f32 v1, v15;
	[tilespmem:s5+$0x1B090] =	vst v10  }
0xfd: {  	v2 =	vadd.f32 v22, v2;
	v10 =	vmul.f32 v19, v11;
	[tilespmem:s5+$0x1B0A0] =	vst v0;
	v0 =	vadd.f32 v55, v9  }
0xfe: {  	[tilespmem:s5+$0x1B0D0] =	vst v3;
	v1 =	vadd.f32 v12, v1  }
0xff: {  	v2 =	vadd.f32 v10, v2;
	[tilespmem:s5+$0x1B0F0] =	vst v0  }
0x100: {  	[tilespmem:s5+$0x1B0C0] =	vst v1  }
0x101: {  	[tilespmem:s5+$0x1B0E0] =	vst v2  }
0x102: {  	_ =	swait.ge [sflag:s0], $0xA00  }
0x103: {  	[sflag:s0] =	ssyncset.done $0x0  }
0x104: {  	[sflag:s0] =	ssyncadd.s32 $0xFFFFF600  }
0x105: {  	s12 =	sor.u32 $0x2, s12;
	s6 =	simm.s32 $0x1;
	_ =	swait.ge [sflag:s16], $0x3200  }
0x106: {  	v56 =	vadd.s32 s6, v63;
	s5 =	sshll.u32 s12, $0x7;
	v8 =	vld [tilespmem:$0x1FFD0]  }
0x107: {  	v0 =	vand.u32 $0x7F, v56;
	v24 =	vmov s5;
	v9 =	vld [tilespmem:$0x1FFF0]  }
0x108: {  	s7 =	simm.s32 @!p0 $0x14;
	v57 =	vor.u32 v24, v0;
	[sflag:s16] =	ssyncset.done $0x0;
	v26 =	vld [tilespmem:$0x1FF80]  }
0x109: {  	s8 =	simm.s32 @!p0 $0xFC80;
	s6 =	sadd.s32 @!p0 $0x300, s20;
	v13 =	vor.u32 v54, v0;
	v5 =	vld [tilespmem:$0x1FFC0];
	[sflag:s16] =	ssyncadd.s32 $0xFFFFCE00  }
0x10a: {  	v49 =	vor.u32 v53, v0;
	v7 =	vld [tilespmem:$0x1FFA0];
	[tilespmem:s8], [sflag:$0x3] =	stream.indirect.gather @!p0 [hbm4b:s2+s7], $0x80, s6, s7, $0xb8  }
0x10b: {  	v48 =	vld [tilespmem:$0x1FFB0];
	s6 =	sadd.s32 @!p0 $0x4300, s20;
	s7 =	simm.s32 @!p0 $0x64;
	s8 =	simm.s32 @!p0 $0x10680;
	v58 =	vor.u32 v8, v0  }
0x10c: {  	[tilespmem:s8], [sflag:$0x7] =	stream.indirect.gather @!p0 [hbm4b:s2+s7], $0x80, s6, s7, $0xb8;
	v59 =	vor.u32 v9, v0;
	[tilespmem:$0x1F080] =	vst v63  }
0x10d: {  	v60 =	vor.u32 v26, v0;
	v12 =	vld.idx.msk [tilespmem:v57+s25+$0x0], $0xffff  }
0x10e: {  	s7 =	simm.s32 $0x2;
	v10 =	vor.u32 v5, v0;
	v25 =	vld.idx.msk [tilespmem:v13+s22+$0x0], $0xffff  }
0x10f: {  	v11 =	vor.u32 v7, v0;
	v61 =	vadd.s32 s7, v63;
	v3 =	vld.idx.msk [tilespmem:v49+s22+$0x0], $0xffff  }
0x110: {  	v0 =	vor.u32 v48, v0;
	v14 =	vand.u32 $0x7F, v61;
	v2 =	vld.idx.msk [tilespmem:v58+s22+$0x0], $0xffff  }
0x111: {  	v47 =	vor.u32 v24, v14;
	v62 =	vld.idx.msk [tilespmem:v59+s22+$0x0], $0xffff  }
0x112: {  	v15 =	vor.u32 v26, v14;
	v4 =	vld.idx.msk [tilespmem:v60+s22+$0x0], $0xffff  }
0x113: {  	v16 =	vor.u32 v9, v14;
	v17 =	vld.idx.msk [tilespmem:v10+s22+$0x0], $0xffff  }
0x114: {  	v18 =	vor.u32 v5, v14;
	v19 =	vld.idx.msk [tilespmem:v11+s22+$0x0], $0xffff  }
0x115: {  	s8 =	simm.s32 $0x0;
	v13 =	vor.u32 v8, v14;
	v35 =	vld.idx.msk [tilespmem:v0+s22+$0x0], $0xffff  }
0x116: {  	v21 =	vadd.s32 s8, v63;
	v11 =	vor.u32 v48, v14;
	v10 =	vld.idx.msk [tilespmem:v47+s25+$0x0], $0xffff  }
0x117: {  	v27 =	vor.u32 v54, v14;
	v20 =	vld.idx.msk [tilespmem:v15+s22+$0x0], $0xffff;
	v15 =	vand.u32 $0x7F, v21  }
0x118: {  	v16 =	vld.idx.msk [tilespmem:v16+s22+$0x0], $0xffff;
	v22 =	vor.u32 v24, v15  }
0x119: {  	v18 =	vld.idx.msk [tilespmem:v18+s22+$0x0], $0xffff;
	v23 =	vor.u32 v8, v15  }
0x11a: {  	v50 =	vld.idx.msk [tilespmem:v13+s22+$0x0], $0xffff;
	v28 =	vor.u32 v26, v15  }
0x11b: {  	v46 =	vimm.f32 $0.0e+00;
	v38 =	vimm.f32 $0.0e+00;
	s12 =	simm.s32 $0x3;
	v21 =	vld.idx.msk [tilespmem:v11+s22+$0x0], $0xffff;
	v11 =	vor.u32 v9, v15  }
0x11c: {  	v29 =	vimm.f32 $0.0e+00;
	v13 =	vadd.s32 s12, v63;
	v27 =	vld.idx.msk [tilespmem:v27+s22+$0x0], $0xffff;
	v52 =	vor.u32 v53, v15  }
0x11d: {  	[tilespmem:$0x1FF30] =	vst v24;
	v30 =	vand.u32 $0x7F, v13;
	v33 =	vor.u32 v7, v15;
	v36 =	vor.u32 v48, v15;
	v13 =	vld.idx.msk [tilespmem:v22+s25+$0x0], $0xffff  }
0x11e: {  	v51 =	vor.u32 v24, v30;
	v24 =	vor.u32 v54, v15;
	v54 =	vor.u32 v5, v15;
	v55 =	vld.idx.msk [tilespmem:v23+s22+$0x0], $0xffff  }
0x11f: {  	v56 =	vor.u32 v7, v30;
	v37 =	vor.u32 v26, v30;
	v41 =	vor.u32 v5, v30;
	v59 =	vld.idx.msk [tilespmem:v28+s22+$0x0], $0xffff  }
0x120: {  	v58 =	vor.u32 v48, v30;
	v47 =	vmul.f32 v62, v12;
	v42 =	vmul.f32 v4, v12;
	v57 =	vld.idx.msk [tilespmem:v11+s22+$0x0], $0xffff  }
0x121: {  	v60 =	vor.u32 v9, v30;
	v15 =	vmul.f32 v3, v12;
	v31 =	vmul.f32 v17, v12;
	v49 =	vld.idx.msk [tilespmem:v52+s22+$0x0], $0xffff  }
0x122: {  	v43 =	vor.u32 v8, v30;
	v40 =	vmul.f32 v2, v12;
	v32 =	vmul.f32 v16, v10;
	v34 =	vld.idx.msk [tilespmem:v33+s22+$0x0], $0xffff  }
0x123: {  	v45 =	vor.u32 v53, v30;
	v16 =	vmul.f32 v27, v10;
	v22 =	vmul.f32 v18, v10;
	v28 =	vld.idx.msk [tilespmem:v54+s22+$0x0], $0xffff  }
0x124: {  	v17 =	vimm.f32 $0.0e+00;
	v18 =	vmul.f32 v19, v12;
	v23 =	vmul.f32 v50, v10;
	v44 =	vld.idx.msk [tilespmem:v56+s22+$0x0], $0xffff  }
0x125: {  	v27 =	vimm.f32 $0.0e+00;
	v48 =	vld.idx.msk [tilespmem:v58+s22+$0x0], $0xffff;
	v61 =	vmul.f32 v55, v13;
	v62 =	vmul.f32 v57, v13  }
0x126: {  	v19 =	vmul.f32 v25, v12;
	v33 =	vimm.f32 $0.0e+00;
	v11 =	vld.idx.msk [tilespmem:v51+s25+$0x0], $0xffff;
	v51 =	vor.u32 v7, v14  }
0x127: {  	s6 =	simm.s32 $0x4;
	v50 =	vld.idx.msk [tilespmem:v60+s22+$0x0], $0xffff;
	v39 =	vmul.f32 v59, v13;
	v52 =	vadd.f32 v61, v29;
	v25 =	vadd.f32 v62, v29  }
.LBB2_7:
0x128: {  	_ = 	snop  }
0x129: {  	v9 =	vld [tilespmem:$0x1FFE0]  }
0x12a: {  	v2 =	vld.idx.msk [tilespmem:v41+s22+$0x0], $0xffff  }
0x12b: {  	v58 =	vld [tilespmem:$0x1FF90]  }
0x12c: {  	v61 =	vld [tilespmem:$0x1FF30]  }
0x12d: {  	v36 =	vld.idx.msk [tilespmem:v36+s22+$0x0], $0xffff  }
0x12e: {  	v7 =	vld [tilespmem:$0x1FFA0]  }
0x12f: {  	v8 =	vld [tilespmem:$0x1FFD0]  }
0x130: {  	v26 =	vld [tilespmem:$0x1FFF0]  }
0x131: {  	v62 =	vld [tilespmem:$0x1FF80]  }
0x132: {  	s7 =	smov.u32 s6;
	v45 =	vld.idx.msk [tilespmem:v45+s22+$0x0], $0xffff;
	v3 =	vadd.f32 v39, v29  }
0x133: {  	v0 =	vadd.f32 v40, v52;
	s8 =	sadd.s32 $0x1, s7;
	v40 =	vmul.f32 v21, v10;
	v21 =	vld.idx.msk [tilespmem:v24+s22+$0x0], $0xffff;
	v24 =	vadd.f32 v47, v25  }
0x134: {  	v6 =	vld [tilespmem:$0x1FFB0];
	v3 =	vadd.f32 v42, v3;
	v1 =	vor.u32 v9, v14;
	v14 =	vadd.s32 s8, v63  }
0x135: {  	v25 =	vmovc v22;
	v42 =	vld.idx.msk [tilespmem:v51+s22+$0x0], $0xffff;
	v5 =	vmul.f32 v48, v11;
	v29 =	vor.u32 v58, v30;
	v22 =	vand.u32 $0x7F, v14  }
0x136: {  	v4 =	vmul.f32 v35, v12;
	v12 =	vld.idx.msk [tilespmem:v43+s22+$0x0], $0xffff;
	v14 =	vor.u32 v61, v22  }
0x137: {  	v20 =	vmul.f32 v20, v10;
	s12 =	sadd.s32 $0x2, s7;
	v28 =	vmul.f32 v28, v13;
	[tilespmem:$0x1FF20] =	vst v5;
	v5 =	vld [tilespmem:$0x1FFC0];
	v53 =	vor.u32 v8, v22  }
0x138: {  	v57 =	vadd.s32 s12, v63;
	v24 =	vadd.f32 v32, v24;
	v35 =	vld.idx.msk [tilespmem:v37+s22+$0x0], $0xffff;
	v54 =	vor.u32 v26, v22  }
0x139: {  	v0 =	vadd.f32 v23, v0;
	v47 =	vmul.f32 v49, v13;
	v55 =	vor.u32 v62, v22;
	v1 =	vld.idx.msk [tilespmem:v1+s22+$0x0], $0xffff  }
0x13a: {  	v17 =	vadd.f32 v28, v17;
	v30 =	vmul.f32 v34, v13;
	v37 =	vor.u32 v7, v22;
	v23 =	vld.idx.msk [tilespmem:v29+s22+$0x0], $0xffff  }
0x13b: {  	v39 =	vmul.f32 v2, v11;
	v59 =	vor.u32 v58, v22;
	v60 =	vmul.f32 v12, v11;
	v12 =	vld.idx.msk [tilespmem:v14+s25+$0x0], $0xffff  }
0x13c: {  	v34 =	vmovc v31;
	v21 =	vmul.f32 v21, v13;
	v56 =	vor.u32 v5, v22;
	v51 =	vld.idx.msk [tilespmem:v53+s22+$0x0], $0xffff;
	v14 =	vand.u32 $0x7F, v57  }
0x13d: {  	v13 =	vmul.f32 v36, v13;
	v2 =	vadd.f32 v30, v46;
	v46 =	vld.idx.msk [tilespmem:v54+s22+$0x0], $0xffff;
	v30 =	vor.u32 v61, v14  }
0x13e: {  	v3 =	vadd.f32 v20, v3;
	v17 =	vadd.f32 v34, v17;
	v52 =	vld.idx.msk [tilespmem:v55+s22+$0x0], $0xffff;
	v32 =	vor.u32 v62, v14  }
0x13f: {  	v42 =	vmul.f32 v42, v10;
	v27 =	vadd.f32 v13, v27;
	v48 =	vld.idx.msk [tilespmem:v37+s22+$0x0], $0xffff;
	v41 =	vor.u32 v26, v14  }
0x140: {  	v29 =	vmul.f32 v50, v11;
	v0 =	vadd.f32 v60, v0;
	v50 =	vld.idx.msk [tilespmem:v59+s22+$0x0], $0xffff;
	v53 =	vor.u32 v5, v14  }
0x141: {  	v60 =	vor.u32 v6, v14;
	v1 =	vmul.f32 v1, v10;
	v10 =	vadd.s32 s7, v63;
	v49 =	vld.idx.msk [tilespmem:v56+s22+$0x0], $0xffff  }
0x142: {  	v2 =	vadd.f32 v18, v2;
	v54 =	vor.u32 v8, v14;
	v56 =	vand.u32 $0x7F, v10;
	v10 =	vld.idx.msk [tilespmem:v30+s25+$0x0], $0xffff  }
0x143: {  	v31 =	vor.u32 v9, v22;
	v33 =	vadd.f32 v21, v33;
	v22 =	vor.u32 v6, v22;
	v20 =	vld.idx.msk [tilespmem:v32+s22+$0x0], $0xffff  }
0x144: {  	v4 =	vadd.f32 v4, v27;
	v2 =	vadd.f32 v42, v2;
	v43 =	vor.u32 v58, v14;
	v32 =	vld.idx.msk [tilespmem:v41+s22+$0x0], $0xffff  }
0x145: {  	v44 =	vmul.f32 v44, v11;
	v55 =	vadd.f32 v29, v24;
	v29 =	vadd.f32 v47, v38;
	v41 =	vld.idx.msk [tilespmem:v53+s22+$0x0], $0xffff  }
0x146: {  	v38 =	vmul.f32 v45, v11;
	v4 =	vadd.f32 v40, v4;
	s7 =	sadd.s32 $0x3, s7;
	v45 =	vor.u32 v61, v56;
	v21 =	vld.idx.msk [tilespmem:v60+s22+$0x0], $0xffff  }
0x147: {  	v13 =	vadd.s32 s7, v63;
	v47 =	vor.u32 v26, v56;
	v18 =	vor.u32 v8, v56;
	v54 =	vld.idx.msk [tilespmem:v54+s22+$0x0], $0xffff  }
0x148: {  	v57 =	vor.u32 v62, v56;
	v24 =	vor.u32 v58, v56;
	v30 =	vmul.f32 v35, v11;
	v35 =	vld.idx.msk [tilespmem:v22+s22+$0x0], $0xffff  }
0x149: {  	v58 =	vor.u32 v7, v56;
	v59 =	vor.u32 v9, v56;
	v53 =	vadd.f32 v15, v29;
	v27 =	vld.idx.msk [tilespmem:v43+s22+$0x0], $0xffff  }
0x14a: {  	v29 =	vadd.f32 v30, v3;
	v3 =	vmul.f32 v23, v11;
	v11 =	vld.idx.msk [tilespmem:v31+s22+$0x0], $0xffff;
	v30 =	vand.u32 $0x7F, v13  }
0x14b: {  	v15 =	vadd.f32 v19, v33;
	v37 =	vor.u32 v62, v30;
	v62 =	vor.u32 v6, v30;
	v13 =	vld.idx.msk [tilespmem:v45+s25+$0x0], $0xffff  }
0x14c: {  	v36 =	vor.u32 v6, v56;
	v42 =	vmul.f32 v52, v12;
	v40 =	vmul.f32 v51, v12;
	v19 =	vld.idx.msk [tilespmem:v18+s22+$0x0], $0xffff  }
0x14d: {  	v51 =	vor.u32 v7, v14;
	v60 =	vor.u32 v5, v56;
	v16 =	vadd.f32 v16, v15;
	v56 =	vld.idx.msk [tilespmem:v47+s22+$0x0], $0xffff  }
0x14e: {  	v1 =	vadd.f32 v1, v53;
	v23 =	vor.u32 v61, v30;
	v61 =	vor.u32 v7, v30;
	v57 =	vld.idx.msk [tilespmem:v57+s22+$0x0], $0xffff  }
0x14f: {  	v43 =	vor.u32 v8, v30;
	v31 =	vmul.f32 v49, v12;
	v6 =	vor.u32 v26, v30;
	v49 =	vld.idx.msk [tilespmem:v59+s22+$0x0], $0xffff  }
0x150: {  	v47 =	vmul.f32 v46, v12;
	v18 =	vmul.f32 v48, v12;
	v33 =	vadd.f32 v3, v16;
	v48 =	vld.idx.msk [tilespmem:v62+s22+$0x0], $0xffff  }
0x151: {  	p1 =	slt.u32 s6, $0x7C;
	v45 =	vor.u32 v9, v30;
	v46 =	vadd.f32 v44, v2;
	v22 =	vmul.f32 v41, v10;
	v62 =	vld [tilespmem:$0x1FF20]  }
.Ltmp2:
0x152: {  	v38 =	vadd.f32 v38, v1;
	v32 =	vmul.f32 v32, v10;
	v28 =	vld.idx.msk [tilespmem:v60+s22+$0x0], $0xffff;
	v16 =	vmul.f32 v27, v10;
	(pc) =	sbr.rel @p1 .LBB2_7-.Ltmp2, $4  }
0x153: {  	v15 =	vmul.f32 v11, v12;
	v44 =	vld.idx.msk [tilespmem:v61+s22+$0x0], $0xffff;
	v61 =	vadd.f32 v25, v17;
	v60 =	vmul.f32 v19, v13  }
0x154: {  	v41 =	vor.u32 v5, v30;
	v11 =	vld.idx.msk [tilespmem:v23+s25+$0x0], $0xffff;
	v23 =	vmul.f32 v54, v10;
	v25 =	vmul.f32 v56, v13  }
0x155: {  	v34 =	vld.idx.msk [tilespmem:v58+s22+$0x0], $0xffff;
	v19 =	vmul.f32 v50, v12;
	v17 =	vadd.f32 v39, v61;
	v52 =	vadd.f32 v60, v0  }
0x156: {  	s6 =	sadd.s32 $0x4, s6;
	v50 =	vld.idx.msk [tilespmem:v6+s22+$0x0], $0xffff;
	v39 =	vmul.f32 v57, v13;
	v25 =	vadd.f32 v25, v55;
	v27 =	vadd.f32 v62, v4  }
0x157: {  	_ = 	snop  }
0x158: {  	v53 =	vld [tilespmem:$0x1FFE0]  }
0x159: {  	v54 =	vld [tilespmem:$0x1FF90];
	_ =	sdelay $0x1  }
0x15a: {  	v0 =	vld.idx.msk [tilespmem:v24+s22+$0x0], $0xffff;
	v2 =	vmul.f32 v28, v13;
	_ =	sdelay $0x1  }
0x15b: {  	v4 =	vld.idx.msk [tilespmem:v36+s22+$0x0], $0xffff;
	v2 =	vadd.f32 v2, v17;
	v1 =	vor.u32 v53, v14  }
0x15c: {  	v9 =	vadd.f32 v40, v52;
	v24 =	vld.idx.msk [tilespmem:v51+s22+$0x0], $0xffff;
	v20 =	vmul.f32 v20, v10;
	v3 =	vor.u32 v54, v30  }
0x15d: {  	v34 =	vmul.f32 v34, v13;
	v2 =	vadd.f32 v31, v2;
	v14 =	vadd.f32 v47, v25  }
0x15e: {  	v25 =	vadd.f32 v39, v29;
	v0 =	vmul.f32 v0, v13;
	v29 =	vmul.f32 v50, v11  }
0x15f: {  	v28 =	vld.idx.msk [tilespmem:v37+s22+$0x0], $0xffff;
	v30 =	vmul.f32 v49, v13;
	v51 =	vadd.f32 v34, v46;
	v14 =	vadd.f32 v32, v14  }
0x160: {  	v4 =	vmul.f32 v4, v13;
	v25 =	vadd.f32 v42, v25;
	v0 =	vadd.f32 v0, v33;
	v1 =	vld.idx.msk [tilespmem:v1+s22+$0x0], $0xffff  }
0x161: {  	v13 =	vmul.f32 v24, v10;
	v24 =	vadd.f32 v30, v38;
	v18 =	vadd.f32 v18, v51;
	v3 =	vld.idx.msk [tilespmem:v3+s22+$0x0], $0xffff  }
0x162: {  	v12 =	vmul.f32 v35, v12;
	v4 =	vadd.f32 v4, v27;
	v0 =	vadd.f32 v19, v0  }
0x163: {  	v21 =	vmul.f32 v21, v10;
	v14 =	vadd.f32 v29, v14;
	v20 =	vadd.f32 v20, v25;
	v25 =	vld.idx.msk [tilespmem:v45+s22+$0x0], $0xffff  }
0x164: {  	v19 =	vld.idx.msk [tilespmem:v41+s22+$0x0], $0xffff;
	v13 =	vadd.f32 v13, v18;
	v0 =	vadd.f32 v16, v0;
	v16 =	vmul.f32 v44, v11  }
0x165: {  	v28 =	vmul.f32 v28, v11;
	v15 =	vadd.f32 v15, v24;
	v18 =	vld.idx.msk [tilespmem:v43+s22+$0x0], $0xffff;
	v4 =	vadd.f32 v12, v4  }
0x166: {  	s5 =	sand.u32 $0x3FFFFF80, s5;
	v13 =	vadd.f32 v16, v13;
	v1 =	vmul.f32 v1, v10;
	v3 =	vmul.f32 v3, v11  }
0x167: {  	v52 =	vmul.f32 v48, v11;
	[tilespmem:s5+$0x1B080] =	vst v14;
	v4 =	vadd.f32 v21, v4;
	v10 =	vadd.f32 v28, v20  }
0x168: {  	v12 =	vmul.f32 v25, v11;
	[tilespmem:s5+$0x1B0B0] =	vst v13;
	v1 =	vadd.f32 v1, v15;
	v0 =	vadd.f32 v3, v0  }
0x169: {  	v2 =	vadd.f32 v22, v2;
	[tilespmem:s5+$0x1B090] =	vst v10;
	v10 =	vmul.f32 v19, v11;
	v3 =	vadd.f32 v52, v4  }
0x16a: {  	v9 =	vadd.f32 v23, v9;
	v55 =	vmul.f32 v18, v11;
	v1 =	vadd.f32 v12, v1;
	[tilespmem:s5+$0x1B0A0] =	vst v0  }
0x16b: {  	v2 =	vadd.f32 v10, v2;
	[tilespmem:s5+$0x1B0D0] =	vst v3  }
0x16c: {  	v0 =	vadd.f32 v55, v9;
	[tilespmem:s5+$0x1B0C0] =	vst v1  }
0x16d: {  	[tilespmem:s5+$0x1B0E0] =	vst v2  }
0x16e: {  	[tilespmem:s5+$0x1B0F0] =	vst v0  }
0x16f: {  	_ =	swait.ge [sflag:s17], $0xA00  }
0x170: {  	[sflag:s17] =	ssyncset.done $0x0  }
0x171: {  	s7 =	simm.s32 $0x1;
	[sflag:s17] =	ssyncadd.s32 $0xFFFFF600  }
0x172: {  	v56 =	vadd.s32 s7, v63;
	_ =	swait.ge [sflag:s19], $0x3200  }
0x173: {  	v24 =	vmov s24;
	v0 =	vand.u32 $0x7F, v56;
	v8 =	vld [tilespmem:$0x1FFD0]  }
0x174: {  	s6 =	simm.s32 @!p0 $0x14;
	s8 =	simm.s32 $0x2;
	v57 =	vor.u32 v24, v0;
	[sflag:s19] =	ssyncset.done $0x0;
	v9 =	vld [tilespmem:$0x1FFF0]  }
0x175: {  	s7 =	simm.s32 @!p0 $0x13880;
	v61 =	vadd.s32 s8, v63;
	s5 =	sadd.s32 @!p0 $0x380, s20;
	v13 =	vor.u32 v54, v0;
	v26 =	vld [tilespmem:$0x1FF80];
	[sflag:s19] =	ssyncadd.s32 $0xFFFFCE00  }
0x176: {  	v14 =	vand.u32 $0x7F, v61;
	v49 =	vor.u32 v53, v0;
	v5 =	vld [tilespmem:$0x1FFC0];
	[tilespmem:s7], [sflag:$0x4] =	stream.indirect.gather @!p0 [hbm4b:s2+s6], $0x80, s5, s6, $0xb8  }
0x177: {  	v27 =	vor.u32 v54, v14;
	v7 =	vld [tilespmem:$0x1FFA0];
	s5 =	sadd.s32 @!p0 $0x4380, s20;
	s6 =	simm.s32 @!p0 $0x64;
	s7 =	simm.s32 @!p0 $0x14280  }
0x178: {  	v6 =	vld [tilespmem:$0x1FFB0];
	[tilespmem:s7], [sflag:$0x8] =	stream.indirect.gather @!p0 [hbm4b:s2+s6], $0x80, s5, s6, $0xb8;
	v58 =	vor.u32 v8, v0  }
0x179: {  	v59 =	vor.u32 v9, v0;
	v12 =	vld.idx.msk [tilespmem:v57+s25+$0x0], $0xffff  }
0x17a: {  	v60 =	vor.u32 v26, v0;
	v25 =	vld.idx.msk [tilespmem:v13+s30+$0x0], $0xffff  }
0x17b: {  	v10 =	vor.u32 v5, v0;
	v3 =	vld.idx.msk [tilespmem:v49+s30+$0x0], $0xffff  }
0x17c: {  	v11 =	vor.u32 v7, v0;
	v27 =	vld.idx.msk [tilespmem:v27+s30+$0x0], $0xffff  }
0x17d: {  	v48 =	vor.u32 v24, v14;
	v2 =	vld.idx.msk [tilespmem:v58+s30+$0x0], $0xffff  }
0x17e: {  	v15 =	vor.u32 v26, v14;
	v62 =	vld.idx.msk [tilespmem:v59+s30+$0x0], $0xffff  }
0x17f: {  	v16 =	vor.u32 v9, v14;
	v4 =	vld.idx.msk [tilespmem:v60+s30+$0x0], $0xffff  }
0x180: {  	v18 =	vor.u32 v5, v14;
	v17 =	vld.idx.msk [tilespmem:v10+s30+$0x0], $0xffff  }
0x181: {  	s12 =	simm.s32 $0x0;
	v13 =	vor.u32 v8, v14;
	v19 =	vld.idx.msk [tilespmem:v11+s30+$0x0], $0xffff  }
0x182: {  	v21 =	vadd.s32 s12, v63;
	v11 =	vor.u32 v6, v14;
	v10 =	vld.idx.msk [tilespmem:v48+s25+$0x0], $0xffff  }
0x183: {  	v0 =	vor.u32 v6, v0;
	v20 =	vld.idx.msk [tilespmem:v15+s30+$0x0], $0xffff;
	v15 =	vand.u32 $0x7F, v21  }
0x184: {  	v16 =	vld.idx.msk [tilespmem:v16+s30+$0x0], $0xffff;
	v22 =	vor.u32 v24, v15  }
0x185: {  	v18 =	vld.idx.msk [tilespmem:v18+s30+$0x0], $0xffff;
	v23 =	vor.u32 v8, v15  }
0x186: {  	v50 =	vld.idx.msk [tilespmem:v13+s30+$0x0], $0xffff;
	v28 =	vor.u32 v26, v15  }
0x187: {  	v46 =	vimm.f32 $0.0e+00;
	v38 =	vimm.f32 $0.0e+00;
	s20 =	simm.s32 $0x3;
	v21 =	vld.idx.msk [tilespmem:v11+s30+$0x0], $0xffff;
	v11 =	vor.u32 v9, v15  }
0x188: {  	v29 =	vimm.f32 $0.0e+00;
	v13 =	vadd.s32 s20, v63;
	v35 =	vld.idx.msk [tilespmem:v0+s30+$0x0], $0xffff;
	v52 =	vor.u32 v53, v15  }
0x189: {  	[tilespmem:$0x1FF10] =	vst v24;
	v30 =	vand.u32 $0x7F, v13;
	v33 =	vor.u32 v7, v15;
	v36 =	vor.u32 v6, v15;
	v13 =	vld.idx.msk [tilespmem:v22+s25+$0x0], $0xffff  }
0x18a: {  	v51 =	vor.u32 v24, v30;
	v24 =	vor.u32 v54, v15;
	v54 =	vor.u32 v5, v15;
	v55 =	vld.idx.msk [tilespmem:v23+s30+$0x0], $0xffff  }
0x18b: {  	v56 =	vor.u32 v7, v30;
	v37 =	vor.u32 v26, v30;
	v41 =	vor.u32 v5, v30;
	v59 =	vld.idx.msk [tilespmem:v28+s30+$0x0], $0xffff  }
0x18c: {  	v58 =	vor.u32 v6, v30;
	v32 =	vmul.f32 v16, v10;
	v47 =	vmul.f32 v62, v12;
	v57 =	vld.idx.msk [tilespmem:v11+s30+$0x0], $0xffff  }
0x18d: {  	v60 =	vor.u32 v9, v30;
	v42 =	vmul.f32 v4, v12;
	v15 =	vmul.f32 v3, v12;
	v49 =	vld.idx.msk [tilespmem:v52+s30+$0x0], $0xffff  }
0x18e: {  	v43 =	vor.u32 v8, v30;
	v31 =	vmul.f32 v17, v12;
	v40 =	vmul.f32 v2, v12;
	v34 =	vld.idx.msk [tilespmem:v33+s30+$0x0], $0xffff  }
0x18f: {  	v45 =	vor.u32 v53, v30;
	v16 =	vmul.f32 v27, v10;
	v22 =	vmul.f32 v18, v10;
	v28 =	vld.idx.msk [tilespmem:v54+s30+$0x0], $0xffff  }
0x190: {  	v27 =	vimm.f32 $0.0e+00;
	v18 =	vmul.f32 v19, v12;
	v23 =	vmul.f32 v50, v10;
	v44 =	vld.idx.msk [tilespmem:v56+s30+$0x0], $0xffff  }
0x191: {  	v17 =	vimm.f32 $0.0e+00;
	v48 =	vld.idx.msk [tilespmem:v58+s30+$0x0], $0xffff;
	v61 =	vmul.f32 v55, v13;
	v62 =	vmul.f32 v57, v13  }
0x192: {  	v19 =	vmul.f32 v25, v12;
	v33 =	vimm.f32 $0.0e+00;
	v11 =	vld.idx.msk [tilespmem:v51+s25+$0x0], $0xffff;
	v51 =	vor.u32 v7, v14  }
0x193: {  	s5 =	simm.s32 $0x4;
	v50 =	vld.idx.msk [tilespmem:v60+s30+$0x0], $0xffff;
	v39 =	vmul.f32 v59, v13;
	v52 =	vadd.f32 v61, v29;
	v25 =	vadd.f32 v62, v29  }
.LBB2_9:
0x194: {  	_ = 	snop  }
0x195: {  	v9 =	vld [tilespmem:$0x1FFE0]  }
0x196: {  	v2 =	vld.idx.msk [tilespmem:v41+s30+$0x0], $0xffff  }
0x197: {  	v58 =	vld [tilespmem:$0x1FF90]  }
0x198: {  	v61 =	vld [tilespmem:$0x1FF10]  }
0x199: {  	v36 =	vld.idx.msk [tilespmem:v36+s30+$0x0], $0xffff  }
0x19a: {  	v7 =	vld [tilespmem:$0x1FFA0]  }
0x19b: {  	v8 =	vld [tilespmem:$0x1FFD0]  }
0x19c: {  	v26 =	vld [tilespmem:$0x1FFF0]  }
0x19d: {  	v62 =	vld [tilespmem:$0x1FF80]  }
0x19e: {  	s6 =	smov.u32 s5;
	v45 =	vld.idx.msk [tilespmem:v45+s30+$0x0], $0xffff;
	v3 =	vadd.f32 v39, v29  }
0x19f: {  	v0 =	vadd.f32 v40, v52;
	s7 =	sadd.s32 $0x1, s6;
	v40 =	vmul.f32 v21, v10;
	v21 =	vld.idx.msk [tilespmem:v24+s30+$0x0], $0xffff;
	v24 =	vadd.f32 v47, v25  }
0x1a0: {  	v6 =	vld [tilespmem:$0x1FFB0];
	v3 =	vadd.f32 v42, v3;
	v1 =	vor.u32 v9, v14;
	v14 =	vadd.s32 s7, v63  }
0x1a1: {  	v25 =	vmovc v22;
	v42 =	vld.idx.msk [tilespmem:v51+s30+$0x0], $0xffff;
	v5 =	vmul.f32 v48, v11;
	v29 =	vor.u32 v58, v30;
	v22 =	vand.u32 $0x7F, v14  }
0x1a2: {  	v4 =	vmul.f32 v35, v12;
	v12 =	vld.idx.msk [tilespmem:v43+s30+$0x0], $0xffff;
	v14 =	vor.u32 v61, v22  }
0x1a3: {  	v20 =	vmul.f32 v20, v10;
	s20 =	sadd.s32 $0x2, s6;
	v28 =	vmul.f32 v28, v13;
	[tilespmem:$0x1FF00] =	vst v5;
	v5 =	vld [tilespmem:$0x1FFC0];
	v53 =	vor.u32 v8, v22  }
0x1a4: {  	v57 =	vadd.s32 s20, v63;
	v24 =	vadd.f32 v32, v24;
	v35 =	vld.idx.msk [tilespmem:v37+s30+$0x0], $0xffff;
	v54 =	vor.u32 v26, v22  }
0x1a5: {  	v0 =	vadd.f32 v23, v0;
	v47 =	vmul.f32 v49, v13;
	v55 =	vor.u32 v62, v22;
	v1 =	vld.idx.msk [tilespmem:v1+s30+$0x0], $0xffff  }
0x1a6: {  	v17 =	vadd.f32 v28, v17;
	v30 =	vmul.f32 v34, v13;
	v37 =	vor.u32 v7, v22;
	v23 =	vld.idx.msk [tilespmem:v29+s30+$0x0], $0xffff  }
0x1a7: {  	v39 =	vmul.f32 v2, v11;
	v59 =	vor.u32 v58, v22;
	v60 =	vmul.f32 v12, v11;
	v12 =	vld.idx.msk [tilespmem:v14+s25+$0x0], $0xffff  }
0x1a8: {  	v34 =	vmovc v31;
	v21 =	vmul.f32 v21, v13;
	v56 =	vor.u32 v5, v22;
	v51 =	vld.idx.msk [tilespmem:v53+s30+$0x0], $0xffff;
	v14 =	vand.u32 $0x7F, v57  }
0x1a9: {  	v13 =	vmul.f32 v36, v13;
	v2 =	vadd.f32 v30, v46;
	v46 =	vld.idx.msk [tilespmem:v54+s30+$0x0], $0xffff;
	v30 =	vor.u32 v61, v14  }
0x1aa: {  	v3 =	vadd.f32 v20, v3;
	v17 =	vadd.f32 v34, v17;
	v52 =	vld.idx.msk [tilespmem:v55+s30+$0x0], $0xffff;
	v32 =	vor.u32 v62, v14  }
0x1ab: {  	v42 =	vmul.f32 v42, v10;
	v27 =	vadd.f32 v13, v27;
	v48 =	vld.idx.msk [tilespmem:v37+s30+$0x0], $0xffff;
	v41 =	vor.u32 v26, v14  }
0x1ac: {  	v29 =	vmul.f32 v50, v11;
	v0 =	vadd.f32 v60, v0;
	v50 =	vld.idx.msk [tilespmem:v59+s30+$0x0], $0xffff;
	v53 =	vor.u32 v5, v14  }
0x1ad: {  	v60 =	vor.u32 v6, v14;
	v1 =	vmul.f32 v1, v10;
	v10 =	vadd.s32 s6, v63;
	v49 =	vld.idx.msk [tilespmem:v56+s30+$0x0], $0xffff  }
0x1ae: {  	v2 =	vadd.f32 v18, v2;
	v54 =	vor.u32 v8, v14;
	v56 =	vand.u32 $0x7F, v10;
	v10 =	vld.idx.msk [tilespmem:v30+s25+$0x0], $0xffff  }
0x1af: {  	v31 =	vor.u32 v9, v22;
	v33 =	vadd.f32 v21, v33;
	v22 =	vor.u32 v6, v22;
	v20 =	vld.idx.msk [tilespmem:v32+s30+$0x0], $0xffff  }
0x1b0: {  	v4 =	vadd.f32 v4, v27;
	v2 =	vadd.f32 v42, v2;
	v43 =	vor.u32 v58, v14;
	v32 =	vld.idx.msk [tilespmem:v41+s30+$0x0], $0xffff  }
0x1b1: {  	v44 =	vmul.f32 v44, v11;
	v55 =	vadd.f32 v29, v24;
	v29 =	vadd.f32 v47, v38;
	v41 =	vld.idx.msk [tilespmem:v53+s30+$0x0], $0xffff  }
0x1b2: {  	v38 =	vmul.f32 v45, v11;
	v4 =	vadd.f32 v40, v4;
	s6 =	sadd.s32 $0x3, s6;
	v45 =	vor.u32 v61, v56;
	v21 =	vld.idx.msk [tilespmem:v60+s30+$0x0], $0xffff  }
0x1b3: {  	v13 =	vadd.s32 s6, v63;
	v47 =	vor.u32 v26, v56;
	v18 =	vor.u32 v8, v56;
	v54 =	vld.idx.msk [tilespmem:v54+s30+$0x0], $0xffff  }
0x1b4: {  	v57 =	vor.u32 v62, v56;
	v24 =	vor.u32 v58, v56;
	v30 =	vmul.f32 v35, v11;
	v35 =	vld.idx.msk [tilespmem:v22+s30+$0x0], $0xffff  }
0x1b5: {  	v58 =	vor.u32 v7, v56;
	v59 =	vor.u32 v9, v56;
	v53 =	vadd.f32 v15, v29;
	v27 =	vld.idx.msk [tilespmem:v43+s30+$0x0], $0xffff  }
0x1b6: {  	v29 =	vadd.f32 v30, v3;
	v3 =	vmul.f32 v23, v11;
	v11 =	vld.idx.msk [tilespmem:v31+s30+$0x0], $0xffff;
	v30 =	vand.u32 $0x7F, v13  }
0x1b7: {  	v15 =	vadd.f32 v19, v33;
	v37 =	vor.u32 v62, v30;
	v62 =	vor.u32 v6, v30;
	v13 =	vld.idx.msk [tilespmem:v45+s25+$0x0], $0xffff  }
0x1b8: {  	v36 =	vor.u32 v6, v56;
	v42 =	vmul.f32 v52, v12;
	v40 =	vmul.f32 v51, v12;
	v19 =	vld.idx.msk [tilespmem:v18+s30+$0x0], $0xffff  }
0x1b9: {  	v51 =	vor.u32 v7, v14;
	v60 =	vor.u32 v5, v56;
	v16 =	vadd.f32 v16, v15;
	v56 =	vld.idx.msk [tilespmem:v47+s30+$0x0], $0xffff  }
0x1ba: {  	v1 =	vadd.f32 v1, v53;
	v23 =	vor.u32 v61, v30;
	v61 =	vor.u32 v7, v30;
	v57 =	vld.idx.msk [tilespmem:v57+s30+$0x0], $0xffff  }
0x1bb: {  	v43 =	vor.u32 v8, v30;
	v31 =	vmul.f32 v49, v12;
	v6 =	vor.u32 v26, v30;
	v49 =	vld.idx.msk [tilespmem:v59+s30+$0x0], $0xffff  }
0x1bc: {  	v47 =	vmul.f32 v46, v12;
	v18 =	vmul.f32 v48, v12;
	v33 =	vadd.f32 v3, v16;
	v48 =	vld.idx.msk [tilespmem:v62+s30+$0x0], $0xffff  }
0x1bd: {  	p0 =	slt.u32 s5, $0x7C;
	v45 =	vor.u32 v9, v30;
	v46 =	vadd.f32 v44, v2;
	v22 =	vmul.f32 v41, v10;
	v62 =	vld [tilespmem:$0x1FF00]  }
.Ltmp3:
0x1be: {  	v38 =	vadd.f32 v38, v1;
	v32 =	vmul.f32 v32, v10;
	v28 =	vld.idx.msk [tilespmem:v60+s30+$0x0], $0xffff;
	v16 =	vmul.f32 v27, v10;
	(pc) =	sbr.rel @p0 .LBB2_9-.Ltmp3, $4  }
0x1bf: {  	v15 =	vmul.f32 v11, v12;
	v44 =	vld.idx.msk [tilespmem:v61+s30+$0x0], $0xffff;
	v61 =	vadd.f32 v25, v17;
	v60 =	vmul.f32 v19, v13  }
0x1c0: {  	v41 =	vor.u32 v5, v30;
	v11 =	vld.idx.msk [tilespmem:v23+s25+$0x0], $0xffff;
	v23 =	vmul.f32 v54, v10;
	v25 =	vmul.f32 v56, v13  }
0x1c1: {  	v34 =	vld.idx.msk [tilespmem:v58+s30+$0x0], $0xffff;
	v19 =	vmul.f32 v50, v12;
	v17 =	vadd.f32 v39, v61;
	v52 =	vadd.f32 v60, v0  }
0x1c2: {  	s5 =	sadd.s32 $0x4, s5;
	v50 =	vld.idx.msk [tilespmem:v6+s30+$0x0], $0xffff;
	v39 =	vmul.f32 v57, v13;
	v25 =	vadd.f32 v25, v55;
	v27 =	vadd.f32 v62, v4  }
0x1c3: {  	v5 =	vld [tilespmem:$0x1FFE0]  }
0x1c4: {  	v3 =	vld [tilespmem:$0x1FF90];
	_ =	sdelay $0x2  }
0x1c5: {  	v0 =	vld.idx.msk [tilespmem:v24+s30+$0x0], $0xffff  }
0x1c6: {  	v2 =	vmul.f32 v28, v13;
	v4 =	vld.idx.msk [tilespmem:v36+s30+$0x0], $0xffff;
	v53 =	vmul.f32 v49, v13;
	v1 =	vor.u32 v5, v14  }
0x1c7: {  	v9 =	vadd.f32 v40, v52;
	v40 =	vld.idx.msk [tilespmem:v51+s30+$0x0], $0xffff;
	v36 =	vadd.f32 v47, v25;
	v3 =	vor.u32 v3, v30  }
0x1c8: {  	v12 =	vmul.f32 v35, v12;
	v51 =	vld.idx.msk [tilespmem:v37+s30+$0x0], $0xffff;
	v47 =	vadd.f32 v39, v29;
	v55 =	vadd.f32 v53, v38  }
0x1c9: {  	v20 =	vmul.f32 v20, v10;
	v57 =	vld.idx.msk [tilespmem:v41+s30+$0x0], $0xffff;
	v2 =	vadd.f32 v2, v17;
	v26 =	vmul.f32 v34, v13  }
0x1ca: {  	v25 =	vadd.f32 v42, v47;
	v52 =	vmul.f32 v50, v11;
	v15 =	vadd.f32 v15, v55  }
0x1cb: {  	v2 =	vadd.f32 v31, v2;
	v14 =	vadd.f32 v32, v36;
	v0 =	vmul.f32 v0, v13;
	v1 =	vld.idx.msk [tilespmem:v1+s30+$0x0], $0xffff  }
0x1cc: {  	v26 =	vadd.f32 v26, v46;
	v4 =	vmul.f32 v4, v13;
	v20 =	vadd.f32 v20, v25;
	v3 =	vld.idx.msk [tilespmem:v3+s30+$0x0], $0xffff  }
0x1cd: {  	v28 =	vmul.f32 v51, v11;
	v2 =	vadd.f32 v22, v2;
	v0 =	vadd.f32 v0, v33  }
0x1ce: {  	v56 =	vld.idx.msk [tilespmem:v45+s30+$0x0], $0xffff;
	v62 =	vmul.f32 v57, v11;
	v14 =	vadd.f32 v52, v14;
	v18 =	vadd.f32 v18, v26  }
0x1cf: {  	v21 =	vmul.f32 v21, v10;
	v4 =	vadd.f32 v4, v27;
	v0 =	vadd.f32 v19, v0  }
0x1d0: {  	v59 =	vld.idx.msk [tilespmem:v43+s30+$0x0], $0xffff;
	v54 =	vmul.f32 v40, v10;
	v58 =	vadd.f32 v28, v20;
	v2 =	vadd.f32 v62, v2  }
0x1d1: {  	v0 =	vadd.f32 v16, v0;
	v1 =	vmul.f32 v1, v10;
	v3 =	vmul.f32 v3, v11  }
0x1d2: {  	v60 =	vmul.f32 v44, v11;
	v13 =	vadd.f32 v54, v18;
	v4 =	vadd.f32 v12, v4;
	[tilespmem:s24+$0x1B080] =	vst v14  }
0x1d3: {  	s23 =	sadd.s32 $0x1, s23;
	v61 =	vmul.f32 v56, v11;
	[tilespmem:s24+$0x1B090] =	vst v58;
	v1 =	vadd.f32 v1, v15;
	v0 =	vadd.f32 v3, v0  }
0x1d4: {  	p0 =	sne.s32 s23, $0x20;
	[tilespmem:s24+$0x1B0E0] =	vst v2;
	v4 =	vadd.f32 v21, v4;
	v13 =	vadd.f32 v60, v13;
	v3 =	vmul.f32 v48, v11  }
.Ltmp4:
0x1d5: {  	v9 =	vadd.f32 v23, v9;
	v1 =	vadd.f32 v61, v1;
	[tilespmem:s24+$0x1B0A0] =	vst v0;
	v0 =	vmul.f32 v59, v11;
	(pc) =	sbr.rel @p0 .LBB2_2-.Ltmp4, $4  }
0x1d6: {  	[tilespmem:s24+$0x1B0B0] =	vst v13;
	v3 =	vadd.f32 v3, v4  }
0x1d7: {  	v58 =	vld [tilespmem:$0x1FFF0];
	[tilespmem:s24+$0x1B0C0] =	vst v1;
	v0 =	vadd.f32 v0, v9  }
0x1d8: {  	[tilespmem:s24+$0x1B0D0] =	vst v3;
	v1 =	vld [tilespmem:$0x1FFD0]  }
0x1d9: {  	[tilespmem:s24+$0x1B0F0] =	vst v0;
	v0 =	vld [tilespmem:$0x1FFC0]  }
0x1da: {  	s21 =	sadd.s32 $0x1, s21  }
0x1db: {  	p0 =	sne.s32 s21, s9  }
.Ltmp5:
0x1dc: {  	s5 =	rddreg [dreg:$0x9];
	s6 =	simm.s32 $0x1B080;
	(pc) =	sbr.rel @p0 .LBB2_1-.Ltmp5, $4  }
0x1dd: {  	[hbm4b:s5+s4] =	stream.linear.scatter [tilespmem:s6], [sflag:$0xA], $0x4000, $0x38;
	[tilespmem:$0x1F080] =	vst v63  }
0x1de: {  	_ =	swait.ge [sflag:s11], $0x4000  }
0x1df: {  	[sflag:s11] =	ssyncset.done $0x0  }
0x1e0: {  	[sflag:s11] =	ssyncadd.s32 $0xFFFFC000  }
0x1e1: {  	_ =	sfence.sel $0x180000  }
0x1e2: {  	[bflag:$0x0] =	sbarrier.arrive $0xFFFF  }
0x1e3: {  	_ =	strace $0x90000047  }
0x1e4: {  	s0 =	stileid.u32;
	[bflag:$0x2] =	sbarrier.arrive $0xFFFF  }
0x1e5: {  	p0 =	sne.s32 s0, $0x0;
	s0 =	rddreg [dreg:$0x5]  }
0x1e6: {  	s0 =	sadd.s32 @!p0 $0x100000, s0  }
0x1e7: {  	[sflag:s0] =	ssyncadd.tile.s32 @!p0 $0x1;
	_ =	shalt  }
.Lfunc_end2:
_tile_overlayer_lowered:
.L_overlay_start_2:
0x1e8: {  	(tag) =	ssettag $0x2  }
0x1e9: {  	s0 =	rddreg [dreg:$0x0];
	s2 =	stileid.u32  }
0x1ea: {  	s1 =	rddreg [dreg:$0x1];
	p0 =	sne.s32 s2, $0x0  }
0x1eb: {  	s3 =	rddreg [dreg:$0x2];
	[bflag:$0x3] =	sbarrier.arrive $0xFFFF;
	s2 =	simm.s32 @!p0 $0x1C0A  }
0x1ec: {  	[timem:s3], [sflag:s2] =	dma.local @!p0 [hbm:s0], s1  }
0x1ed: {  	s0 =	simm.s32 @!p0 $0xA  }
0x1ee: {  	_ =	swait.ge @!p0 [sflag:s0], s1  }
0x1ef: {  	s1 =	ssub.s32 @!p0 $0x0, s1;
	[sflag:s0] =	ssyncset.done @!p0 $0x0  }
0x1f0: {  	[sflag:s0] =	ssyncadd.s32 @!p0 s1  }
0x1f1: {  	[bflag:$0x3] =	sbarrier.arrive $0xFFFF  }
0x1f2: {  	_ =	shalt  }

</sc_bundles>
